<compile_context>
chip_gen: v7x
topology: tpu7x:2x2x1
jax: 0.10.2.dev20260603
libtpu: 0.0.44.dev20260713+nightly
codegen_flags: <defaults>
</compile_context>

<pallas_src>
import functools

import jax
import jax.numpy as jnp
from jax import lax
from jax.experimental import pallas as pl
from jax.experimental.pallas import tpu as pltpu
from jax.experimental.pallas import tpu_sc as plsc

D = 1024
H = 3072
NE = 8
K = 2
T = 2048
NA = T * K
RB = 256
NB = NA // RB
S_MAX = NB + NE - 1
HC = 2
HCK = H // HC
NC, NS = 2, 16
NW = NC * NS
TPW = T // NW
CH = 32
RCH = 128


def _router_compute(x_ref, wr_ref, br_ref, dest_ref, gates_ref, counts_ref,
                    loss_ref):
    x = x_ref[...]
    wr = wr_ref[...]
    logits = lax.dot_general(x, wr, (((1,), (1,)), ((), ())),
                             preferred_element_type=jnp.float32)
    logits = logits + br_ref[...]
    m = jnp.max(logits, axis=1, keepdims=True)
    ex = jnp.exp(logits - m)
    probs = ex / jnp.sum(ex, axis=1, keepdims=True)

    iota_e = lax.broadcasted_iota(jnp.int32, (T, NE), 1)
    m1 = jnp.max(probs, axis=1, keepdims=True)
    i1 = jnp.min(jnp.where(probs == m1, iota_e, NE), axis=1, keepdims=True)
    oh0 = (iota_e == i1)
    probs_x = jnp.where(oh0, -1.0, probs)
    m2 = jnp.max(probs_x, axis=1, keepdims=True)
    i2 = jnp.min(jnp.where(probs_x == m2, iota_e, NE), axis=1, keepdims=True)
    oh1 = (iota_e == i2)
    oh0f = oh0.astype(jnp.float32)
    oh1f = oh1.astype(jnp.float32)

    counts = jnp.sum(oh0f, axis=0, keepdims=True) + jnp.sum(
        oh1f, axis=0, keepdims=True)
    incl = counts
    for sh in (1, 2, 4):
        incl = incl + jnp.concatenate(
            [jnp.zeros((1, sh), jnp.float32), incl[:, :NE - sh]], axis=1)
    offs = incl - counts

    rr = lax.broadcasted_iota(jnp.int32, (RCH, RCH), 0)
    rc = lax.broadcasted_iota(jnp.int32, (RCH, RCH), 1)
    lstrict = (rr > rc).astype(jnp.float32)
    carry = jnp.zeros((1, NE), jnp.float32)
    for blk in range(NA // RCH):
        if blk < T // RCH:
            oh = oh0f[blk * RCH:(blk + 1) * RCH]
        else:
            oh = oh1f[(blk - T // RCH) * RCH:(blk - T // RCH + 1) * RCH]
        intra = lax.dot_general(lstrict, oh, (((1,), (0,)), ((), ())),
                                preferred_element_type=jnp.float32)
        dest_blk = jnp.sum(oh * (intra + carry + offs), axis=1, keepdims=True)
        dest_ref[blk * RCH:(blk + 1) * RCH, :] = dest_blk.astype(jnp.int32)
        carry = carry + jnp.sum(oh, axis=0, keepdims=True)

    gates_ref[...] = jnp.concatenate([m1, m2], axis=1)
    counts_ref[...] = counts
    pm = jnp.mean(probs, axis=0, keepdims=True)
    tf = counts / jnp.sum(counts)
    loss_ref[...] = jnp.sum(pm * tf, axis=1, keepdims=True) * NE


def _router(x2d, wr, br2d):
    return pl.pallas_call(
        _router_compute,
        out_shape=[
            jax.ShapeDtypeStruct((NA, 1), jnp.int32),
            jax.ShapeDtypeStruct((T, K), jnp.float32),
            jax.ShapeDtypeStruct((1, NE), jnp.float32),
            jax.ShapeDtypeStruct((1, 1), jnp.float32),
        ],
    )(x2d, wr, br2d)


def _schedule(counts):
    c = counts[0].astype(jnp.int32)
    off = jnp.concatenate(
        [jnp.zeros((1,), jnp.int32), jnp.cumsum(c)])
    blk_lo = (jnp.arange(NB, dtype=jnp.int32) * RB)[:, None]
    ilo = jnp.maximum(blk_lo, off[:NE][None, :])
    ihi = jnp.minimum(blk_lo + RB, off[1:][None, :])
    valid = (ihi > ilo).ravel()
    pos = jnp.cumsum(valid.astype(jnp.int32)) - 1
    tgt = jnp.where(valid, pos, S_MAX)
    bvals = jnp.repeat(jnp.arange(NB, dtype=jnp.int32), NE)
    evals = jnp.tile(jnp.arange(NE, dtype=jnp.int32), NB)
    e_last = jnp.sum(off[:NE] < NA).astype(jnp.int32) - 1
    sb = jnp.full((S_MAX,), NB - 1, jnp.int32).at[tgt].set(bvals, mode="drop")
    se = jnp.full((S_MAX,), e_last, jnp.int32).at[tgt].set(evals, mode="drop")
    lo = jnp.full((S_MAX,), NA, jnp.int32).at[tgt].set(
        ilo.ravel().astype(jnp.int32), mode="drop")
    hi = jnp.full((S_MAX,), NA, jnp.int32).at[tgt].set(
        ihi.ravel().astype(jnp.int32), mode="drop")
    return jnp.stack([sb, se, lo, hi])


def _ffn_body(sched_ref, xs_ref, w1_ref, b1_ref, w2_ref, b2_ref, y_ref):
    s = pl.program_id(0)
    h = pl.program_id(1)
    b = sched_ref[0, s]
    lo = sched_ref[2, s]
    hi = sched_ref[3, s]
    rows = b * RB + lax.broadcasted_iota(jnp.int32, (RB, 1), 0)
    mask = (rows >= lo) & (rows < hi)

    xb = xs_ref[...].astype(jnp.bfloat16)
    w1 = w1_ref[0].astype(jnp.bfloat16)
    hpre = lax.dot_general(xb, w1, (((1,), (1,)), ((), ())),
                           preferred_element_type=jnp.float32)
    hpre = hpre + b1_ref[0, 0][None, :]
    hact = 0.5 * hpre * (1.0 + lax.erf(hpre * 0.7071067811865476))
    hb = hact.astype(jnp.bfloat16)
    w2 = w2_ref[0].astype(jnp.bfloat16)
    yc = lax.dot_general(hb, w2, (((1,), (1,)), ((), ())),
                         preferred_element_type=jnp.float32)

    @pl.when(h == 0)
    def _():
        y_ref[...] = jnp.where(mask, yc + b2_ref[0, 0][None, :], y_ref[...])

    @pl.when(h != 0)
    def _():
        y_ref[...] = y_ref[...] + jnp.where(mask, yc, 0.0)


def _ffn(sched, xs, w1, b1r, w2, b2r):
    grid_spec = pltpu.PrefetchScalarGridSpec(
        num_scalar_prefetch=1,
        grid=(S_MAX, HC),
        in_specs=[
            pl.BlockSpec((RB, D), lambda s, h, sref: (sref[0, s], 0)),
            pl.BlockSpec((1, HCK, D), lambda s, h, sref: (sref[1, s], h, 0)),
            pl.BlockSpec((1, 1, HCK), lambda s, h, sref: (sref[1, s], 0, h)),
            pl.BlockSpec((1, D, HCK), lambda s, h, sref: (sref[1, s], 0, h)),
            pl.BlockSpec((1, 1, D), lambda s, h, sref: (sref[1, s], 0, 0)),
        ],
        out_specs=pl.BlockSpec((RB, D), lambda s, h, sref: (sref[0, s], 0)),
    )
    return pl.pallas_call(
        _ffn_body,
        grid_spec=grid_spec,
        out_shape=jax.ShapeDtypeStruct((NA, D), jnp.float32),
        compiler_params=pltpu.CompilerParams(
            dimension_semantics=("arbitrary", "arbitrary")),
    )(sched, xs, w1, b1r, w2, b2r)


def _dispatch(x2d, destp64):
    mesh = plsc.VectorSubcoreMesh(core_axis_name="c", subcore_axis_name="s")

    @functools.partial(
        pl.kernel,
        out_type=jax.ShapeDtypeStruct((NA, D), jnp.float32),
        mesh=mesh,
        scratch_types=[
            pltpu.VMEM((TPW,), jnp.int32),
            pltpu.VMEM((TPW,), jnp.int32),
            pltpu.VMEM((TPW, D), jnp.float32),
            pltpu.SemaphoreType.DMA,
            pltpu.SemaphoreType.DMA,
        ],
    )
    def run(x_hbm, dp_hbm, xs_hbm, idx0_v, idx1_v, x_v, sem0, sem1):
        wid = lax.axis_index("s") * NC + lax.axis_index("c")
        base = wid * TPW
        pltpu.sync_copy(dp_hbm.at[wid, 0], idx0_v)
        pltpu.sync_copy(dp_hbm.at[wid, 1], idx1_v)
        pltpu.sync_copy(x_hbm.at[pl.ds(base, TPW)], x_v)
        c0 = pltpu.async_copy(x_v, xs_hbm.at[idx0_v], sem0)
        c1 = pltpu.async_copy(x_v, xs_hbm.at[idx1_v], sem1)
        c0.wait()
        c1.wait()

    return run(x2d, destp64)


def _combine(y, destp32, gp32):
    mesh = plsc.VectorSubcoreMesh(core_axis_name="c", subcore_axis_name="s")

    @functools.partial(
        pl.kernel,
        out_type=jax.ShapeDtypeStruct((T, D), jnp.float32),
        mesh=mesh,
        scratch_types=[
            pltpu.VMEM((K, TPW // CH, CH), jnp.int32),
            pltpu.VMEM((K, TPW, 16), jnp.float32),
            pltpu.VMEM((CH, D), jnp.float32),
            pltpu.VMEM((CH, D), jnp.float32),
            pltpu.SemaphoreType.DMA,
            pltpu.SemaphoreType.DMA,
        ],
    )
    def run(y_hbm, dp_hbm, gp_hbm, out_hbm, idx_v, g_v, r0, r1, sem0, sem1):
        wid = lax.axis_index("s") * NC + lax.axis_index("c")
        base = wid * TPW
        pltpu.sync_copy(dp_hbm.at[wid], idx_v)
        pltpu.sync_copy(gp_hbm.at[wid], g_v)
        for c in range(TPW // CH):
            ca = pltpu.async_copy(y_hbm.at[idx_v.at[0, c]], r0, sem0)
            cb = pltpu.async_copy(y_hbm.at[idx_v.at[1, c]], r1, sem1)
            ca.wait()
            cb.wait()

            def row_body(r, _):
                g0 = g_v[0, c * CH + r]
                g1 = g_v[1, c * CH + r]

                def col_body(j, _):
                    col = j * 16
                    a = r0[r, pl.ds(col, 16)]
                    bv = r1[r, pl.ds(col, 16)]
                    r0[r, pl.ds(col, 16)] = g0 * a + g1 * bv
                    return 0

                lax.fori_loop(0, D // 16, col_body, 0, unroll=4)
                return 0

            lax.fori_loop(0, CH, row_body, 0)
            pltpu.sync_copy(r0, out_hbm.at[pl.ds(base + c * CH, CH)])

    return run(y, destp32, gp32)


def kernel(x, Wr, br, W1, b1, W2, b2):
    x2d = x.reshape(T, D)
    dest_out, gates, counts, loss = _router(x2d, Wr, br.reshape(1, NE))
    dest = dest_out[:, 0]
    destp64 = dest.reshape(K, NW, TPW).transpose(1, 0, 2)
    destp32 = dest.reshape(K, NW, TPW // CH, CH).transpose(1, 0, 2, 3)
    gp32 = jnp.broadcast_to(
        gates.T.reshape(K, NW, TPW).transpose(1, 0, 2)[..., None],
        (NW, K, TPW, 16))
    sched = _schedule(counts)
    xs = _dispatch(x2d, destp64)
    y = _ffn(sched, xs, W1, b1.reshape(NE, 1, H), W2, b2.reshape(NE, 1, D))
    out = _combine(y, destp32, gp32)
    return out.reshape(1, T, D), loss[0, 0]

# --- scband reference (transcript-rebuilt; emitter-appended) ---
"""Pipeline reference for scband-mo-effn-23751169146915 (READ-ONLY COPY).

The authoritative reference and input builder live on the scoring server;
editing this copy changes nothing except your own understanding.
"""

import jax, jax.numpy as jnp
import numpy as np

DIM = 1024
HID = 3072
E = 8
TOPK = 2


def setup_inputs(seed: int = 0) -> dict:
    key = jax.random.key(seed)
    ks = jax.random.split(key, 8)
    x = jax.random.normal(ks[0], (1, 2048, DIM), dtype=jnp.float32)
    Wr = jax.random.normal(ks[1], (E, DIM), dtype=jnp.float32) * 0.02
    br = jnp.zeros((E,), dtype=jnp.float32)
    W1 = jax.random.normal(ks[2], (E, HID, DIM), dtype=jnp.float32) * 0.02
    b1 = jnp.zeros((E, HID), dtype=jnp.float32)
    W2 = jax.random.normal(ks[3], (E, DIM, HID), dtype=jnp.float32) * 0.02
    b2 = jnp.zeros((E, DIM), dtype=jnp.float32)
    return {"x": x, "Wr": Wr, "br": br, "W1": W1, "b1": b1, "W2": W2, "b2": b2}


def reference(x, Wr, br, W1, b1, W2, b2):
    B, T, D = x.shape
    # router: nn.Linear(dim, num_experts)
    logits = jnp.einsum('btd,ed->bte', x, Wr) + br
    probs = jax.nn.softmax(logits, axis=-1)
    topk_probs, topk_idx = jax.lax.top_k(probs, TOPK)
    # build per-token per-expert gate weights and expert counts
    gate = jnp.zeros((B, T, E), dtype=x.dtype)
    counts = jnp.zeros((E,), dtype=x.dtype)
    for k in range(TOPK):
        onehot = jax.nn.one_hot(topk_idx[..., k], E, dtype=x.dtype)
        gate = gate + onehot * topk_probs[..., k][..., None]
        counts = counts + onehot.sum(axis=(0, 1))

    def expert(e, xt):
        h = jax.nn.gelu(jnp.einsum('btd,hd->bth', xt, W1[e]) + b1[e], approximate=False)
        return jnp.einsum('bth,dh->btd', h, W2[e]) + b2[e]

    out = jnp.zeros_like(x)
    for e in range(E):
        out = out + gate[..., e][..., None] * expert(e, x)

    router_prob_mean = probs.mean(axis=(0, 1))
    token_fraction = counts / counts.sum()
    load_balance_loss = E * jnp.sum(router_prob_mean * token_fraction)
    return out, load_balance_loss

if __name__ == "__main__":
    import jax
    _d = setup_inputs()
    print(jax.jit(kernel)(*tuple(_d.values())))

</pallas_src>

<mosaic_0001>
#map = affine_map<(d0, d1) -> (0, 0)>
#map1 = affine_map<(d0, d1) -> (0, 0, 0)>
module attributes {stable_mosaic.version = 14 : i64} {
  func.func @run(%arg0: i32, %arg1: i32, %arg2: memref<2048x1024xf32, #tpu.memory_space<hbm>>, %arg3: memref<32x2x64xi32, #tpu.memory_space<hbm>>, %arg4: memref<4096x1024xf32, #tpu.memory_space<hbm>>, %arg5: memref<64xi32, #tpu.memory_space<vmem>>, %arg6: memref<64xi32, #tpu.memory_space<vmem>>, %arg7: memref<64x1024xf32, #tpu.memory_space<vmem>>, %arg8: memref<!tpu.dma_semaphore, #tpu.memory_space<semaphore_mem>>, %arg9: memref<!tpu.dma_semaphore, #tpu.memory_space<semaphore_mem>>) attributes {dimension_semantics = [#tpu.dimension_semantics<core_parallel>, #tpu.dimension_semantics<subcore_parallel>], iteration_bounds = array<i64: 2, 16>, scalar_prefetch = 0 : i64, scratch_operands = 5 : i64, tpu.core_type = #tpu.core_type<sc_vector_subcore>, window_params = [{transform_indices = #map}, {transform_indices = #map1}, {transform_indices = #map}]} {
    %mul3A = arith.constant 2 : i32
    %mul3A_0 = arith.muli %arg1, %mul3A : i32
    %add3A = arith.addi %mul3A_0, %arg0 : i32
    %mul3A_1 = arith.constant 64 : i32
    %mul3A_2 = arith.muli %add3A, %mul3A_1 : i32
    %run_scoped3A = arith.constant 0 : i32
    "tpu.region"() ({
      %run_scoped3A_14 = tpu.sem_alloc : memref<!tpu.dma_semaphore, #tpu.memory_space<semaphore_mem>>
      %dma_start3A_15 = arith.constant 0 : i32
      %dma_start3A_16 = tpu.memref_slice %arg3[%add3A, %run_scoped3A, %dma_start3A_15] : memref<32x2x64xi32, #tpu.memory_space<hbm>> -> memref<1x1x64xi32, #tpu.memory_space<hbm>>
      %dma_start3A_17 = tpu.memref_squeeze %dma_start3A_16 : memref<1x1x64xi32, #tpu.memory_space<hbm>> -> memref<64xi32, #tpu.memory_space<hbm>>
      %dma_start3A_18 = arith.constant 0 : i32
      %dma_start3A_19 = tpu.memref_slice %arg3[%add3A, %run_scoped3A, %dma_start3A_18] : memref<32x2x64xi32, #tpu.memory_space<hbm>> -> memref<1x1x64xi32, #tpu.memory_space<hbm>>
      %dma_start3A_20 = tpu.memref_squeeze %dma_start3A_19 : memref<1x1x64xi32, #tpu.memory_space<hbm>> -> memref<64xi32, #tpu.memory_space<hbm>>
      tpu.enqueue_dma source(%dma_start3A_20 : memref<64xi32, #tpu.memory_space<hbm>>) target(%arg5 : memref<64xi32, #tpu.memory_space<vmem>>) target_semaphore(%run_scoped3A_14 : memref<!tpu.dma_semaphore, #tpu.memory_space<semaphore_mem>>)
      %dma_wait3A_21 = arith.constant 0 : i32
      %dma_wait3A_22 = tpu.memref_slice %arg3[%add3A, %run_scoped3A, %dma_wait3A_21] : memref<32x2x64xi32, #tpu.memory_space<hbm>> -> memref<1x1x64xi32, #tpu.memory_space<hbm>>
      %dma_wait3A_23 = tpu.memref_squeeze %dma_wait3A_22 : memref<1x1x64xi32, #tpu.memory_space<hbm>> -> memref<64xi32, #tpu.memory_space<hbm>>
      %dma_wait3A_24 = arith.constant 0 : i32
      %dma_wait3A_25 = tpu.memref_slice %arg3[%add3A, %run_scoped3A, %dma_wait3A_24] : memref<32x2x64xi32, #tpu.memory_space<hbm>> -> memref<1x1x64xi32, #tpu.memory_space<hbm>>
      %dma_wait3A_26 = tpu.memref_squeeze %dma_wait3A_25 : memref<1x1x64xi32, #tpu.memory_space<hbm>> -> memref<64xi32, #tpu.memory_space<hbm>>
      tpu.wait_dma2 semaphore(%run_scoped3A_14 : memref<!tpu.dma_semaphore, #tpu.memory_space<semaphore_mem>>) src(%dma_wait3A_26 : memref<64xi32, #tpu.memory_space<hbm>>) dst(%arg5 : memref<64xi32, #tpu.memory_space<vmem>>)
      tpu.yield
    }) : () -> ()
    %run_scoped3A_3 = arith.constant 1 : i32
    "tpu.region"() ({
      %run_scoped3A_14 = tpu.sem_alloc : memref<!tpu.dma_semaphore, #tpu.memory_space<semaphore_mem>>
      %dma_start3A_15 = arith.constant 0 : i32
      %dma_start3A_16 = tpu.memref_slice %arg3[%add3A, %run_scoped3A_3, %dma_start3A_15] : memref<32x2x64xi32, #tpu.memory_space<hbm>> -> memref<1x1x64xi32, #tpu.memory_space<hbm>>
      %dma_start3A_17 = tpu.memref_squeeze %dma_start3A_16 : memref<1x1x64xi32, #tpu.memory_space<hbm>> -> memref<64xi32, #tpu.memory_space<hbm>>
      %dma_start3A_18 = arith.constant 0 : i32
      %dma_start3A_19 = tpu.memref_slice %arg3[%add3A, %run_scoped3A_3, %dma_start3A_18] : memref<32x2x64xi32, #tpu.memory_space<hbm>> -> memref<1x1x64xi32, #tpu.memory_space<hbm>>
      %dma_start3A_20 = tpu.memref_squeeze %dma_start3A_19 : memref<1x1x64xi32, #tpu.memory_space<hbm>> -> memref<64xi32, #tpu.memory_space<hbm>>
      tpu.enqueue_dma source(%dma_start3A_20 : memref<64xi32, #tpu.memory_space<hbm>>) target(%arg6 : memref<64xi32, #tpu.memory_space<vmem>>) target_semaphore(%run_scoped3A_14 : memref<!tpu.dma_semaphore, #tpu.memory_space<semaphore_mem>>)
      %dma_wait3A_21 = arith.constant 0 : i32
      %dma_wait3A_22 = tpu.memref_slice %arg3[%add3A, %run_scoped3A_3, %dma_wait3A_21] : memref<32x2x64xi32, #tpu.memory_space<hbm>> -> memref<1x1x64xi32, #tpu.memory_space<hbm>>
      %dma_wait3A_23 = tpu.memref_squeeze %dma_wait3A_22 : memref<1x1x64xi32, #tpu.memory_space<hbm>> -> memref<64xi32, #tpu.memory_space<hbm>>
      %dma_wait3A_24 = arith.constant 0 : i32
      %dma_wait3A_25 = tpu.memref_slice %arg3[%add3A, %run_scoped3A_3, %dma_wait3A_24] : memref<32x2x64xi32, #tpu.memory_space<hbm>> -> memref<1x1x64xi32, #tpu.memory_space<hbm>>
      %dma_wait3A_26 = tpu.memref_squeeze %dma_wait3A_25 : memref<1x1x64xi32, #tpu.memory_space<hbm>> -> memref<64xi32, #tpu.memory_space<hbm>>
      tpu.wait_dma2 semaphore(%run_scoped3A_14 : memref<!tpu.dma_semaphore, #tpu.memory_space<semaphore_mem>>) src(%dma_wait3A_26 : memref<64xi32, #tpu.memory_space<hbm>>) dst(%arg6 : memref<64xi32, #tpu.memory_space<vmem>>)
      tpu.yield
    }) : () -> ()
    "tpu.region"() ({
      %run_scoped3A_14 = tpu.sem_alloc : memref<!tpu.dma_semaphore, #tpu.memory_space<semaphore_mem>>
      %dma_start3A_15 = arith.constant 0 : i32
      %dma_start3A_16 = tpu.memref_slice %arg2[%mul3A_2, %dma_start3A_15] : memref<2048x1024xf32, #tpu.memory_space<hbm>> -> memref<64x1024xf32, #tpu.memory_space<hbm>>
      %dma_start3A_17 = arith.constant 0 : i32
      %dma_start3A_18 = tpu.memref_slice %arg2[%mul3A_2, %dma_start3A_17] : memref<2048x1024xf32, #tpu.memory_space<hbm>> -> memref<64x1024xf32, #tpu.memory_space<hbm>>
      tpu.enqueue_dma source(%dma_start3A_18 : memref<64x1024xf32, #tpu.memory_space<hbm>>) target(%arg7 : memref<64x1024xf32, #tpu.memory_space<vmem>>) target_semaphore(%run_scoped3A_14 : memref<!tpu.dma_semaphore, #tpu.memory_space<semaphore_mem>>)
      %dma_wait3A_19 = arith.constant 0 : i32
      %dma_wait3A_20 = tpu.memref_slice %arg2[%mul3A_2, %dma_wait3A_19] : memref<2048x1024xf32, #tpu.memory_space<hbm>> -> memref<64x1024xf32, #tpu.memory_space<hbm>>
      %dma_wait3A_21 = arith.constant 0 : i32
      %dma_wait3A_22 = tpu.memref_slice %arg2[%mul3A_2, %dma_wait3A_21] : memref<2048x1024xf32, #tpu.memory_space<hbm>> -> memref<64x1024xf32, #tpu.memory_space<hbm>>
      tpu.wait_dma2 semaphore(%run_scoped3A_14 : memref<!tpu.dma_semaphore, #tpu.memory_space<semaphore_mem>>) src(%dma_wait3A_22 : memref<64x1024xf32, #tpu.memory_space<hbm>>) dst(%arg7 : memref<64x1024xf32, #tpu.memory_space<vmem>>)
      tpu.yield
    }) : () -> ()
    %dma_start3A = arith.constant 0 : i32
    %dma_start3A_4 = arith.constant 0 : i32
    %dma_start3A_5 = tpu.memref_slice %arg4[%dma_start3A, %dma_start3A_4] : memref<4096x1024xf32, #tpu.memory_space<hbm>> -> memref<4096x1024xf32, #tpu.memory_space<hbm>>
    tpu.enqueue_indirect_dma source(%arg7 : memref<64x1024xf32, #tpu.memory_space<vmem>>) target(%dma_start3A_5 : memref<4096x1024xf32, #tpu.memory_space<hbm>>) offsets(%arg5 : memref<64xi32, #tpu.memory_space<vmem>>) semaphore(%arg8 : memref<!tpu.dma_semaphore, #tpu.memory_space<semaphore_mem>>)
    %dma_start3A_6 = arith.constant 0 : i32
    %dma_start3A_7 = arith.constant 0 : i32
    %dma_start3A_8 = tpu.memref_slice %arg4[%dma_start3A_6, %dma_start3A_7] : memref<4096x1024xf32, #tpu.memory_space<hbm>> -> memref<4096x1024xf32, #tpu.memory_space<hbm>>
    tpu.enqueue_indirect_dma source(%arg7 : memref<64x1024xf32, #tpu.memory_space<vmem>>) target(%dma_start3A_8 : memref<4096x1024xf32, #tpu.memory_space<hbm>>) offsets(%arg6 : memref<64xi32, #tpu.memory_space<vmem>>) semaphore(%arg9 : memref<!tpu.dma_semaphore, #tpu.memory_space<semaphore_mem>>)
    %dma_wait3A = arith.constant 0 : i32
    %dma_wait3A_9 = arith.constant 0 : i32
    %dma_wait3A_10 = tpu.memref_slice %arg4[%dma_wait3A, %dma_wait3A_9] : memref<4096x1024xf32, #tpu.memory_space<hbm>> -> memref<4096x1024xf32, #tpu.memory_space<hbm>>
    tpu.wait_indirect_dma semaphore(%arg8 : memref<!tpu.dma_semaphore, #tpu.memory_space<semaphore_mem>>) src(%arg7 : memref<64x1024xf32, #tpu.memory_space<vmem>>) dst(%dma_wait3A_10 : memref<4096x1024xf32, #tpu.memory_space<hbm>>)
    %dma_wait3A_11 = arith.constant 0 : i32
    %dma_wait3A_12 = arith.constant 0 : i32
    %dma_wait3A_13 = tpu.memref_slice %arg4[%dma_wait3A_11, %dma_wait3A_12] : memref<4096x1024xf32, #tpu.memory_space<hbm>> -> memref<4096x1024xf32, #tpu.memory_space<hbm>>
    tpu.wait_indirect_dma semaphore(%arg9 : memref<!tpu.dma_semaphore, #tpu.memory_space<semaphore_mem>>) src(%arg7 : memref<64x1024xf32, #tpu.memory_space<vmem>>) dst(%dma_wait3A_13 : memref<4096x1024xf32, #tpu.memory_space<hbm>>)
    return
  }
}

#map = affine_map<(d0, d1) -> (0, 0)>
#map1 = affine_map<(d0, d1) -> (0, 0, 0, 0)>
module attributes {stable_mosaic.version = 14 : i64} {
  func.func @run(%arg0: i32, %arg1: i32, %arg2: memref<4096x1024xf32, #tpu.memory_space<hbm>>, %arg3: memref<32x2x2x32xi32, #tpu.memory_space<hbm>>, %arg4: memref<32x2x64x16xf32, #tpu.memory_space<hbm>>, %arg5: memref<2048x1024xf32, #tpu.memory_space<hbm>>, %arg6: memref<2x2x32xi32, #tpu.memory_space<vmem>>, %arg7: memref<2x64x16xf32, #tpu.memory_space<vmem>>, %arg8: memref<32x1024xf32, #tpu.memory_space<vmem>>, %arg9: memref<32x1024xf32, #tpu.memory_space<vmem>>, %arg10: memref<!tpu.dma_semaphore, #tpu.memory_space<semaphore_mem>>, %arg11: memref<!tpu.dma_semaphore, #tpu.memory_space<semaphore_mem>>) attributes {dimension_semantics = [#tpu.dimension_semantics<core_parallel>, #tpu.dimension_semantics<subcore_parallel>], iteration_bounds = array<i64: 2, 16>, scalar_prefetch = 0 : i64, scratch_operands = 6 : i64, tpu.core_type = #tpu.core_type<sc_vector_subcore>, window_params = [{transform_indices = #map}, {transform_indices = #map1}, {transform_indices = #map1}, {transform_indices = #map}]} {
    %mul3A = arith.constant 2 : i32
    %mul3A_0 = arith.muli %arg1, %mul3A : i32
    %add3A = arith.addi %mul3A_0, %arg0 : i32
    %mul3A_1 = arith.constant 64 : i32
    %mul3A_2 = arith.muli %add3A, %mul3A_1 : i32
    "tpu.region"() ({
      %run_scoped3A = tpu.sem_alloc : memref<!tpu.dma_semaphore, #tpu.memory_space<semaphore_mem>>
      %dma_start3A_82 = arith.constant 0 : i32
      %dma_start3A_83 = arith.constant 0 : i32
      %dma_start3A_84 = arith.constant 0 : i32
      %dma_start3A_85 = tpu.memref_slice %arg3[%add3A, %dma_start3A_82, %dma_start3A_83, %dma_start3A_84] : memref<32x2x2x32xi32, #tpu.memory_space<hbm>> -> memref<1x2x2x32xi32, #tpu.memory_space<hbm>>
      %dma_start3A_86 = tpu.memref_squeeze %dma_start3A_85 : memref<1x2x2x32xi32, #tpu.memory_space<hbm>> -> memref<2x2x32xi32, #tpu.memory_space<hbm>>
      %dma_start3A_87 = arith.constant 0 : i32
      %dma_start3A_88 = arith.constant 0 : i32
      %dma_start3A_89 = arith.constant 0 : i32
      %dma_start3A_90 = tpu.memref_slice %arg3[%add3A, %dma_start3A_87, %dma_start3A_88, %dma_start3A_89] : memref<32x2x2x32xi32, #tpu.memory_space<hbm>> -> memref<1x2x2x32xi32, #tpu.memory_space<hbm>>
      %dma_start3A_91 = tpu.memref_squeeze %dma_start3A_90 : memref<1x2x2x32xi32, #tpu.memory_space<hbm>> -> memref<2x2x32xi32, #tpu.memory_space<hbm>>
      tpu.enqueue_dma source(%dma_start3A_91 : memref<2x2x32xi32, #tpu.memory_space<hbm>>) target(%arg6 : memref<2x2x32xi32, #tpu.memory_space<vmem>>) target_semaphore(%run_scoped3A : memref<!tpu.dma_semaphore, #tpu.memory_space<semaphore_mem>>)
      %dma_wait3A_92 = arith.constant 0 : i32
      %dma_wait3A_93 = arith.constant 0 : i32
      %dma_wait3A_94 = arith.constant 0 : i32
      %dma_wait3A_95 = tpu.memref_slice %arg3[%add3A, %dma_wait3A_92, %dma_wait3A_93, %dma_wait3A_94] : memref<32x2x2x32xi32, #tpu.memory_space<hbm>> -> memref<1x2x2x32xi32, #tpu.memory_space<hbm>>
      %dma_wait3A_96 = tpu.memref_squeeze %dma_wait3A_95 : memref<1x2x2x32xi32, #tpu.memory_space<hbm>> -> memref<2x2x32xi32, #tpu.memory_space<hbm>>
      %dma_wait3A_97 = arith.constant 0 : i32
      %dma_wait3A_98 = arith.constant 0 : i32
      %dma_wait3A_99 = arith.constant 0 : i32
      %dma_wait3A_100 = tpu.memref_slice %arg3[%add3A, %dma_wait3A_97, %dma_wait3A_98, %dma_wait3A_99] : memref<32x2x2x32xi32, #tpu.memory_space<hbm>> -> memref<1x2x2x32xi32, #tpu.memory_space<hbm>>
      %dma_wait3A_101 = tpu.memref_squeeze %dma_wait3A_100 : memref<1x2x2x32xi32, #tpu.memory_space<hbm>> -> memref<2x2x32xi32, #tpu.memory_space<hbm>>
      tpu.wait_dma2 semaphore(%run_scoped3A : memref<!tpu.dma_semaphore, #tpu.memory_space<semaphore_mem>>) src(%dma_wait3A_101 : memref<2x2x32xi32, #tpu.memory_space<hbm>>) dst(%arg6 : memref<2x2x32xi32, #tpu.memory_space<vmem>>)
      tpu.yield
    }) : () -> ()
    "tpu.region"() ({
      %run_scoped3A = tpu.sem_alloc : memref<!tpu.dma_semaphore, #tpu.memory_space<semaphore_mem>>
      %dma_start3A_82 = arith.constant 0 : i32
      %dma_start3A_83 = arith.constant 0 : i32
      %dma_start3A_84 = arith.constant 0 : i32
      %dma_start3A_85 = tpu.memref_slice %arg4[%add3A, %dma_start3A_82, %dma_start3A_83, %dma_start3A_84] : memref<32x2x64x16xf32, #tpu.memory_space<hbm>> -> memref<1x2x64x16xf32, #tpu.memory_space<hbm>>
      %dma_start3A_86 = tpu.memref_squeeze %dma_start3A_85 : memref<1x2x64x16xf32, #tpu.memory_space<hbm>> -> memref<2x64x16xf32, #tpu.memory_space<hbm>>
      %dma_start3A_87 = arith.constant 0 : i32
      %dma_start3A_88 = arith.constant 0 : i32
      %dma_start3A_89 = arith.constant 0 : i32
      %dma_start3A_90 = tpu.memref_slice %arg4[%add3A, %dma_start3A_87, %dma_start3A_88, %dma_start3A_89] : memref<32x2x64x16xf32, #tpu.memory_space<hbm>> -> memref<1x2x64x16xf32, #tpu.memory_space<hbm>>
      %dma_start3A_91 = tpu.memref_squeeze %dma_start3A_90 : memref<1x2x64x16xf32, #tpu.memory_space<hbm>> -> memref<2x64x16xf32, #tpu.memory_space<hbm>>
      tpu.enqueue_dma source(%dma_start3A_91 : memref<2x64x16xf32, #tpu.memory_space<hbm>>) target(%arg7 : memref<2x64x16xf32, #tpu.memory_space<vmem>>) target_semaphore(%run_scoped3A : memref<!tpu.dma_semaphore, #tpu.memory_space<semaphore_mem>>)
      %dma_wait3A_92 = arith.constant 0 : i32
      %dma_wait3A_93 = arith.constant 0 : i32
      %dma_wait3A_94 = arith.constant 0 : i32
      %dma_wait3A_95 = tpu.memref_slice %arg4[%add3A, %dma_wait3A_92, %dma_wait3A_93, %dma_wait3A_94] : memref<32x2x64x16xf32, #tpu.memory_space<hbm>> -> memref<1x2x64x16xf32, #tpu.memory_space<hbm>>
      %dma_wait3A_96 = tpu.memref_squeeze %dma_wait3A_95 : memref<1x2x64x16xf32, #tpu.memory_space<hbm>> -> memref<2x64x16xf32, #tpu.memory_space<hbm>>
      %dma_wait3A_97 = arith.constant 0 : i32
      %dma_wait3A_98 = arith.constant 0 : i32
      %dma_wait3A_99 = arith.constant 0 : i32
      %dma_wait3A_100 = tpu.memref_slice %arg4[%add3A, %dma_wait3A_97, %dma_wait3A_98, %dma_wait3A_99] : memref<32x2x64x16xf32, #tpu.memory_space<hbm>> -> memref<1x2x64x16xf32, #tpu.memory_space<hbm>>
      %dma_wait3A_101 = tpu.memref_squeeze %dma_wait3A_100 : memref<1x2x64x16xf32, #tpu.memory_space<hbm>> -> memref<2x64x16xf32, #tpu.memory_space<hbm>>
      tpu.wait_dma2 semaphore(%run_scoped3A : memref<!tpu.dma_semaphore, #tpu.memory_space<semaphore_mem>>) src(%dma_wait3A_101 : memref<2x64x16xf32, #tpu.memory_space<hbm>>) dst(%arg7 : memref<2x64x16xf32, #tpu.memory_space<vmem>>)
      tpu.yield
    }) : () -> ()
    %dma_start3A = arith.constant 0 : i32
    %dma_start3A_3 = arith.constant 0 : i32
    %dma_start3A_4 = arith.constant 0 : i32
    %dma_start3A_5 = tpu.memref_slice %arg6[%dma_start3A, %dma_start3A_3, %dma_start3A_4] : memref<2x2x32xi32, #tpu.memory_space<vmem>> -> memref<1x1x32xi32, #tpu.memory_space<vmem>>
    %dma_start3A_6 = tpu.memref_squeeze %dma_start3A_5 : memref<1x1x32xi32, #tpu.memory_space<vmem>> -> memref<32xi32, #tpu.memory_space<vmem>>
    %dma_start3A_7 = arith.constant 0 : i32
    %dma_start3A_8 = arith.constant 0 : i32
    %dma_start3A_9 = tpu.memref_slice %arg2[%dma_start3A_7, %dma_start3A_8] : memref<4096x1024xf32, #tpu.memory_space<hbm>> -> memref<4096x1024xf32, #tpu.memory_space<hbm>>
    tpu.enqueue_indirect_dma source(%dma_start3A_9 : memref<4096x1024xf32, #tpu.memory_space<hbm>>) target(%arg8 : memref<32x1024xf32, #tpu.memory_space<vmem>>) offsets(%dma_start3A_6 : memref<32xi32, #tpu.memory_space<vmem>>) semaphore(%arg10 : memref<!tpu.dma_semaphore, #tpu.memory_space<semaphore_mem>>)
    %dma_start3A_10 = arith.constant 1 : i32
    %dma_start3A_11 = arith.constant 0 : i32
    %dma_start3A_12 = arith.constant 0 : i32
    %dma_start3A_13 = tpu.memref_slice %arg6[%dma_start3A_10, %dma_start3A_11, %dma_start3A_12] : memref<2x2x32xi32, #tpu.memory_space<vmem>> -> memref<1x1x32xi32, #tpu.memory_space<vmem>>
    %dma_start3A_14 = tpu.memref_squeeze %dma_start3A_13 : memref<1x1x32xi32, #tpu.memory_space<vmem>> -> memref<32xi32, #tpu.memory_space<vmem>>
    %dma_start3A_15 = arith.constant 0 : i32
    %dma_start3A_16 = arith.constant 0 : i32
    %dma_start3A_17 = tpu.memref_slice %arg2[%dma_start3A_15, %dma_start3A_16] : memref<4096x1024xf32, #tpu.memory_space<hbm>> -> memref<4096x1024xf32, #tpu.memory_space<hbm>>
    tpu.enqueue_indirect_dma source(%dma_start3A_17 : memref<4096x1024xf32, #tpu.memory_space<hbm>>) target(%arg9 : memref<32x1024xf32, #tpu.memory_space<vmem>>) offsets(%dma_start3A_14 : memref<32xi32, #tpu.memory_space<vmem>>) semaphore(%arg11 : memref<!tpu.dma_semaphore, #tpu.memory_space<semaphore_mem>>)
    %dma_wait3A = arith.constant 0 : i32
    %dma_wait3A_18 = arith.constant 0 : i32
    %dma_wait3A_19 = arith.constant 0 : i32
    %dma_wait3A_20 = tpu.memref_slice %arg6[%dma_wait3A, %dma_wait3A_18, %dma_wait3A_19] : memref<2x2x32xi32, #tpu.memory_space<vmem>> -> memref<1x1x32xi32, #tpu.memory_space<vmem>>
    %dma_wait3A_21 = tpu.memref_squeeze %dma_wait3A_20 : memref<1x1x32xi32, #tpu.memory_space<vmem>> -> memref<32xi32, #tpu.memory_space<vmem>>
    %dma_wait3A_22 = arith.constant 0 : i32
    %dma_wait3A_23 = arith.constant 0 : i32
    %dma_wait3A_24 = tpu.memref_slice %arg2[%dma_wait3A_22, %dma_wait3A_23] : memref<4096x1024xf32, #tpu.memory_space<hbm>> -> memref<4096x1024xf32, #tpu.memory_space<hbm>>
    tpu.wait_indirect_dma semaphore(%arg10 : memref<!tpu.dma_semaphore, #tpu.memory_space<semaphore_mem>>) src(%dma_wait3A_24 : memref<4096x1024xf32, #tpu.memory_space<hbm>>) dst(%arg8 : memref<32x1024xf32, #tpu.memory_space<vmem>>)
    %dma_wait3A_25 = arith.constant 1 : i32
    %dma_wait3A_26 = arith.constant 0 : i32
    %dma_wait3A_27 = arith.constant 0 : i32
    %dma_wait3A_28 = tpu.memref_slice %arg6[%dma_wait3A_25, %dma_wait3A_26, %dma_wait3A_27] : memref<2x2x32xi32, #tpu.memory_space<vmem>> -> memref<1x1x32xi32, #tpu.memory_space<vmem>>
    %dma_wait3A_29 = tpu.memref_squeeze %dma_wait3A_28 : memref<1x1x32xi32, #tpu.memory_space<vmem>> -> memref<32xi32, #tpu.memory_space<vmem>>
    %dma_wait3A_30 = arith.constant 0 : i32
    %dma_wait3A_31 = arith.constant 0 : i32
    %dma_wait3A_32 = tpu.memref_slice %arg2[%dma_wait3A_30, %dma_wait3A_31] : memref<4096x1024xf32, #tpu.memory_space<hbm>> -> memref<4096x1024xf32, #tpu.memory_space<hbm>>
    tpu.wait_indirect_dma semaphore(%arg11 : memref<!tpu.dma_semaphore, #tpu.memory_space<semaphore_mem>>) src(%dma_wait3A_32 : memref<4096x1024xf32, #tpu.memory_space<hbm>>) dst(%arg9 : memref<32x1024xf32, #tpu.memory_space<vmem>>)
    %scan3A = arith.constant 0 : i32
    %scan3A_33 = arith.constant 0 : i32
    %scan3A_34 = arith.constant 32 : i32
    %scan3A_35 = arith.addi %scan3A_33, %scan3A_34 : i32
    %scan3A_36 = arith.constant 1 : i32
    %scan3A_37 = scf.for %scan3A_82 = %scan3A_33 to %scan3A_35 step %scan3A_36 iter_args(%scan3A_83 = %scan3A) -> (i32)  : i32 {
      %add3A_84 = arith.constant 0 : i32
      %add3A_85 = arith.addi %add3A_84, %scan3A_82 : i32
      %get3A = arith.constant 0 : i32
      %get3A_86 = arith.index_cast %get3A : i32 to index
      %get3A_87 = arith.index_cast %add3A_85 : i32 to index
      %get3A_88 = arith.constant 0 : index
      %get3A_89 = tpu.vector_load %arg7[%get3A_86, %get3A_87, %get3A_88] {strides = array<i32>} : memref<2x64x16xf32, #tpu.memory_space<vmem>>, vector<1x1x16xf32>,
      %get3A_90 = vector.shape_cast %get3A_89 : vector<1x1x16xf32> to vector<16xf32>
      %add3A_91 = arith.constant 0 : i32
      %add3A_92 = arith.addi %add3A_91, %scan3A_82 : i32
      %get3A_93 = arith.constant 1 : i32
      %get3A_94 = arith.index_cast %get3A_93 : i32 to index
      %get3A_95 = arith.index_cast %add3A_92 : i32 to index
      %get3A_96 = arith.constant 0 : index
      %get3A_97 = tpu.vector_load %arg7[%get3A_94, %get3A_95, %get3A_96] {strides = array<i32>} : memref<2x64x16xf32, #tpu.memory_space<vmem>>, vector<1x1x16xf32>,
      %get3A_98 = vector.shape_cast %get3A_97 : vector<1x1x16xf32> to vector<16xf32>
      %scan3A_99 = arith.constant 0 : i32
      %scan3A_100 = arith.constant 0 : i32
      %scan3A_101 = arith.constant 64 : i32
      %scan3A_102 = arith.addi %scan3A_100, %scan3A_101 : i32
      %scan3A_103 = arith.constant 4 : i32
      %scan3A_104 = scf.for %scan3A_107 = %scan3A_100 to %scan3A_102 step %scan3A_103 iter_args(%scan3A_108 = %scan3A_99) -> (i32)  : i32 {
        %mul3A_109 = arith.constant 16 : i32
        %mul3A_110 = arith.muli %scan3A_107, %mul3A_109 : i32
        %get3A_111 = arith.index_cast %scan3A_82 : i32 to index
        %get3A_112 = arith.index_cast %mul3A_110 : i32 to index
        %get3A_113 = tpu.vector_load %arg8[%get3A_111, %get3A_112] {strides = array<i32>} : memref<32x1024xf32, #tpu.memory_space<vmem>>, vector<1x16xf32>,
        %get3A_114 = vector.shape_cast %get3A_113 : vector<1x16xf32> to vector<16xf32>
        %get3A_115 = arith.index_cast %scan3A_82 : i32 to index
        %get3A_116 = arith.index_cast %mul3A_110 : i32 to index
        %get3A_117 = tpu.vector_load %arg9[%get3A_115, %get3A_116] {strides = array<i32>} : memref<32x1024xf32, #tpu.memory_space<vmem>>, vector<1x16xf32>,
        %get3A_118 = vector.shape_cast %get3A_117 : vector<1x16xf32> to vector<16xf32>
        %mul3A_119 = arith.mulf %get3A_90, %get3A_114 : vector<16xf32>
        %mul3A_120 = arith.mulf %get3A_98, %get3A_118 : vector<16xf32>
        %add3A_121 = arith.addf %mul3A_119, %mul3A_120 : vector<16xf32>
        %swap3A = arith.index_cast %scan3A_82 : i32 to index
        %swap3A_122 = arith.index_cast %mul3A_110 : i32 to index
        %swap3A_123 = tpu.vector_load %arg8[%swap3A, %swap3A_122] {strides = array<i32>} : memref<32x1024xf32, #tpu.memory_space<vmem>>, vector<1x16xf32>,
        %swap3A_124 = vector.shape_cast %swap3A_123 : vector<1x16xf32> to vector<16xf32>
        %swap3A_125 = vector.shape_cast %add3A_121 : vector<16xf32> to vector<1x16xf32>
        tpu.vector_store %arg8[%swap3A, %swap3A_122], %swap3A_125 {strides = array<i32>} : memref<32x1024xf32, #tpu.memory_space<vmem>>, vector<1x16xf32>,
        %scan3A_126 = arith.constant 0 : i32
        %scan3A_127 = arith.constant 1 : i32
        %scan3A_128 = arith.addi %scan3A_107, %scan3A_127 : i32
        %mul3A_129 = arith.constant 16 : i32
        %mul3A_130 = arith.muli %scan3A_128, %mul3A_129 : i32
        %get3A_131 = arith.index_cast %scan3A_82 : i32 to index
        %get3A_132 = arith.index_cast %mul3A_130 : i32 to index
        %get3A_133 = tpu.vector_load %arg8[%get3A_131, %get3A_132] {strides = array<i32>} : memref<32x1024xf32, #tpu.memory_space<vmem>>, vector<1x16xf32>,
        %get3A_134 = vector.shape_cast %get3A_133 : vector<1x16xf32> to vector<16xf32>
        %get3A_135 = arith.index_cast %scan3A_82 : i32 to index
        %get3A_136 = arith.index_cast %mul3A_130 : i32 to index
        %get3A_137 = tpu.vector_load %arg9[%get3A_135, %get3A_136] {strides = array<i32>} : memref<32x1024xf32, #tpu.memory_space<vmem>>, vector<1x16xf32>,
        %get3A_138 = vector.shape_cast %get3A_137 : vector<1x16xf32> to vector<16xf32>
        %mul3A_139 = arith.mulf %get3A_90, %get3A_134 : vector<16xf32>
        %mul3A_140 = arith.mulf %get3A_98, %get3A_138 : vector<16xf32>
        %add3A_141 = arith.addf %mul3A_139, %mul3A_140 : vector<16xf32>
        %swap3A_142 = arith.index_cast %scan3A_82 : i32 to index
        %swap3A_143 = arith.index_cast %mul3A_130 : i32 to index
        %swap3A_144 = tpu.vector_load %arg8[%swap3A_142, %swap3A_143] {strides = array<i32>} : memref<32x1024xf32, #tpu.memory_space<vmem>>, vector<1x16xf32>,
        %swap3A_145 = vector.shape_cast %swap3A_144 : vector<1x16xf32> to vector<16xf32>
        %swap3A_146 = vector.shape_cast %add3A_141 : vector<16xf32> to vector<1x16xf32>
        tpu.vector_store %arg8[%swap3A_142, %swap3A_143], %swap3A_146 {strides = array<i32>} : memref<32x1024xf32, #tpu.memory_space<vmem>>, vector<1x16xf32>,
        %scan3A_147 = arith.constant 0 : i32
        %scan3A_148 = arith.constant 2 : i32
        %scan3A_149 = arith.addi %scan3A_107, %scan3A_148 : i32
        %mul3A_150 = arith.constant 16 : i32
        %mul3A_151 = arith.muli %scan3A_149, %mul3A_150 : i32
        %get3A_152 = arith.index_cast %scan3A_82 : i32 to index
        %get3A_153 = arith.index_cast %mul3A_151 : i32 to index
        %get3A_154 = tpu.vector_load %arg8[%get3A_152, %get3A_153] {strides = array<i32>} : memref<32x1024xf32, #tpu.memory_space<vmem>>, vector<1x16xf32>,
        %get3A_155 = vector.shape_cast %get3A_154 : vector<1x16xf32> to vector<16xf32>
        %get3A_156 = arith.index_cast %scan3A_82 : i32 to index
        %get3A_157 = arith.index_cast %mul3A_151 : i32 to index
        %get3A_158 = tpu.vector_load %arg9[%get3A_156, %get3A_157] {strides = array<i32>} : memref<32x1024xf32, #tpu.memory_space<vmem>>, vector<1x16xf32>,
        %get3A_159 = vector.shape_cast %get3A_158 : vector<1x16xf32> to vector<16xf32>
        %mul3A_160 = arith.mulf %get3A_90, %get3A_155 : vector<16xf32>
        %mul3A_161 = arith.mulf %get3A_98, %get3A_159 : vector<16xf32>
        %add3A_162 = arith.addf %mul3A_160, %mul3A_161 : vector<16xf32>
        %swap3A_163 = arith.index_cast %scan3A_82 : i32 to index
        %swap3A_164 = arith.index_cast %mul3A_151 : i32 to index
        %swap3A_165 = tpu.vector_load %arg8[%swap3A_163, %swap3A_164] {strides = array<i32>} : memref<32x1024xf32, #tpu.memory_space<vmem>>, vector<1x16xf32>,
        %swap3A_166 = vector.shape_cast %swap3A_165 : vector<1x16xf32> to vector<16xf32>
        %swap3A_167 = vector.shape_cast %add3A_162 : vector<16xf32> to vector<1x16xf32>
        tpu.vector_store %arg8[%swap3A_163, %swap3A_164], %swap3A_167 {strides = array<i32>} : memref<32x1024xf32, #tpu.memory_space<vmem>>, vector<1x16xf32>,
        %scan3A_168 = arith.constant 0 : i32
        %scan3A_169 = arith.constant 3 : i32
        %scan3A_170 = arith.addi %scan3A_107, %scan3A_169 : i32
        %mul3A_171 = arith.constant 16 : i32
        %mul3A_172 = arith.muli %scan3A_170, %mul3A_171 : i32
        %get3A_173 = arith.index_cast %scan3A_82 : i32 to index
        %get3A_174 = arith.index_cast %mul3A_172 : i32 to index
        %get3A_175 = tpu.vector_load %arg8[%get3A_173, %get3A_174] {strides = array<i32>} : memref<32x1024xf32, #tpu.memory_space<vmem>>, vector<1x16xf32>,
        %get3A_176 = vector.shape_cast %get3A_175 : vector<1x16xf32> to vector<16xf32>
        %get3A_177 = arith.index_cast %scan3A_82 : i32 to index
        %get3A_178 = arith.index_cast %mul3A_172 : i32 to index
        %get3A_179 = tpu.vector_load %arg9[%get3A_177, %get3A_178] {strides = array<i32>} : memref<32x1024xf32, #tpu.memory_space<vmem>>, vector<1x16xf32>,
        %get3A_180 = vector.shape_cast %get3A_179 : vector<1x16xf32> to vector<16xf32>
        %mul3A_181 = arith.mulf %get3A_90, %get3A_176 : vector<16xf32>
        %mul3A_182 = arith.mulf %get3A_98, %get3A_180 : vector<16xf32>
        %add3A_183 = arith.addf %mul3A_181, %mul3A_182 : vector<16xf32>
        %swap3A_184 = arith.index_cast %scan3A_82 : i32 to index
        %swap3A_185 = arith.index_cast %mul3A_172 : i32 to index
        %swap3A_186 = tpu.vector_load %arg8[%swap3A_184, %swap3A_185] {strides = array<i32>} : memref<32x1024xf32, #tpu.memory_space<vmem>>, vector<1x16xf32>,
        %swap3A_187 = vector.shape_cast %swap3A_186 : vector<1x16xf32> to vector<16xf32>
        %swap3A_188 = vector.shape_cast %add3A_183 : vector<16xf32> to vector<1x16xf32>
        tpu.vector_store %arg8[%swap3A_184, %swap3A_185], %swap3A_188 {strides = array<i32>} : memref<32x1024xf32, #tpu.memory_space<vmem>>, vector<1x16xf32>,
        %scan3A_189 = arith.constant 0 : i32
        scf.yield %scan3A_189 : i32
      }
      %scan3A_105 = arith.constant 64 : i32
      %scan3A_106 = arith.constant 0 : i32
      scf.yield %scan3A_106 : i32
    }
    %scan3A_38 = arith.constant 32 : i32
    %add3A_39 = arith.constant 0 : i32
    %add3A_40 = arith.addi %mul3A_2, %add3A_39 : i32
    "tpu.region"() ({
      %run_scoped3A = tpu.sem_alloc : memref<!tpu.dma_semaphore, #tpu.memory_space<semaphore_mem>>
      %dma_start3A_82 = arith.constant 0 : i32
      %dma_start3A_83 = tpu.memref_slice %arg5[%add3A_40, %dma_start3A_82] : memref<2048x1024xf32, #tpu.memory_space<hbm>> -> memref<32x1024xf32, #tpu.memory_space<hbm>>
      %dma_start3A_84 = arith.constant 0 : i32
      %dma_start3A_85 = tpu.memref_slice %arg5[%add3A_40, %dma_start3A_84] : memref<2048x1024xf32, #tpu.memory_space<hbm>> -> memref<32x1024xf32, #tpu.memory_space<hbm>>
      tpu.enqueue_dma source(%arg8 : memref<32x1024xf32, #tpu.memory_space<vmem>>) target(%dma_start3A_85 : memref<32x1024xf32, #tpu.memory_space<hbm>>) target_semaphore(%run_scoped3A : memref<!tpu.dma_semaphore, #tpu.memory_space<semaphore_mem>>)
      %dma_wait3A_86 = arith.constant 0 : i32
      %dma_wait3A_87 = tpu.memref_slice %arg5[%add3A_40, %dma_wait3A_86] : memref<2048x1024xf32, #tpu.memory_space<hbm>> -> memref<32x1024xf32, #tpu.memory_space<hbm>>
      %dma_wait3A_88 = arith.constant 0 : i32
      %dma_wait3A_89 = tpu.memref_slice %arg5[%add3A_40, %dma_wait3A_88] : memref<2048x1024xf32, #tpu.memory_space<hbm>> -> memref<32x1024xf32, #tpu.memory_space<hbm>>
      tpu.wait_dma2 semaphore(%run_scoped3A : memref<!tpu.dma_semaphore, #tpu.memory_space<semaphore_mem>>) src(%arg8 : memref<32x1024xf32, #tpu.memory_space<vmem>>) dst(%dma_wait3A_89 : memref<32x1024xf32, #tpu.memory_space<hbm>>)
      tpu.yield
    }) : () -> ()
    %dma_start3A_41 = arith.constant 0 : i32
    %dma_start3A_42 = arith.constant 1 : i32
    %dma_start3A_43 = arith.constant 0 : i32
    %dma_start3A_44 = tpu.memref_slice %arg6[%dma_start3A_41, %dma_start3A_42, %dma_start3A_43] : memref<2x2x32xi32, #tpu.memory_space<vmem>> -> memref<1x1x32xi32, #tpu.memory_space<vmem>>
    %dma_start3A_45 = tpu.memref_squeeze %dma_start3A_44 : memref<1x1x32xi32, #tpu.memory_space<vmem>> -> memref<32xi32, #tpu.memory_space<vmem>>
    %dma_start3A_46 = arith.constant 0 : i32
    %dma_start3A_47 = arith.constant 0 : i32
    %dma_start3A_48 = tpu.memref_slice %arg2[%dma_start3A_46, %dma_start3A_47] : memref<4096x1024xf32, #tpu.memory_space<hbm>> -> memref<4096x1024xf32, #tpu.memory_space<hbm>>
    tpu.enqueue_indirect_dma source(%dma_start3A_48 : memref<4096x1024xf32, #tpu.memory_space<hbm>>) target(%arg8 : memref<32x1024xf32, #tpu.memory_space<vmem>>) offsets(%dma_start3A_45 : memref<32xi32, #tpu.memory_space<vmem>>) semaphore(%arg10 : memref<!tpu.dma_semaphore, #tpu.memory_space<semaphore_mem>>)
    %dma_start3A_49 = arith.constant 1 : i32
    %dma_start3A_50 = arith.constant 1 : i32
    %dma_start3A_51 = arith.constant 0 : i32
    %dma_start3A_52 = tpu.memref_slice %arg6[%dma_start3A_49, %dma_start3A_50, %dma_start3A_51] : memref<2x2x32xi32, #tpu.memory_space<vmem>> -> memref<1x1x32xi32, #tpu.memory_space<vmem>>
    %dma_start3A_53 = tpu.memref_squeeze %dma_start3A_52 : memref<1x1x32xi32, #tpu.memory_space<vmem>> -> memref<32xi32, #tpu.memory_space<vmem>>
    %dma_start3A_54 = arith.constant 0 : i32
    %dma_start3A_55 = arith.constant 0 : i32
    %dma_start3A_56 = tpu.memref_slice %arg2[%dma_start3A_54, %dma_start3A_55] : memref<4096x1024xf32, #tpu.memory_space<hbm>> -> memref<4096x1024xf32, #tpu.memory_space<hbm>>
    tpu.enqueue_indirect_dma source(%dma_start3A_56 : memref<4096x1024xf32, #tpu.memory_space<hbm>>) target(%arg9 : memref<32x1024xf32, #tpu.memory_space<vmem>>) offsets(%dma_start3A_53 : memref<32xi32, #tpu.memory_space<vmem>>) semaphore(%arg11 : memref<!tpu.dma_semaphore, #tpu.memory_space<semaphore_mem>>)
    %dma_wait3A_57 = arith.constant 0 : i32
    %dma_wait3A_58 = arith.constant 1 : i32
    %dma_wait3A_59 = arith.constant 0 : i32
    %dma_wait3A_60 = tpu.memref_slice %arg6[%dma_wait3A_57, %dma_wait3A_58, %dma_wait3A_59] : memref<2x2x32xi32, #tpu.memory_space<vmem>> -> memref<1x1x32xi32, #tpu.memory_space<vmem>>
    %dma_wait3A_61 = tpu.memref_squeeze %dma_wait3A_60 : memref<1x1x32xi32, #tpu.memory_space<vmem>> -> memref<32xi32, #tpu.memory_space<vmem>>
    %dma_wait3A_62 = arith.constant 0 : i32
    %dma_wait3A_63 = arith.constant 0 : i32
    %dma_wait3A_64 = tpu.memref_slice %arg2[%dma_wait3A_62, %dma_wait3A_63] : memref<4096x1024xf32, #tpu.memory_space<hbm>> -> memref<4096x1024xf32, #tpu.memory_space<hbm>>
    tpu.wait_indirect_dma semaphore(%arg10 : memref<!tpu.dma_semaphore, #tpu.memory_space<semaphore_mem>>) src(%dma_wait3A_64 : memref<4096x1024xf32, #tpu.memory_space<hbm>>) dst(%arg8 : memref<32x1024xf32, #tpu.memory_space<vmem>>)
    %dma_wait3A_65 = arith.constant 1 : i32
    %dma_wait3A_66 = arith.constant 1 : i32
    %dma_wait3A_67 = arith.constant 0 : i32
    %dma_wait3A_68 = tpu.memref_slice %arg6[%dma_wait3A_65, %dma_wait3A_66, %dma_wait3A_67] : memref<2x2x32xi32, #tpu.memory_space<vmem>> -> memref<1x1x32xi32, #tpu.memory_space<vmem>>
    %dma_wait3A_69 = tpu.memref_squeeze %dma_wait3A_68 : memref<1x1x32xi32, #tpu.memory_space<vmem>> -> memref<32xi32, #tpu.memory_space<vmem>>
    %dma_wait3A_70 = arith.constant 0 : i32
    %dma_wait3A_71 = arith.constant 0 : i32
    %dma_wait3A_72 = tpu.memref_slice %arg2[%dma_wait3A_70, %dma_wait3A_71] : memref<4096x1024xf32, #tpu.memory_space<hbm>> -> memref<4096x1024xf32, #tpu.memory_space<hbm>>
    tpu.wait_indirect_dma semaphore(%arg11 : memref<!tpu.dma_semaphore, #tpu.memory_space<semaphore_mem>>) src(%dma_wait3A_72 : memref<4096x1024xf32, #tpu.memory_space<hbm>>) dst(%arg9 : memref<32x1024xf32, #tpu.memory_space<vmem>>)
    %scan3A_73 = arith.constant 0 : i32
    %scan3A_74 = arith.constant 0 : i32
    %scan3A_75 = arith.constant 32 : i32
    %scan3A_76 = arith.addi %scan3A_74, %scan3A_75 : i32
    %scan3A_77 = arith.constant 1 : i32
    %scan3A_78 = scf.for %scan3A_82 = %scan3A_74 to %scan3A_76 step %scan3A_77 iter_args(%scan3A_83 = %scan3A_73) -> (i32)  : i32 {
      %add3A_84 = arith.constant 32 : i32
      %add3A_85 = arith.addi %add3A_84, %scan3A_82 : i32
      %get3A = arith.constant 0 : i32
      %get3A_86 = arith.index_cast %get3A : i32 to index
      %get3A_87 = arith.index_cast %add3A_85 : i32 to index
      %get3A_88 = arith.constant 0 : index
      %get3A_89 = tpu.vector_load %arg7[%get3A_86, %get3A_87, %get3A_88] {strides = array<i32>} : memref<2x64x16xf32, #tpu.memory_space<vmem>>, vector<1x1x16xf32>,
      %get3A_90 = vector.shape_cast %get3A_89 : vector<1x1x16xf32> to vector<16xf32>
      %add3A_91 = arith.constant 32 : i32
      %add3A_92 = arith.addi %add3A_91, %scan3A_82 : i32
      %get3A_93 = arith.constant 1 : i32
      %get3A_94 = arith.index_cast %get3A_93 : i32 to index
      %get3A_95 = arith.index_cast %add3A_92 : i32 to index
      %get3A_96 = arith.constant 0 : index
      %get3A_97 = tpu.vector_load %arg7[%get3A_94, %get3A_95, %get3A_96] {strides = array<i32>} : memref<2x64x16xf32, #tpu.memory_space<vmem>>, vector<1x1x16xf32>,
      %get3A_98 = vector.shape_cast %get3A_97 : vector<1x1x16xf32> to vector<16xf32>
      %scan3A_99 = arith.constant 0 : i32
      %scan3A_100 = arith.constant 0 : i32
      %scan3A_101 = arith.constant 64 : i32
      %scan3A_102 = arith.addi %scan3A_100, %scan3A_101 : i32
      %scan3A_103 = arith.constant 4 : i32
      %scan3A_104 = scf.for %scan3A_107 = %scan3A_100 to %scan3A_102 step %scan3A_103 iter_args(%scan3A_108 = %scan3A_99) -> (i32)  : i32 {
        %mul3A_109 = arith.constant 16 : i32
        %mul3A_110 = arith.muli %scan3A_107, %mul3A_109 : i32
        %get3A_111 = arith.index_cast %scan3A_82 : i32 to index
        %get3A_112 = arith.index_cast %mul3A_110 : i32 to index
        %get3A_113 = tpu.vector_load %arg8[%get3A_111, %get3A_112] {strides = array<i32>} : memref<32x1024xf32, #tpu.memory_space<vmem>>, vector<1x16xf32>,
        %get3A_114 = vector.shape_cast %get3A_113 : vector<1x16xf32> to vector<16xf32>
        %get3A_115 = arith.index_cast %scan3A_82 : i32 to index
        %get3A_116 = arith.index_cast %mul3A_110 : i32 to index
        %get3A_117 = tpu.vector_load %arg9[%get3A_115, %get3A_116] {strides = array<i32>} : memref<32x1024xf32, #tpu.memory_space<vmem>>, vector<1x16xf32>,
        %get3A_118 = vector.shape_cast %get3A_117 : vector<1x16xf32> to vector<16xf32>
        %mul3A_119 = arith.mulf %get3A_90, %get3A_114 : vector<16xf32>
        %mul3A_120 = arith.mulf %get3A_98, %get3A_118 : vector<16xf32>
        %add3A_121 = arith.addf %mul3A_119, %mul3A_120 : vector<16xf32>
        %swap3A = arith.index_cast %scan3A_82 : i32 to index
        %swap3A_122 = arith.index_cast %mul3A_110 : i32 to index
        %swap3A_123 = tpu.vector_load %arg8[%swap3A, %swap3A_122] {strides = array<i32>} : memref<32x1024xf32, #tpu.memory_space<vmem>>, vector<1x16xf32>,
        %swap3A_124 = vector.shape_cast %swap3A_123 : vector<1x16xf32> to vector<16xf32>
        %swap3A_125 = vector.shape_cast %add3A_121 : vector<16xf32> to vector<1x16xf32>
        tpu.vector_store %arg8[%swap3A, %swap3A_122], %swap3A_125 {strides = array<i32>} : memref<32x1024xf32, #tpu.memory_space<vmem>>, vector<1x16xf32>,
        %scan3A_126 = arith.constant 0 : i32
        %scan3A_127 = arith.constant 1 : i32
        %scan3A_128 = arith.addi %scan3A_107, %scan3A_127 : i32
        %mul3A_129 = arith.constant 16 : i32
        %mul3A_130 = arith.muli %scan3A_128, %mul3A_129 : i32
        %get3A_131 = arith.index_cast %scan3A_82 : i32 to index
        %get3A_132 = arith.index_cast %mul3A_130 : i32 to index
        %get3A_133 = tpu.vector_load %arg8[%get3A_131, %get3A_132] {strides = array<i32>} : memref<32x1024xf32, #tpu.memory_space<vmem>>, vector<1x16xf32>,
        %get3A_134 = vector.shape_cast %get3A_133 : vector<1x16xf32> to vector<16xf32>
        %get3A_135 = arith.index_cast %scan3A_82 : i32 to index
        %get3A_136 = arith.index_cast %mul3A_130 : i32 to index
        %get3A_137 = tpu.vector_load %arg9[%get3A_135, %get3A_136] {strides = array<i32>} : memref<32x1024xf32, #tpu.memory_space<vmem>>, vector<1x16xf32>,
        %get3A_138 = vector.shape_cast %get3A_137 : vector<1x16xf32> to vector<16xf32>
        %mul3A_139 = arith.mulf %get3A_90, %get3A_134 : vector<16xf32>
        %mul3A_140 = arith.mulf %get3A_98, %get3A_138 : vector<16xf32>
        %add3A_141 = arith.addf %mul3A_139, %mul3A_140 : vector<16xf32>
        %swap3A_142 = arith.index_cast %scan3A_82 : i32 to index
        %swap3A_143 = arith.index_cast %mul3A_130 : i32 to index
        %swap3A_144 = tpu.vector_load %arg8[%swap3A_142, %swap3A_143] {strides = array<i32>} : memref<32x1024xf32, #tpu.memory_space<vmem>>, vector<1x16xf32>,
        %swap3A_145 = vector.shape_cast %swap3A_144 : vector<1x16xf32> to vector<16xf32>
        %swap3A_146 = vector.shape_cast %add3A_141 : vector<16xf32> to vector<1x16xf32>
        tpu.vector_store %arg8[%swap3A_142, %swap3A_143], %swap3A_146 {strides = array<i32>} : memref<32x1024xf32, #tpu.memory_space<vmem>>, vector<1x16xf32>,
        %scan3A_147 = arith.constant 0 : i32
        %scan3A_148 = arith.constant 2 : i32
        %scan3A_149 = arith.addi %scan3A_107, %scan3A_148 : i32
        %mul3A_150 = arith.constant 16 : i32
        %mul3A_151 = arith.muli %scan3A_149, %mul3A_150 : i32
        %get3A_152 = arith.index_cast %scan3A_82 : i32 to index
        %get3A_153 = arith.index_cast %mul3A_151 : i32 to index
        %get3A_154 = tpu.vector_load %arg8[%get3A_152, %get3A_153] {strides = array<i32>} : memref<32x1024xf32, #tpu.memory_space<vmem>>, vector<1x16xf32>,
        %get3A_155 = vector.shape_cast %get3A_154 : vector<1x16xf32> to vector<16xf32>
        %get3A_156 = arith.index_cast %scan3A_82 : i32 to index
        %get3A_157 = arith.index_cast %mul3A_151 : i32 to index
        %get3A_158 = tpu.vector_load %arg9[%get3A_156, %get3A_157] {strides = array<i32>} : memref<32x1024xf32, #tpu.memory_space<vmem>>, vector<1x16xf32>,
        %get3A_159 = vector.shape_cast %get3A_158 : vector<1x16xf32> to vector<16xf32>
        %mul3A_160 = arith.mulf %get3A_90, %get3A_155 : vector<16xf32>
        %mul3A_161 = arith.mulf %get3A_98, %get3A_159 : vector<16xf32>
        %add3A_162 = arith.addf %mul3A_160, %mul3A_161 : vector<16xf32>
        %swap3A_163 = arith.index_cast %scan3A_82 : i32 to index
        %swap3A_164 = arith.index_cast %mul3A_151 : i32 to index
        %swap3A_165 = tpu.vector_load %arg8[%swap3A_163, %swap3A_164] {strides = array<i32>} : memref<32x1024xf32, #tpu.memory_space<vmem>>, vector<1x16xf32>,
        %swap3A_166 = vector.shape_cast %swap3A_165 : vector<1x16xf32> to vector<16xf32>
        %swap3A_167 = vector.shape_cast %add3A_162 : vector<16xf32> to vector<1x16xf32>
        tpu.vector_store %arg8[%swap3A_163, %swap3A_164], %swap3A_167 {strides = array<i32>} : memref<32x1024xf32, #tpu.memory_space<vmem>>, vector<1x16xf32>,
        %scan3A_168 = arith.constant 0 : i32
        %scan3A_169 = arith.constant 3 : i32
        %scan3A_170 = arith.addi %scan3A_107, %scan3A_169 : i32
        %mul3A_171 = arith.constant 16 : i32
        %mul3A_172 = arith.muli %scan3A_170, %mul3A_171 : i32
        %get3A_173 = arith.index_cast %scan3A_82 : i32 to index
        %get3A_174 = arith.index_cast %mul3A_172 : i32 to index
        %get3A_175 = tpu.vector_load %arg8[%get3A_173, %get3A_174] {strides = array<i32>} : memref<32x1024xf32, #tpu.memory_space<vmem>>, vector<1x16xf32>,
        %get3A_176 = vector.shape_cast %get3A_175 : vector<1x16xf32> to vector<16xf32>
        %get3A_177 = arith.index_cast %scan3A_82 : i32 to index
        %get3A_178 = arith.index_cast %mul3A_172 : i32 to index
        %get3A_179 = tpu.vector_load %arg9[%get3A_177, %get3A_178] {strides = array<i32>} : memref<32x1024xf32, #tpu.memory_space<vmem>>, vector<1x16xf32>,
        %get3A_180 = vector.shape_cast %get3A_179 : vector<1x16xf32> to vector<16xf32>
        %mul3A_181 = arith.mulf %get3A_90, %get3A_176 : vector<16xf32>
        %mul3A_182 = arith.mulf %get3A_98, %get3A_180 : vector<16xf32>
        %add3A_183 = arith.addf %mul3A_181, %mul3A_182 : vector<16xf32>
        %swap3A_184 = arith.index_cast %scan3A_82 : i32 to index
        %swap3A_185 = arith.index_cast %mul3A_172 : i32 to index
        %swap3A_186 = tpu.vector_load %arg8[%swap3A_184, %swap3A_185] {strides = array<i32>} : memref<32x1024xf32, #tpu.memory_space<vmem>>, vector<1x16xf32>,
        %swap3A_187 = vector.shape_cast %swap3A_186 : vector<1x16xf32> to vector<16xf32>
        %swap3A_188 = vector.shape_cast %add3A_183 : vector<16xf32> to vector<1x16xf32>
        tpu.vector_store %arg8[%swap3A_184, %swap3A_185], %swap3A_188 {strides = array<i32>} : memref<32x1024xf32, #tpu.memory_space<vmem>>, vector<1x16xf32>,
        %scan3A_189 = arith.constant 0 : i32
        scf.yield %scan3A_189 : i32
      }
      %scan3A_105 = arith.constant 64 : i32
      %scan3A_106 = arith.constant 0 : i32
      scf.yield %scan3A_106 : i32
    }
    %scan3A_79 = arith.constant 32 : i32
    %add3A_80 = arith.constant 32 : i32
    %add3A_81 = arith.addi %mul3A_2, %add3A_80 : i32
    "tpu.region"() ({
      %run_scoped3A = tpu.sem_alloc : memref<!tpu.dma_semaphore, #tpu.memory_space<semaphore_mem>>
      %dma_start3A_82 = arith.constant 0 : i32
      %dma_start3A_83 = tpu.memref_slice %arg5[%add3A_81, %dma_start3A_82] : memref<2048x1024xf32, #tpu.memory_space<hbm>> -> memref<32x1024xf32, #tpu.memory_space<hbm>>
      %dma_start3A_84 = arith.constant 0 : i32
      %dma_start3A_85 = tpu.memref_slice %arg5[%add3A_81, %dma_start3A_84] : memref<2048x1024xf32, #tpu.memory_space<hbm>> -> memref<32x1024xf32, #tpu.memory_space<hbm>>
      tpu.enqueue_dma source(%arg8 : memref<32x1024xf32, #tpu.memory_space<vmem>>) target(%dma_start3A_85 : memref<32x1024xf32, #tpu.memory_space<hbm>>) target_semaphore(%run_scoped3A : memref<!tpu.dma_semaphore, #tpu.memory_space<semaphore_mem>>)
      %dma_wait3A_86 = arith.constant 0 : i32
      %dma_wait3A_87 = tpu.memref_slice %arg5[%add3A_81, %dma_wait3A_86] : memref<2048x1024xf32, #tpu.memory_space<hbm>> -> memref<32x1024xf32, #tpu.memory_space<hbm>>
      %dma_wait3A_88 = arith.constant 0 : i32
      %dma_wait3A_89 = tpu.memref_slice %arg5[%add3A_81, %dma_wait3A_88] : memref<2048x1024xf32, #tpu.memory_space<hbm>> -> memref<32x1024xf32, #tpu.memory_space<hbm>>
      tpu.wait_dma2 semaphore(%run_scoped3A : memref<!tpu.dma_semaphore, #tpu.memory_space<semaphore_mem>>) src(%arg8 : memref<32x1024xf32, #tpu.memory_space<vmem>>) dst(%dma_wait3A_89 : memref<32x1024xf32, #tpu.memory_space<hbm>>)
      tpu.yield
    }) : () -> ()
    return
  }
}

module attributes {stable_mosaic.version = 14 : i64} {
  func.func @_router_compute(%arg0: memref<2048x1024xf32, #tpu.memory_space<vmem>>, %arg1: memref<8x1024xf32, #tpu.memory_space<vmem>>, %arg2: memref<1x8xf32, #tpu.memory_space<vmem>>, %arg3: memref<4096x1xi32, #tpu.memory_space<vmem>>, %arg4: memref<2048x2xf32, #tpu.memory_space<vmem>>, %arg5: memref<1x8xf32, #tpu.memory_space<vmem>>, %arg6: memref<1x1xf32, #tpu.memory_space<vmem>>) attributes {dimension_semantics = [], scalar_prefetch = 0 : i64, scratch_operands = 0 : i64, tpu.core_type = #tpu.core_type<tc>} {
    %get3A = arith.constant 0 : index
    %get3A_0 = arith.constant 0 : index
    %get3A_1 = vector.load %arg0[%get3A, %get3A_0] : memref<2048x1024xf32, #tpu.memory_space<vmem>>, vector<2048x1024xf32>
    %get3A_2 = arith.constant 0 : index
    %get3A_3 = arith.constant 0 : index
    %get3A_4 = vector.load %arg1[%get3A_2, %get3A_3] : memref<8x1024xf32, #tpu.memory_space<vmem>>, vector<8x1024xf32>
    %dot_general3A = arith.constant dense<0.000000e+00> : vector<2048x8xf32>
    %dot_general3A_5 = tpu.matmul %get3A_1, %get3A_4, %dot_general3A {dimension_numbers = #tpu.dot_dimension_numbers<[1], [1], [0], [0], [0, 0, 1, 0], [], []>, transpose_lhs_hint = false} : vector<2048x1024xf32>, vector<8x1024xf32>, vector<2048x8xf32> -> vector<2048x8xf32>
    %get3A_6 = arith.constant 0 : index
    %get3A_7 = arith.constant 0 : index
    %get3A_8 = vector.load %arg2[%get3A_6, %get3A_7] : memref<1x8xf32, #tpu.memory_space<vmem>>, vector<1x8xf32>
    %add3A = vector.broadcast %get3A_8 : vector<1x8xf32> to vector<2048x8xf32>
    %add3A_9 = arith.addf %dot_general3A_5, %add3A : vector<2048x8xf32>
    %reduce_max3A = arith.constant dense<0xFF800000> : vector<2048xf32>
    %reduce_max3A_10 = vector.multi_reduction <maximumf>, %add3A_9, %reduce_max3A [1] : vector<2048x8xf32> to vector<2048xf32>
    %broadcast_in_dim3A = vector.shape_cast %reduce_max3A_10 : vector<2048xf32> to vector<2048x1xf32>
    %sub3A = vector.broadcast %broadcast_in_dim3A : vector<2048x1xf32> to vector<2048x8xf32>
    %sub3A_11 = arith.subf %add3A_9, %sub3A : vector<2048x8xf32>
    %exp3A = math.exp %sub3A_11 : vector<2048x8xf32>
    %reduce_sum3A = arith.constant dense<0.000000e+00> : vector<2048xf32>
    %reduce_sum3A_12 = vector.multi_reduction <add>, %exp3A, %reduce_sum3A [1] : vector<2048x8xf32> to vector<2048xf32>
    %broadcast_in_dim3A_13 = vector.shape_cast %reduce_sum3A_12 : vector<2048xf32> to vector<2048x1xf32>
    %div3A = vector.broadcast %broadcast_in_dim3A_13 : vector<2048x1xf32> to vector<2048x8xf32>
    %div3A_14 = arith.divf %exp3A, %div3A : vector<2048x8xf32>
    %iota3A = tpu.iota {dimensions = array<i32: 1>} : vector<2048x8xi32>
    %reduce_max3A_15 = arith.constant dense<0xFF800000> : vector<2048xf32>
    %reduce_max3A_16 = vector.multi_reduction <maximumf>, %div3A_14, %reduce_max3A_15 [1] : vector<2048x8xf32> to vector<2048xf32>
    %broadcast_in_dim3A_17 = vector.shape_cast %reduce_max3A_16 : vector<2048xf32> to vector<2048x1xf32>
    %eq3A = vector.broadcast %broadcast_in_dim3A_17 : vector<2048x1xf32> to vector<2048x8xf32>
    %eq3A_18 = arith.cmpf oeq, %div3A_14, %eq3A : vector<2048x8xf32>
    %jit3A = arith.constant 8 : i32
    %broadcast_in_dim3A_19 = vector.broadcast %jit3A : i32 to vector<2048x8xi32>
    %select_n3A = arith.select %eq3A_18, %iota3A, %broadcast_in_dim3A_19 : vector<2048x8xi1>, vector<2048x8xi32>
    %reduce_min3A = arith.constant dense<2147483647> : vector<2048xi32>
    %reduce_min3A_20 = vector.multi_reduction <minsi>, %select_n3A, %reduce_min3A [1] : vector<2048x8xi32> to vector<2048xi32>
    %broadcast_in_dim3A_21 = vector.shape_cast %reduce_min3A_20 : vector<2048xi32> to vector<2048x1xi32>
    %eq3A_22 = vector.broadcast %broadcast_in_dim3A_21 : vector<2048x1xi32> to vector<2048x8xi32>
    %eq3A_23 = arith.cmpi eq, %iota3A, %eq3A_22 : vector<2048x8xi32>
    %jit3A_24 = arith.constant -1.000000e+00 : f32
    %broadcast_in_dim3A_25 = vector.broadcast %jit3A_24 : f32 to vector<2048x8xf32>
    %select_n3A_26 = arith.select %eq3A_23, %broadcast_in_dim3A_25, %div3A_14 : vector<2048x8xi1>, vector<2048x8xf32>
    %reduce_max3A_27 = arith.constant dense<0xFF800000> : vector<2048xf32>
    %reduce_max3A_28 = vector.multi_reduction <maximumf>, %select_n3A_26, %reduce_max3A_27 [1] : vector<2048x8xf32> to vector<2048xf32>
    %broadcast_in_dim3A_29 = vector.shape_cast %reduce_max3A_28 : vector<2048xf32> to vector<2048x1xf32>
    %eq3A_30 = vector.broadcast %broadcast_in_dim3A_29 : vector<2048x1xf32> to vector<2048x8xf32>
    %eq3A_31 = arith.cmpf oeq, %select_n3A_26, %eq3A_30 : vector<2048x8xf32>
    %jit3A_32 = arith.constant 8 : i32
    %broadcast_in_dim3A_33 = vector.broadcast %jit3A_32 : i32 to vector<2048x8xi32>
    %select_n3A_34 = arith.select %eq3A_31, %iota3A, %broadcast_in_dim3A_33 : vector<2048x8xi1>, vector<2048x8xi32>
    %reduce_min3A_35 = arith.constant dense<2147483647> : vector<2048xi32>
    %reduce_min3A_36 = vector.multi_reduction <minsi>, %select_n3A_34, %reduce_min3A_35 [1] : vector<2048x8xi32> to vector<2048xi32>
    %broadcast_in_dim3A_37 = vector.shape_cast %reduce_min3A_36 : vector<2048xi32> to vector<2048x1xi32>
    %eq3A_38 = vector.broadcast %broadcast_in_dim3A_37 : vector<2048x1xi32> to vector<2048x8xi32>
    %eq3A_39 = arith.cmpi eq, %iota3A, %eq3A_38 : vector<2048x8xi32>
    %convert_element_type3A = arith.extui %eq3A_23 : vector<2048x8xi1> to vector<2048x8xi32>
    %convert_element_type3A_40 = arith.sitofp %convert_element_type3A : vector<2048x8xi32> to vector<2048x8xf32>
    %convert_element_type3A_41 = arith.extui %eq3A_39 : vector<2048x8xi1> to vector<2048x8xi32>
    %convert_element_type3A_42 = arith.sitofp %convert_element_type3A_41 : vector<2048x8xi32> to vector<2048x8xf32>
    %reduce_sum3A_43 = arith.constant dense<0.000000e+00> : vector<8xf32>
    %reduce_sum3A_44 = vector.multi_reduction <add>, %convert_element_type3A_40, %reduce_sum3A_43 [0] : vector<2048x8xf32> to vector<8xf32>
    %broadcast_in_dim3A_45 = vector.shape_cast %reduce_sum3A_44 : vector<8xf32> to vector<1x8xf32>
    %reduce_sum3A_46 = arith.constant dense<0.000000e+00> : vector<8xf32>
    %reduce_sum3A_47 = vector.multi_reduction <add>, %convert_element_type3A_42, %reduce_sum3A_46 [0] : vector<2048x8xf32> to vector<8xf32>
    %broadcast_in_dim3A_48 = vector.shape_cast %reduce_sum3A_47 : vector<8xf32> to vector<1x8xf32>
    %add3A_49 = arith.addf %broadcast_in_dim3A_45, %broadcast_in_dim3A_48 : vector<1x8xf32>
    %broadcast_in_dim3A_50 = arith.constant 0.000000e+00 : f32
    %broadcast_in_dim3A_51 = vector.broadcast %broadcast_in_dim3A_50 : f32 to vector<1x1xf32>
    %slice3A = vector.extract_strided_slice %add3A_49 {offsets = [0, 0], sizes = [1, 7], strides = [1, 1]} : vector<1x8xf32> to vector<1x7xf32>
    %concatenate3A = tpu.concatenate %broadcast_in_dim3A_51, %slice3A in 1 : vector<1x1xf32>, vector<1x7xf32> -> vector<1x8xf32>
    %add3A_52 = arith.addf %add3A_49, %concatenate3A : vector<1x8xf32>
    %broadcast_in_dim3A_53 = arith.constant 0.000000e+00 : f32
    %broadcast_in_dim3A_54 = vector.broadcast %broadcast_in_dim3A_53 : f32 to vector<1x2xf32>
    %slice3A_55 = vector.extract_strided_slice %add3A_52 {offsets = [0, 0], sizes = [1, 6], strides = [1, 1]} : vector<1x8xf32> to vector<1x6xf32>
    %concatenate3A_56 = tpu.concatenate %broadcast_in_dim3A_54, %slice3A_55 in 1 : vector<1x2xf32>, vector<1x6xf32> -> vector<1x8xf32>
    %add3A_57 = arith.addf %add3A_52, %concatenate3A_56 : vector<1x8xf32>
    %broadcast_in_dim3A_58 = arith.constant 0.000000e+00 : f32
    %broadcast_in_dim3A_59 = vector.broadcast %broadcast_in_dim3A_58 : f32 to vector<1x4xf32>
    %slice3A_60 = vector.extract_strided_slice %add3A_57 {offsets = [0, 0], sizes = [1, 4], strides = [1, 1]} : vector<1x8xf32> to vector<1x4xf32>
    %concatenate3A_61 = tpu.concatenate %broadcast_in_dim3A_59, %slice3A_60 in 1 : vector<1x4xf32>, vector<1x4xf32> -> vector<1x8xf32>
    %add3A_62 = arith.addf %add3A_57, %concatenate3A_61 : vector<1x8xf32>
    %sub3A_63 = arith.subf %add3A_62, %add3A_49 : vector<1x8xf32>
    %iota3A_64 = tpu.iota {dimensions = array<i32: 0>} : vector<128x128xi32>
    %iota3A_65 = tpu.iota {dimensions = array<i32: 1>} : vector<128x128xi32>
    %gt3A = arith.cmpi sgt, %iota3A_64, %iota3A_65 : vector<128x128xi32>
    %convert_element_type3A_66 = arith.extui %gt3A : vector<128x128xi1> to vector<128x128xi32>
    %convert_element_type3A_67 = arith.sitofp %convert_element_type3A_66 : vector<128x128xi32> to vector<128x128xf32>
    %broadcast_in_dim3A_68 = arith.constant 0.000000e+00 : f32
    %broadcast_in_dim3A_69 = vector.broadcast %broadcast_in_dim3A_68 : f32 to vector<1x8xf32>
    %slice3A_70 = vector.extract_strided_slice %convert_element_type3A_40 {offsets = [0, 0], sizes = [128, 8], strides = [1, 1]} : vector<2048x8xf32> to vector<128x8xf32>
    %dot_general3A_71 = arith.constant dense<0.000000e+00> : vector<128x8xf32>
    %dot_general3A_72 = tpu.matmul %convert_element_type3A_67, %slice3A_70, %dot_general3A_71 {dimension_numbers = #tpu.dot_dimension_numbers<[1], [0], [0], [1], [0, 0, 1, 1], [], []>, transpose_lhs_hint = false} : vector<128x128xf32>, vector<128x8xf32>, vector<128x8xf32> -> vector<128x8xf32>
    %add3A_73 = vector.broadcast %broadcast_in_dim3A_69 : vector<1x8xf32> to vector<128x8xf32>
    %add3A_74 = arith.addf %dot_general3A_72, %add3A_73 : vector<128x8xf32>
    %add3A_75 = vector.broadcast %sub3A_63 : vector<1x8xf32> to vector<128x8xf32>
    %add3A_76 = arith.addf %add3A_74, %add3A_75 : vector<128x8xf32>
    %mul3A = arith.mulf %slice3A_70, %add3A_76 : vector<128x8xf32>
    %reduce_sum3A_77 = arith.constant dense<0.000000e+00> : vector<128xf32>
    %reduce_sum3A_78 = vector.multi_reduction <add>, %mul3A, %reduce_sum3A_77 [1] : vector<128x8xf32> to vector<128xf32>
    %broadcast_in_dim3A_79 = vector.shape_cast %reduce_sum3A_78 : vector<128xf32> to vector<128x1xf32>
    %convert_element_type3A_80 = arith.fptosi %broadcast_in_dim3A_79 : vector<128x1xf32> to vector<128x1xi32>
    %swap3A = arith.constant 0 : index
    %swap3A_81 = arith.constant 0 : index
    %swap3A_82 = vector.load %arg3[%swap3A, %swap3A_81] : memref<4096x1xi32, #tpu.memory_space<vmem>>, vector<128x1xi32>
    tpu.vector_store %arg3[%swap3A, %swap3A_81], %convert_element_type3A_80 {strides = array<i32>} : memref<4096x1xi32, #tpu.memory_space<vmem>>, vector<128x1xi32>,
    %reduce_sum3A_83 = arith.constant dense<0.000000e+00> : vector<8xf32>
    %reduce_sum3A_84 = vector.multi_reduction <add>, %slice3A_70, %reduce_sum3A_83 [0] : vector<128x8xf32> to vector<8xf32>
    %broadcast_in_dim3A_85 = vector.shape_cast %reduce_sum3A_84 : vector<8xf32> to vector<1x8xf32>
    %add3A_86 = arith.addf %broadcast_in_dim3A_69, %broadcast_in_dim3A_85 : vector<1x8xf32>
    %slice3A_87 = vector.extract_strided_slice %convert_element_type3A_40 {offsets = [128, 0], sizes = [128, 8], strides = [1, 1]} : vector<2048x8xf32> to vector<128x8xf32>
    %dot_general3A_88 = arith.constant dense<0.000000e+00> : vector<128x8xf32>
    %dot_general3A_89 = tpu.matmul %convert_element_type3A_67, %slice3A_87, %dot_general3A_88 {dimension_numbers = #tpu.dot_dimension_numbers<[1], [0], [0], [1], [0, 0, 1, 1], [], []>, transpose_lhs_hint = false} : vector<128x128xf32>, vector<128x8xf32>, vector<128x8xf32> -> vector<128x8xf32>
    %add3A_90 = vector.broadcast %add3A_86 : vector<1x8xf32> to vector<128x8xf32>
    %add3A_91 = arith.addf %dot_general3A_89, %add3A_90 : vector<128x8xf32>
    %add3A_92 = vector.broadcast %sub3A_63 : vector<1x8xf32> to vector<128x8xf32>
    %add3A_93 = arith.addf %add3A_91, %add3A_92 : vector<128x8xf32>
    %mul3A_94 = arith.mulf %slice3A_87, %add3A_93 : vector<128x8xf32>
    %reduce_sum3A_95 = arith.constant dense<0.000000e+00> : vector<128xf32>
    %reduce_sum3A_96 = vector.multi_reduction <add>, %mul3A_94, %reduce_sum3A_95 [1] : vector<128x8xf32> to vector<128xf32>
    %broadcast_in_dim3A_97 = vector.shape_cast %reduce_sum3A_96 : vector<128xf32> to vector<128x1xf32>
    %convert_element_type3A_98 = arith.fptosi %broadcast_in_dim3A_97 : vector<128x1xf32> to vector<128x1xi32>
    %swap3A_99 = arith.constant 128 : index
    %swap3A_100 = arith.constant 0 : index
    %swap3A_101 = vector.load %arg3[%swap3A_99, %swap3A_100] : memref<4096x1xi32, #tpu.memory_space<vmem>>, vector<128x1xi32>
    tpu.vector_store %arg3[%swap3A_99, %swap3A_100], %convert_element_type3A_98 {strides = array<i32>} : memref<4096x1xi32, #tpu.memory_space<vmem>>, vector<128x1xi32>,
    %reduce_sum3A_102 = arith.constant dense<0.000000e+00> : vector<8xf32>
    %reduce_sum3A_103 = vector.multi_reduction <add>, %slice3A_87, %reduce_sum3A_102 [0] : vector<128x8xf32> to vector<8xf32>
    %broadcast_in_dim3A_104 = vector.shape_cast %reduce_sum3A_103 : vector<8xf32> to vector<1x8xf32>
    %add3A_105 = arith.addf %add3A_86, %broadcast_in_dim3A_104 : vector<1x8xf32>
    %slice3A_106 = vector.extract_strided_slice %convert_element_type3A_40 {offsets = [256, 0], sizes = [128, 8], strides = [1, 1]} : vector<2048x8xf32> to vector<128x8xf32>
    %dot_general3A_107 = arith.constant dense<0.000000e+00> : vector<128x8xf32>
    %dot_general3A_108 = tpu.matmul %convert_element_type3A_67, %slice3A_106, %dot_general3A_107 {dimension_numbers = #tpu.dot_dimension_numbers<[1], [0], [0], [1], [0, 0, 1, 1], [], []>, transpose_lhs_hint = false} : vector<128x128xf32>, vector<128x8xf32>, vector<128x8xf32> -> vector<128x8xf32>
    %add3A_109 = vector.broadcast %add3A_105 : vector<1x8xf32> to vector<128x8xf32>
    %add3A_110 = arith.addf %dot_general3A_108, %add3A_109 : vector<128x8xf32>
    %add3A_111 = vector.broadcast %sub3A_63 : vector<1x8xf32> to vector<128x8xf32>
    %add3A_112 = arith.addf %add3A_110, %add3A_111 : vector<128x8xf32>
    %mul3A_113 = arith.mulf %slice3A_106, %add3A_112 : vector<128x8xf32>
    %reduce_sum3A_114 = arith.constant dense<0.000000e+00> : vector<128xf32>
    %reduce_sum3A_115 = vector.multi_reduction <add>, %mul3A_113, %reduce_sum3A_114 [1] : vector<128x8xf32> to vector<128xf32>
    %broadcast_in_dim3A_116 = vector.shape_cast %reduce_sum3A_115 : vector<128xf32> to vector<128x1xf32>
    %convert_element_type3A_117 = arith.fptosi %broadcast_in_dim3A_116 : vector<128x1xf32> to vector<128x1xi32>
    %swap3A_118 = arith.constant 256 : index
    %swap3A_119 = arith.constant 0 : index
    %swap3A_120 = vector.load %arg3[%swap3A_118, %swap3A_119] : memref<4096x1xi32, #tpu.memory_space<vmem>>, vector<128x1xi32>
    tpu.vector_store %arg3[%swap3A_118, %swap3A_119], %convert_element_type3A_117 {strides = array<i32>} : memref<4096x1xi32, #tpu.memory_space<vmem>>, vector<128x1xi32>,
    %reduce_sum3A_121 = arith.constant dense<0.000000e+00> : vector<8xf32>
    %reduce_sum3A_122 = vector.multi_reduction <add>, %slice3A_106, %reduce_sum3A_121 [0] : vector<128x8xf32> to vector<8xf32>
    %broadcast_in_dim3A_123 = vector.shape_cast %reduce_sum3A_122 : vector<8xf32> to vector<1x8xf32>
    %add3A_124 = arith.addf %add3A_105, %broadcast_in_dim3A_123 : vector<1x8xf32>
    %slice3A_125 = vector.extract_strided_slice %convert_element_type3A_40 {offsets = [384, 0], sizes = [128, 8], strides = [1, 1]} : vector<2048x8xf32> to vector<128x8xf32>
    %dot_general3A_126 = arith.constant dense<0.000000e+00> : vector<128x8xf32>
    %dot_general3A_127 = tpu.matmul %convert_element_type3A_67, %slice3A_125, %dot_general3A_126 {dimension_numbers = #tpu.dot_dimension_numbers<[1], [0], [0], [1], [0, 0, 1, 1], [], []>, transpose_lhs_hint = false} : vector<128x128xf32>, vector<128x8xf32>, vector<128x8xf32> -> vector<128x8xf32>
    %add3A_128 = vector.broadcast %add3A_124 : vector<1x8xf32> to vector<128x8xf32>
    %add3A_129 = arith.addf %dot_general3A_127, %add3A_128 : vector<128x8xf32>
    %add3A_130 = vector.broadcast %sub3A_63 : vector<1x8xf32> to vector<128x8xf32>
    %add3A_131 = arith.addf %add3A_129, %add3A_130 : vector<128x8xf32>
    %mul3A_132 = arith.mulf %slice3A_125, %add3A_131 : vector<128x8xf32>
    %reduce_sum3A_133 = arith.constant dense<0.000000e+00> : vector<128xf32>
    %reduce_sum3A_134 = vector.multi_reduction <add>, %mul3A_132, %reduce_sum3A_133 [1] : vector<128x8xf32> to vector<128xf32>
    %broadcast_in_dim3A_135 = vector.shape_cast %reduce_sum3A_134 : vector<128xf32> to vector<128x1xf32>
    %convert_element_type3A_136 = arith.fptosi %broadcast_in_dim3A_135 : vector<128x1xf32> to vector<128x1xi32>
    %swap3A_137 = arith.constant 384 : index
    %swap3A_138 = arith.constant 0 : index
    %swap3A_139 = vector.load %arg3[%swap3A_137, %swap3A_138] : memref<4096x1xi32, #tpu.memory_space<vmem>>, vector<128x1xi32>
    tpu.vector_store %arg3[%swap3A_137, %swap3A_138], %convert_element_type3A_136 {strides = array<i32>} : memref<4096x1xi32, #tpu.memory_space<vmem>>, vector<128x1xi32>,
    %reduce_sum3A_140 = arith.constant dense<0.000000e+00> : vector<8xf32>
    %reduce_sum3A_141 = vector.multi_reduction <add>, %slice3A_125, %reduce_sum3A_140 [0] : vector<128x8xf32> to vector<8xf32>
    %broadcast_in_dim3A_142 = vector.shape_cast %reduce_sum3A_141 : vector<8xf32> to vector<1x8xf32>
    %add3A_143 = arith.addf %add3A_124, %broadcast_in_dim3A_142 : vector<1x8xf32>
    %slice3A_144 = vector.extract_strided_slice %convert_element_type3A_40 {offsets = [512, 0], sizes = [128, 8], strides = [1, 1]} : vector<2048x8xf32> to vector<128x8xf32>
    %dot_general3A_145 = arith.constant dense<0.000000e+00> : vector<128x8xf32>
    %dot_general3A_146 = tpu.matmul %convert_element_type3A_67, %slice3A_144, %dot_general3A_145 {dimension_numbers = #tpu.dot_dimension_numbers<[1], [0], [0], [1], [0, 0, 1, 1], [], []>, transpose_lhs_hint = false} : vector<128x128xf32>, vector<128x8xf32>, vector<128x8xf32> -> vector<128x8xf32>
    %add3A_147 = vector.broadcast %add3A_143 : vector<1x8xf32> to vector<128x8xf32>
    %add3A_148 = arith.addf %dot_general3A_146, %add3A_147 : vector<128x8xf32>
    %add3A_149 = vector.broadcast %sub3A_63 : vector<1x8xf32> to vector<128x8xf32>
    %add3A_150 = arith.addf %add3A_148, %add3A_149 : vector<128x8xf32>
    %mul3A_151 = arith.mulf %slice3A_144, %add3A_150 : vector<128x8xf32>
    %reduce_sum3A_152 = arith.constant dense<0.000000e+00> : vector<128xf32>
    %reduce_sum3A_153 = vector.multi_reduction <add>, %mul3A_151, %reduce_sum3A_152 [1] : vector<128x8xf32> to vector<128xf32>
    %broadcast_in_dim3A_154 = vector.shape_cast %reduce_sum3A_153 : vector<128xf32> to vector<128x1xf32>
    %convert_element_type3A_155 = arith.fptosi %broadcast_in_dim3A_154 : vector<128x1xf32> to vector<128x1xi32>
    %swap3A_156 = arith.constant 512 : index
    %swap3A_157 = arith.constant 0 : index
    %swap3A_158 = vector.load %arg3[%swap3A_156, %swap3A_157] : memref<4096x1xi32, #tpu.memory_space<vmem>>, vector<128x1xi32>
    tpu.vector_store %arg3[%swap3A_156, %swap3A_157], %convert_element_type3A_155 {strides = array<i32>} : memref<4096x1xi32, #tpu.memory_space<vmem>>, vector<128x1xi32>,
    %reduce_sum3A_159 = arith.constant dense<0.000000e+00> : vector<8xf32>
    %reduce_sum3A_160 = vector.multi_reduction <add>, %slice3A_144, %reduce_sum3A_159 [0] : vector<128x8xf32> to vector<8xf32>
    %broadcast_in_dim3A_161 = vector.shape_cast %reduce_sum3A_160 : vector<8xf32> to vector<1x8xf32>
    %add3A_162 = arith.addf %add3A_143, %broadcast_in_dim3A_161 : vector<1x8xf32>
    %slice3A_163 = vector.extract_strided_slice %convert_element_type3A_40 {offsets = [640, 0], sizes = [128, 8], strides = [1, 1]} : vector<2048x8xf32> to vector<128x8xf32>
    %dot_general3A_164 = arith.constant dense<0.000000e+00> : vector<128x8xf32>
    %dot_general3A_165 = tpu.matmul %convert_element_type3A_67, %slice3A_163, %dot_general3A_164 {dimension_numbers = #tpu.dot_dimension_numbers<[1], [0], [0], [1], [0, 0, 1, 1], [], []>, transpose_lhs_hint = false} : vector<128x128xf32>, vector<128x8xf32>, vector<128x8xf32> -> vector<128x8xf32>
    %add3A_166 = vector.broadcast %add3A_162 : vector<1x8xf32> to vector<128x8xf32>
    %add3A_167 = arith.addf %dot_general3A_165, %add3A_166 : vector<128x8xf32>
    %add3A_168 = vector.broadcast %sub3A_63 : vector<1x8xf32> to vector<128x8xf32>
    %add3A_169 = arith.addf %add3A_167, %add3A_168 : vector<128x8xf32>
    %mul3A_170 = arith.mulf %slice3A_163, %add3A_169 : vector<128x8xf32>
    %reduce_sum3A_171 = arith.constant dense<0.000000e+00> : vector<128xf32>
    %reduce_sum3A_172 = vector.multi_reduction <add>, %mul3A_170, %reduce_sum3A_171 [1] : vector<128x8xf32> to vector<128xf32>
    %broadcast_in_dim3A_173 = vector.shape_cast %reduce_sum3A_172 : vector<128xf32> to vector<128x1xf32>
    %convert_element_type3A_174 = arith.fptosi %broadcast_in_dim3A_173 : vector<128x1xf32> to vector<128x1xi32>
    %swap3A_175 = arith.constant 640 : index
    %swap3A_176 = arith.constant 0 : index
    %swap3A_177 = vector.load %arg3[%swap3A_175, %swap3A_176] : memref<4096x1xi32, #tpu.memory_space<vmem>>, vector<128x1xi32>
    tpu.vector_store %arg3[%swap3A_175, %swap3A_176], %convert_element_type3A_174 {strides = array<i32>} : memref<4096x1xi32, #tpu.memory_space<vmem>>, vector<128x1xi32>,
    %reduce_sum3A_178 = arith.constant dense<0.000000e+00> : vector<8xf32>
    %reduce_sum3A_179 = vector.multi_reduction <add>, %slice3A_163, %reduce_sum3A_178 [0] : vector<128x8xf32> to vector<8xf32>
    %broadcast_in_dim3A_180 = vector.shape_cast %reduce_sum3A_179 : vector<8xf32> to vector<1x8xf32>
    %add3A_181 = arith.addf %add3A_162, %broadcast_in_dim3A_180 : vector<1x8xf32>
    %slice3A_182 = vector.extract_strided_slice %convert_element_type3A_40 {offsets = [768, 0], sizes = [128, 8], strides = [1, 1]} : vector<2048x8xf32> to vector<128x8xf32>
    %dot_general3A_183 = arith.constant dense<0.000000e+00> : vector<128x8xf32>
    %dot_general3A_184 = tpu.matmul %convert_element_type3A_67, %slice3A_182, %dot_general3A_183 {dimension_numbers = #tpu.dot_dimension_numbers<[1], [0], [0], [1], [0, 0, 1, 1], [], []>, transpose_lhs_hint = false} : vector<128x128xf32>, vector<128x8xf32>, vector<128x8xf32> -> vector<128x8xf32>
    %add3A_185 = vector.broadcast %add3A_181 : vector<1x8xf32> to vector<128x8xf32>
    %add3A_186 = arith.addf %dot_general3A_184, %add3A_185 : vector<128x8xf32>
    %add3A_187 = vector.broadcast %sub3A_63 : vector<1x8xf32> to vector<128x8xf32>
    %add3A_188 = arith.addf %add3A_186, %add3A_187 : vector<128x8xf32>
    %mul3A_189 = arith.mulf %slice3A_182, %add3A_188 : vector<128x8xf32>
    %reduce_sum3A_190 = arith.constant dense<0.000000e+00> : vector<128xf32>
    %reduce_sum3A_191 = vector.multi_reduction <add>, %mul3A_189, %reduce_sum3A_190 [1] : vector<128x8xf32> to vector<128xf32>
    %broadcast_in_dim3A_192 = vector.shape_cast %reduce_sum3A_191 : vector<128xf32> to vector<128x1xf32>
    %convert_element_type3A_193 = arith.fptosi %broadcast_in_dim3A_192 : vector<128x1xf32> to vector<128x1xi32>
    %swap3A_194 = arith.constant 768 : index
    %swap3A_195 = arith.constant 0 : index
    %swap3A_196 = vector.load %arg3[%swap3A_194, %swap3A_195] : memref<4096x1xi32, #tpu.memory_space<vmem>>, vector<128x1xi32>
    tpu.vector_store %arg3[%swap3A_194, %swap3A_195], %convert_element_type3A_193 {strides = array<i32>} : memref<4096x1xi32, #tpu.memory_space<vmem>>, vector<128x1xi32>,
    %reduce_sum3A_197 = arith.constant dense<0.000000e+00> : vector<8xf32>
    %reduce_sum3A_198 = vector.multi_reduction <add>, %slice3A_182, %reduce_sum3A_197 [0] : vector<128x8xf32> to vector<8xf32>
    %broadcast_in_dim3A_199 = vector.shape_cast %reduce_sum3A_198 : vector<8xf32> to vector<1x8xf32>
    %add3A_200 = arith.addf %add3A_181, %broadcast_in_dim3A_199 : vector<1x8xf32>
    %slice3A_201 = vector.extract_strided_slice %convert_element_type3A_40 {offsets = [896, 0], sizes = [128, 8], strides = [1, 1]} : vector<2048x8xf32> to vector<128x8xf32>
    %dot_general3A_202 = arith.constant dense<0.000000e+00> : vector<128x8xf32>
    %dot_general3A_203 = tpu.matmul %convert_element_type3A_67, %slice3A_201, %dot_general3A_202 {dimension_numbers = #tpu.dot_dimension_numbers<[1], [0], [0], [1], [0, 0, 1, 1], [], []>, transpose_lhs_hint = false} : vector<128x128xf32>, vector<128x8xf32>, vector<128x8xf32> -> vector<128x8xf32>
    %add3A_204 = vector.broadcast %add3A_200 : vector<1x8xf32> to vector<128x8xf32>
    %add3A_205 = arith.addf %dot_general3A_203, %add3A_204 : vector<128x8xf32>
    %add3A_206 = vector.broadcast %sub3A_63 : vector<1x8xf32> to vector<128x8xf32>
    %add3A_207 = arith.addf %add3A_205, %add3A_206 : vector<128x8xf32>
    %mul3A_208 = arith.mulf %slice3A_201, %add3A_207 : vector<128x8xf32>
    %reduce_sum3A_209 = arith.constant dense<0.000000e+00> : vector<128xf32>
    %reduce_sum3A_210 = vector.multi_reduction <add>, %mul3A_208, %reduce_sum3A_209 [1] : vector<128x8xf32> to vector<128xf32>
    %broadcast_in_dim3A_211 = vector.shape_cast %reduce_sum3A_210 : vector<128xf32> to vector<128x1xf32>
    %convert_element_type3A_212 = arith.fptosi %broadcast_in_dim3A_211 : vector<128x1xf32> to vector<128x1xi32>
    %swap3A_213 = arith.constant 896 : index
    %swap3A_214 = arith.constant 0 : index
    %swap3A_215 = vector.load %arg3[%swap3A_213, %swap3A_214] : memref<4096x1xi32, #tpu.memory_space<vmem>>, vector<128x1xi32>
    tpu.vector_store %arg3[%swap3A_213, %swap3A_214], %convert_element_type3A_212 {strides = array<i32>} : memref<4096x1xi32, #tpu.memory_space<vmem>>, vector<128x1xi32>,
    %reduce_sum3A_216 = arith.constant dense<0.000000e+00> : vector<8xf32>
    %reduce_sum3A_217 = vector.multi_reduction <add>, %slice3A_201, %reduce_sum3A_216 [0] : vector<128x8xf32> to vector<8xf32>
    %broadcast_in_dim3A_218 = vector.shape_cast %reduce_sum3A_217 : vector<8xf32> to vector<1x8xf32>
    %add3A_219 = arith.addf %add3A_200, %broadcast_in_dim3A_218 : vector<1x8xf32>
    %slice3A_220 = vector.extract_strided_slice %convert_element_type3A_40 {offsets = [1024, 0], sizes = [128, 8], strides = [1, 1]} : vector<2048x8xf32> to vector<128x8xf32>
    %dot_general3A_221 = arith.constant dense<0.000000e+00> : vector<128x8xf32>
    %dot_general3A_222 = tpu.matmul %convert_element_type3A_67, %slice3A_220, %dot_general3A_221 {dimension_numbers = #tpu.dot_dimension_numbers<[1], [0], [0], [1], [0, 0, 1, 1], [], []>, transpose_lhs_hint = false} : vector<128x128xf32>, vector<128x8xf32>, vector<128x8xf32> -> vector<128x8xf32>
    %add3A_223 = vector.broadcast %add3A_219 : vector<1x8xf32> to vector<128x8xf32>
    %add3A_224 = arith.addf %dot_general3A_222, %add3A_223 : vector<128x8xf32>
    %add3A_225 = vector.broadcast %sub3A_63 : vector<1x8xf32> to vector<128x8xf32>
    %add3A_226 = arith.addf %add3A_224, %add3A_225 : vector<128x8xf32>
    %mul3A_227 = arith.mulf %slice3A_220, %add3A_226 : vector<128x8xf32>
    %reduce_sum3A_228 = arith.constant dense<0.000000e+00> : vector<128xf32>
    %reduce_sum3A_229 = vector.multi_reduction <add>, %mul3A_227, %reduce_sum3A_228 [1] : vector<128x8xf32> to vector<128xf32>
    %broadcast_in_dim3A_230 = vector.shape_cast %reduce_sum3A_229 : vector<128xf32> to vector<128x1xf32>
    %convert_element_type3A_231 = arith.fptosi %broadcast_in_dim3A_230 : vector<128x1xf32> to vector<128x1xi32>
    %swap3A_232 = arith.constant 1024 : index
    %swap3A_233 = arith.constant 0 : index
    %swap3A_234 = vector.load %arg3[%swap3A_232, %swap3A_233] : memref<4096x1xi32, #tpu.memory_space<vmem>>, vector<128x1xi32>
    tpu.vector_store %arg3[%swap3A_232, %swap3A_233], %convert_element_type3A_231 {strides = array<i32>} : memref<4096x1xi32, #tpu.memory_space<vmem>>, vector<128x1xi32>,
    %reduce_sum3A_235 = arith.constant dense<0.000000e+00> : vector<8xf32>
    %reduce_sum3A_236 = vector.multi_reduction <add>, %slice3A_220, %reduce_sum3A_235 [0] : vector<128x8xf32> to vector<8xf32>
    %broadcast_in_dim3A_237 = vector.shape_cast %reduce_sum3A_236 : vector<8xf32> to vector<1x8xf32>
    %add3A_238 = arith.addf %add3A_219, %broadcast_in_dim3A_237 : vector<1x8xf32>
    %slice3A_239 = vector.extract_strided_slice %convert_element_type3A_40 {offsets = [1152, 0], sizes = [128, 8], strides = [1, 1]} : vector<2048x8xf32> to vector<128x8xf32>
    %dot_general3A_240 = arith.constant dense<0.000000e+00> : vector<128x8xf32>
    %dot_general3A_241 = tpu.matmul %convert_element_type3A_67, %slice3A_239, %dot_general3A_240 {dimension_numbers = #tpu.dot_dimension_numbers<[1], [0], [0], [1], [0, 0, 1, 1], [], []>, transpose_lhs_hint = false} : vector<128x128xf32>, vector<128x8xf32>, vector<128x8xf32> -> vector<128x8xf32>
    %add3A_242 = vector.broadcast %add3A_238 : vector<1x8xf32> to vector<128x8xf32>
    %add3A_243 = arith.addf %dot_general3A_241, %add3A_242 : vector<128x8xf32>
    %add3A_244 = vector.broadcast %sub3A_63 : vector<1x8xf32> to vector<128x8xf32>
    %add3A_245 = arith.addf %add3A_243, %add3A_244 : vector<128x8xf32>
    %mul3A_246 = arith.mulf %slice3A_239, %add3A_245 : vector<128x8xf32>
    %reduce_sum3A_247 = arith.constant dense<0.000000e+00> : vector<128xf32>
    %reduce_sum3A_248 = vector.multi_reduction <add>, %mul3A_246, %reduce_sum3A_247 [1] : vector<128x8xf32> to vector<128xf32>
    %broadcast_in_dim3A_249 = vector.shape_cast %reduce_sum3A_248 : vector<128xf32> to vector<128x1xf32>
    %convert_element_type3A_250 = arith.fptosi %broadcast_in_dim3A_249 : vector<128x1xf32> to vector<128x1xi32>
    %swap3A_251 = arith.constant 1152 : index
    %swap3A_252 = arith.constant 0 : index
    %swap3A_253 = vector.load %arg3[%swap3A_251, %swap3A_252] : memref<4096x1xi32, #tpu.memory_space<vmem>>, vector<128x1xi32>
    tpu.vector_store %arg3[%swap3A_251, %swap3A_252], %convert_element_type3A_250 {strides = array<i32>} : memref<4096x1xi32, #tpu.memory_space<vmem>>, vector<128x1xi32>,
    %reduce_sum3A_254 = arith.constant dense<0.000000e+00> : vector<8xf32>
    %reduce_sum3A_255 = vector.multi_reduction <add>, %slice3A_239, %reduce_sum3A_254 [0] : vector<128x8xf32> to vector<8xf32>
    %broadcast_in_dim3A_256 = vector.shape_cast %reduce_sum3A_255 : vector<8xf32> to vector<1x8xf32>
    %add3A_257 = arith.addf %add3A_238, %broadcast_in_dim3A_256 : vector<1x8xf32>
    %slice3A_258 = vector.extract_strided_slice %convert_element_type3A_40 {offsets = [1280, 0], sizes = [128, 8], strides = [1, 1]} : vector<2048x8xf32> to vector<128x8xf32>
    %dot_general3A_259 = arith.constant dense<0.000000e+00> : vector<128x8xf32>
    %dot_general3A_260 = tpu.matmul %convert_element_type3A_67, %slice3A_258, %dot_general3A_259 {dimension_numbers = #tpu.dot_dimension_numbers<[1], [0], [0], [1], [0, 0, 1, 1], [], []>, transpose_lhs_hint = false} : vector<128x128xf32>, vector<128x8xf32>, vector<128x8xf32> -> vector<128x8xf32>
    %add3A_261 = vector.broadcast %add3A_257 : vector<1x8xf32> to vector<128x8xf32>
    %add3A_262 = arith.addf %dot_general3A_260, %add3A_261 : vector<128x8xf32>
    %add3A_263 = vector.broadcast %sub3A_63 : vector<1x8xf32> to vector<128x8xf32>
    %add3A_264 = arith.addf %add3A_262, %add3A_263 : vector<128x8xf32>
    %mul3A_265 = arith.mulf %slice3A_258, %add3A_264 : vector<128x8xf32>
    %reduce_sum3A_266 = arith.constant dense<0.000000e+00> : vector<128xf32>
    %reduce_sum3A_267 = vector.multi_reduction <add>, %mul3A_265, %reduce_sum3A_266 [1] : vector<128x8xf32> to vector<128xf32>
    %broadcast_in_dim3A_268 = vector.shape_cast %reduce_sum3A_267 : vector<128xf32> to vector<128x1xf32>
    %convert_element_type3A_269 = arith.fptosi %broadcast_in_dim3A_268 : vector<128x1xf32> to vector<128x1xi32>
    %swap3A_270 = arith.constant 1280 : index
    %swap3A_271 = arith.constant 0 : index
    %swap3A_272 = vector.load %arg3[%swap3A_270, %swap3A_271] : memref<4096x1xi32, #tpu.memory_space<vmem>>, vector<128x1xi32>
    tpu.vector_store %arg3[%swap3A_270, %swap3A_271], %convert_element_type3A_269 {strides = array<i32>} : memref<4096x1xi32, #tpu.memory_space<vmem>>, vector<128x1xi32>,
    %reduce_sum3A_273 = arith.constant dense<0.000000e+00> : vector<8xf32>
    %reduce_sum3A_274 = vector.multi_reduction <add>, %slice3A_258, %reduce_sum3A_273 [0] : vector<128x8xf32> to vector<8xf32>
    %broadcast_in_dim3A_275 = vector.shape_cast %reduce_sum3A_274 : vector<8xf32> to vector<1x8xf32>
    %add3A_276 = arith.addf %add3A_257, %broadcast_in_dim3A_275 : vector<1x8xf32>
    %slice3A_277 = vector.extract_strided_slice %convert_element_type3A_40 {offsets = [1408, 0], sizes = [128, 8], strides = [1, 1]} : vector<2048x8xf32> to vector<128x8xf32>
    %dot_general3A_278 = arith.constant dense<0.000000e+00> : vector<128x8xf32>
    %dot_general3A_279 = tpu.matmul %convert_element_type3A_67, %slice3A_277, %dot_general3A_278 {dimension_numbers = #tpu.dot_dimension_numbers<[1], [0], [0], [1], [0, 0, 1, 1], [], []>, transpose_lhs_hint = false} : vector<128x128xf32>, vector<128x8xf32>, vector<128x8xf32> -> vector<128x8xf32>
    %add3A_280 = vector.broadcast %add3A_276 : vector<1x8xf32> to vector<128x8xf32>
    %add3A_281 = arith.addf %dot_general3A_279, %add3A_280 : vector<128x8xf32>
    %add3A_282 = vector.broadcast %sub3A_63 : vector<1x8xf32> to vector<128x8xf32>
    %add3A_283 = arith.addf %add3A_281, %add3A_282 : vector<128x8xf32>
    %mul3A_284 = arith.mulf %slice3A_277, %add3A_283 : vector<128x8xf32>
    %reduce_sum3A_285 = arith.constant dense<0.000000e+00> : vector<128xf32>
    %reduce_sum3A_286 = vector.multi_reduction <add>, %mul3A_284, %reduce_sum3A_285 [1] : vector<128x8xf32> to vector<128xf32>
    %broadcast_in_dim3A_287 = vector.shape_cast %reduce_sum3A_286 : vector<128xf32> to vector<128x1xf32>
    %convert_element_type3A_288 = arith.fptosi %broadcast_in_dim3A_287 : vector<128x1xf32> to vector<128x1xi32>
    %swap3A_289 = arith.constant 1408 : index
    %swap3A_290 = arith.constant 0 : index
    %swap3A_291 = vector.load %arg3[%swap3A_289, %swap3A_290] : memref<4096x1xi32, #tpu.memory_space<vmem>>, vector<128x1xi32>
    tpu.vector_store %arg3[%swap3A_289, %swap3A_290], %convert_element_type3A_288 {strides = array<i32>} : memref<4096x1xi32, #tpu.memory_space<vmem>>, vector<128x1xi32>,
    %reduce_sum3A_292 = arith.constant dense<0.000000e+00> : vector<8xf32>
    %reduce_sum3A_293 = vector.multi_reduction <add>, %slice3A_277, %reduce_sum3A_292 [0] : vector<128x8xf32> to vector<8xf32>
    %broadcast_in_dim3A_294 = vector.shape_cast %reduce_sum3A_293 : vector<8xf32> to vector<1x8xf32>
    %add3A_295 = arith.addf %add3A_276, %broadcast_in_dim3A_294 : vector<1x8xf32>
    %slice3A_296 = vector.extract_strided_slice %convert_element_type3A_40 {offsets = [1536, 0], sizes = [128, 8], strides = [1, 1]} : vector<2048x8xf32> to vector<128x8xf32>
    %dot_general3A_297 = arith.constant dense<0.000000e+00> : vector<128x8xf32>
    %dot_general3A_298 = tpu.matmul %convert_element_type3A_67, %slice3A_296, %dot_general3A_297 {dimension_numbers = #tpu.dot_dimension_numbers<[1], [0], [0], [1], [0, 0, 1, 1], [], []>, transpose_lhs_hint = false} : vector<128x128xf32>, vector<128x8xf32>, vector<128x8xf32> -> vector<128x8xf32>
    %add3A_299 = vector.broadcast %add3A_295 : vector<1x8xf32> to vector<128x8xf32>
    %add3A_300 = arith.addf %dot_general3A_298, %add3A_299 : vector<128x8xf32>
    %add3A_301 = vector.broadcast %sub3A_63 : vector<1x8xf32> to vector<128x8xf32>
    %add3A_302 = arith.addf %add3A_300, %add3A_301 : vector<128x8xf32>
    %mul3A_303 = arith.mulf %slice3A_296, %add3A_302 : vector<128x8xf32>
    %reduce_sum3A_304 = arith.constant dense<0.000000e+00> : vector<128xf32>
    %reduce_sum3A_305 = vector.multi_reduction <add>, %mul3A_303, %reduce_sum3A_304 [1] : vector<128x8xf32> to vector<128xf32>
    %broadcast_in_dim3A_306 = vector.shape_cast %reduce_sum3A_305 : vector<128xf32> to vector<128x1xf32>
    %convert_element_type3A_307 = arith.fptosi %broadcast_in_dim3A_306 : vector<128x1xf32> to vector<128x1xi32>
    %swap3A_308 = arith.constant 1536 : index
    %swap3A_309 = arith.constant 0 : index
    %swap3A_310 = vector.load %arg3[%swap3A_308, %swap3A_309] : memref<4096x1xi32, #tpu.memory_space<vmem>>, vector<128x1xi32>
    tpu.vector_store %arg3[%swap3A_308, %swap3A_309], %convert_element_type3A_307 {strides = array<i32>} : memref<4096x1xi32, #tpu.memory_space<vmem>>, vector<128x1xi32>,
    %reduce_sum3A_311 = arith.constant dense<0.000000e+00> : vector<8xf32>
    %reduce_sum3A_312 = vector.multi_reduction <add>, %slice3A_296, %reduce_sum3A_311 [0] : vector<128x8xf32> to vector<8xf32>
    %broadcast_in_dim3A_313 = vector.shape_cast %reduce_sum3A_312 : vector<8xf32> to vector<1x8xf32>
    %add3A_314 = arith.addf %add3A_295, %broadcast_in_dim3A_313 : vector<1x8xf32>
    %slice3A_315 = vector.extract_strided_slice %convert_element_type3A_40 {offsets = [1664, 0], sizes = [128, 8], strides = [1, 1]} : vector<2048x8xf32> to vector<128x8xf32>
    %dot_general3A_316 = arith.constant dense<0.000000e+00> : vector<128x8xf32>
    %dot_general3A_317 = tpu.matmul %convert_element_type3A_67, %slice3A_315, %dot_general3A_316 {dimension_numbers = #tpu.dot_dimension_numbers<[1], [0], [0], [1], [0, 0, 1, 1], [], []>, transpose_lhs_hint = false} : vector<128x128xf32>, vector<128x8xf32>, vector<128x8xf32> -> vector<128x8xf32>
    %add3A_318 = vector.broadcast %add3A_314 : vector<1x8xf32> to vector<128x8xf32>
    %add3A_319 = arith.addf %dot_general3A_317, %add3A_318 : vector<128x8xf32>
    %add3A_320 = vector.broadcast %sub3A_63 : vector<1x8xf32> to vector<128x8xf32>
    %add3A_321 = arith.addf %add3A_319, %add3A_320 : vector<128x8xf32>
    %mul3A_322 = arith.mulf %slice3A_315, %add3A_321 : vector<128x8xf32>
    %reduce_sum3A_323 = arith.constant dense<0.000000e+00> : vector<128xf32>
    %reduce_sum3A_324 = vector.multi_reduction <add>, %mul3A_322, %reduce_sum3A_323 [1] : vector<128x8xf32> to vector<128xf32>
    %broadcast_in_dim3A_325 = vector.shape_cast %reduce_sum3A_324 : vector<128xf32> to vector<128x1xf32>
    %convert_element_type3A_326 = arith.fptosi %broadcast_in_dim3A_325 : vector<128x1xf32> to vector<128x1xi32>
    %swap3A_327 = arith.constant 1664 : index
    %swap3A_328 = arith.constant 0 : index
    %swap3A_329 = vector.load %arg3[%swap3A_327, %swap3A_328] : memref<4096x1xi32, #tpu.memory_space<vmem>>, vector<128x1xi32>
    tpu.vector_store %arg3[%swap3A_327, %swap3A_328], %convert_element_type3A_326 {strides = array<i32>} : memref<4096x1xi32, #tpu.memory_space<vmem>>, vector<128x1xi32>,
    %reduce_sum3A_330 = arith.constant dense<0.000000e+00> : vector<8xf32>
    %reduce_sum3A_331 = vector.multi_reduction <add>, %slice3A_315, %reduce_sum3A_330 [0] : vector<128x8xf32> to vector<8xf32>
    %broadcast_in_dim3A_332 = vector.shape_cast %reduce_sum3A_331 : vector<8xf32> to vector<1x8xf32>
    %add3A_333 = arith.addf %add3A_314, %broadcast_in_dim3A_332 : vector<1x8xf32>
    %slice3A_334 = vector.extract_strided_slice %convert_element_type3A_40 {offsets = [1792, 0], sizes = [128, 8], strides = [1, 1]} : vector<2048x8xf32> to vector<128x8xf32>
    %dot_general3A_335 = arith.constant dense<0.000000e+00> : vector<128x8xf32>
    %dot_general3A_336 = tpu.matmul %convert_element_type3A_67, %slice3A_334, %dot_general3A_335 {dimension_numbers = #tpu.dot_dimension_numbers<[1], [0], [0], [1], [0, 0, 1, 1], [], []>, transpose_lhs_hint = false} : vector<128x128xf32>, vector<128x8xf32>, vector<128x8xf32> -> vector<128x8xf32>
    %add3A_337 = vector.broadcast %add3A_333 : vector<1x8xf32> to vector<128x8xf32>
    %add3A_338 = arith.addf %dot_general3A_336, %add3A_337 : vector<128x8xf32>
    %add3A_339 = vector.broadcast %sub3A_63 : vector<1x8xf32> to vector<128x8xf32>
    %add3A_340 = arith.addf %add3A_338, %add3A_339 : vector<128x8xf32>
    %mul3A_341 = arith.mulf %slice3A_334, %add3A_340 : vector<128x8xf32>
    %reduce_sum3A_342 = arith.constant dense<0.000000e+00> : vector<128xf32>
    %reduce_sum3A_343 = vector.multi_reduction <add>, %mul3A_341, %reduce_sum3A_342 [1] : vector<128x8xf32> to vector<128xf32>
    %broadcast_in_dim3A_344 = vector.shape_cast %reduce_sum3A_343 : vector<128xf32> to vector<128x1xf32>
    %convert_element_type3A_345 = arith.fptosi %broadcast_in_dim3A_344 : vector<128x1xf32> to vector<128x1xi32>
    %swap3A_346 = arith.constant 1792 : index
    %swap3A_347 = arith.constant 0 : index
    %swap3A_348 = vector.load %arg3[%swap3A_346, %swap3A_347] : memref<4096x1xi32, #tpu.memory_space<vmem>>, vector<128x1xi32>
    tpu.vector_store %arg3[%swap3A_346, %swap3A_347], %convert_element_type3A_345 {strides = array<i32>} : memref<4096x1xi32, #tpu.memory_space<vmem>>, vector<128x1xi32>,
    %reduce_sum3A_349 = arith.constant dense<0.000000e+00> : vector<8xf32>
    %reduce_sum3A_350 = vector.multi_reduction <add>, %slice3A_334, %reduce_sum3A_349 [0] : vector<128x8xf32> to vector<8xf32>
    %broadcast_in_dim3A_351 = vector.shape_cast %reduce_sum3A_350 : vector<8xf32> to vector<1x8xf32>
    %add3A_352 = arith.addf %add3A_333, %broadcast_in_dim3A_351 : vector<1x8xf32>
    %slice3A_353 = vector.extract_strided_slice %convert_element_type3A_40 {offsets = [1920, 0], sizes = [128, 8], strides = [1, 1]} : vector<2048x8xf32> to vector<128x8xf32>
    %dot_general3A_354 = arith.constant dense<0.000000e+00> : vector<128x8xf32>
    %dot_general3A_355 = tpu.matmul %convert_element_type3A_67, %slice3A_353, %dot_general3A_354 {dimension_numbers = #tpu.dot_dimension_numbers<[1], [0], [0], [1], [0, 0, 1, 1], [], []>, transpose_lhs_hint = false} : vector<128x128xf32>, vector<128x8xf32>, vector<128x8xf32> -> vector<128x8xf32>
    %add3A_356 = vector.broadcast %add3A_352 : vector<1x8xf32> to vector<128x8xf32>
    %add3A_357 = arith.addf %dot_general3A_355, %add3A_356 : vector<128x8xf32>
    %add3A_358 = vector.broadcast %sub3A_63 : vector<1x8xf32> to vector<128x8xf32>
    %add3A_359 = arith.addf %add3A_357, %add3A_358 : vector<128x8xf32>
    %mul3A_360 = arith.mulf %slice3A_353, %add3A_359 : vector<128x8xf32>
    %reduce_sum3A_361 = arith.constant dense<0.000000e+00> : vector<128xf32>
    %reduce_sum3A_362 = vector.multi_reduction <add>, %mul3A_360, %reduce_sum3A_361 [1] : vector<128x8xf32> to vector<128xf32>
    %broadcast_in_dim3A_363 = vector.shape_cast %reduce_sum3A_362 : vector<128xf32> to vector<128x1xf32>
    %convert_element_type3A_364 = arith.fptosi %broadcast_in_dim3A_363 : vector<128x1xf32> to vector<128x1xi32>
    %swap3A_365 = arith.constant 1920 : index
    %swap3A_366 = arith.constant 0 : index
    %swap3A_367 = vector.load %arg3[%swap3A_365, %swap3A_366] : memref<4096x1xi32, #tpu.memory_space<vmem>>, vector<128x1xi32>
    tpu.vector_store %arg3[%swap3A_365, %swap3A_366], %convert_element_type3A_364 {strides = array<i32>} : memref<4096x1xi32, #tpu.memory_space<vmem>>, vector<128x1xi32>,
    %reduce_sum3A_368 = arith.constant dense<0.000000e+00> : vector<8xf32>
    %reduce_sum3A_369 = vector.multi_reduction <add>, %slice3A_353, %reduce_sum3A_368 [0] : vector<128x8xf32> to vector<8xf32>
    %broadcast_in_dim3A_370 = vector.shape_cast %reduce_sum3A_369 : vector<8xf32> to vector<1x8xf32>
    %add3A_371 = arith.addf %add3A_352, %broadcast_in_dim3A_370 : vector<1x8xf32>
    %slice3A_372 = vector.extract_strided_slice %convert_element_type3A_42 {offsets = [0, 0], sizes = [128, 8], strides = [1, 1]} : vector<2048x8xf32> to vector<128x8xf32>
    %dot_general3A_373 = arith.constant dense<0.000000e+00> : vector<128x8xf32>
    %dot_general3A_374 = tpu.matmul %convert_element_type3A_67, %slice3A_372, %dot_general3A_373 {dimension_numbers = #tpu.dot_dimension_numbers<[1], [0], [0], [1], [0, 0, 1, 1], [], []>, transpose_lhs_hint = false} : vector<128x128xf32>, vector<128x8xf32>, vector<128x8xf32> -> vector<128x8xf32>
    %add3A_375 = vector.broadcast %add3A_371 : vector<1x8xf32> to vector<128x8xf32>
    %add3A_376 = arith.addf %dot_general3A_374, %add3A_375 : vector<128x8xf32>
    %add3A_377 = vector.broadcast %sub3A_63 : vector<1x8xf32> to vector<128x8xf32>
    %add3A_378 = arith.addf %add3A_376, %add3A_377 : vector<128x8xf32>
    %mul3A_379 = arith.mulf %slice3A_372, %add3A_378 : vector<128x8xf32>
    %reduce_sum3A_380 = arith.constant dense<0.000000e+00> : vector<128xf32>
    %reduce_sum3A_381 = vector.multi_reduction <add>, %mul3A_379, %reduce_sum3A_380 [1] : vector<128x8xf32> to vector<128xf32>
    %broadcast_in_dim3A_382 = vector.shape_cast %reduce_sum3A_381 : vector<128xf32> to vector<128x1xf32>
    %convert_element_type3A_383 = arith.fptosi %broadcast_in_dim3A_382 : vector<128x1xf32> to vector<128x1xi32>
    %swap3A_384 = arith.constant 2048 : index
    %swap3A_385 = arith.constant 0 : index
    %swap3A_386 = vector.load %arg3[%swap3A_384, %swap3A_385] : memref<4096x1xi32, #tpu.memory_space<vmem>>, vector<128x1xi32>
    tpu.vector_store %arg3[%swap3A_384, %swap3A_385], %convert_element_type3A_383 {strides = array<i32>} : memref<4096x1xi32, #tpu.memory_space<vmem>>, vector<128x1xi32>,
    %reduce_sum3A_387 = arith.constant dense<0.000000e+00> : vector<8xf32>
    %reduce_sum3A_388 = vector.multi_reduction <add>, %slice3A_372, %reduce_sum3A_387 [0] : vector<128x8xf32> to vector<8xf32>
    %broadcast_in_dim3A_389 = vector.shape_cast %reduce_sum3A_388 : vector<8xf32> to vector<1x8xf32>
    %add3A_390 = arith.addf %add3A_371, %broadcast_in_dim3A_389 : vector<1x8xf32>
    %slice3A_391 = vector.extract_strided_slice %convert_element_type3A_42 {offsets = [128, 0], sizes = [128, 8], strides = [1, 1]} : vector<2048x8xf32> to vector<128x8xf32>
    %dot_general3A_392 = arith.constant dense<0.000000e+00> : vector<128x8xf32>
    %dot_general3A_393 = tpu.matmul %convert_element_type3A_67, %slice3A_391, %dot_general3A_392 {dimension_numbers = #tpu.dot_dimension_numbers<[1], [0], [0], [1], [0, 0, 1, 1], [], []>, transpose_lhs_hint = false} : vector<128x128xf32>, vector<128x8xf32>, vector<128x8xf32> -> vector<128x8xf32>
    %add3A_394 = vector.broadcast %add3A_390 : vector<1x8xf32> to vector<128x8xf32>
    %add3A_395 = arith.addf %dot_general3A_393, %add3A_394 : vector<128x8xf32>
    %add3A_396 = vector.broadcast %sub3A_63 : vector<1x8xf32> to vector<128x8xf32>
    %add3A_397 = arith.addf %add3A_395, %add3A_396 : vector<128x8xf32>
    %mul3A_398 = arith.mulf %slice3A_391, %add3A_397 : vector<128x8xf32>
    %reduce_sum3A_399 = arith.constant dense<0.000000e+00> : vector<128xf32>
    %reduce_sum3A_400 = vector.multi_reduction <add>, %mul3A_398, %reduce_sum3A_399 [1] : vector<128x8xf32> to vector<128xf32>
    %broadcast_in_dim3A_401 = vector.shape_cast %reduce_sum3A_400 : vector<128xf32> to vector<128x1xf32>
    %convert_element_type3A_402 = arith.fptosi %broadcast_in_dim3A_401 : vector<128x1xf32> to vector<128x1xi32>
    %swap3A_403 = arith.constant 2176 : index
    %swap3A_404 = arith.constant 0 : index
    %swap3A_405 = vector.load %arg3[%swap3A_403, %swap3A_404] : memref<4096x1xi32, #tpu.memory_space<vmem>>, vector<128x1xi32>
    tpu.vector_store %arg3[%swap3A_403, %swap3A_404], %convert_element_type3A_402 {strides = array<i32>} : memref<4096x1xi32, #tpu.memory_space<vmem>>, vector<128x1xi32>,
    %reduce_sum3A_406 = arith.constant dense<0.000000e+00> : vector<8xf32>
    %reduce_sum3A_407 = vector.multi_reduction <add>, %slice3A_391, %reduce_sum3A_406 [0] : vector<128x8xf32> to vector<8xf32>
    %broadcast_in_dim3A_408 = vector.shape_cast %reduce_sum3A_407 : vector<8xf32> to vector<1x8xf32>
    %add3A_409 = arith.addf %add3A_390, %broadcast_in_dim3A_408 : vector<1x8xf32>
    %slice3A_410 = vector.extract_strided_slice %convert_element_type3A_42 {offsets = [256, 0], sizes = [128, 8], strides = [1, 1]} : vector<2048x8xf32> to vector<128x8xf32>
    %dot_general3A_411 = arith.constant dense<0.000000e+00> : vector<128x8xf32>
    %dot_general3A_412 = tpu.matmul %convert_element_type3A_67, %slice3A_410, %dot_general3A_411 {dimension_numbers = #tpu.dot_dimension_numbers<[1], [0], [0], [1], [0, 0, 1, 1], [], []>, transpose_lhs_hint = false} : vector<128x128xf32>, vector<128x8xf32>, vector<128x8xf32> -> vector<128x8xf32>
    %add3A_413 = vector.broadcast %add3A_409 : vector<1x8xf32> to vector<128x8xf32>
    %add3A_414 = arith.addf %dot_general3A_412, %add3A_413 : vector<128x8xf32>
    %add3A_415 = vector.broadcast %sub3A_63 : vector<1x8xf32> to vector<128x8xf32>
    %add3A_416 = arith.addf %add3A_414, %add3A_415 : vector<128x8xf32>
    %mul3A_417 = arith.mulf %slice3A_410, %add3A_416 : vector<128x8xf32>
    %reduce_sum3A_418 = arith.constant dense<0.000000e+00> : vector<128xf32>
    %reduce_sum3A_419 = vector.multi_reduction <add>, %mul3A_417, %reduce_sum3A_418 [1] : vector<128x8xf32> to vector<128xf32>
    %broadcast_in_dim3A_420 = vector.shape_cast %reduce_sum3A_419 : vector<128xf32> to vector<128x1xf32>
    %convert_element_type3A_421 = arith.fptosi %broadcast_in_dim3A_420 : vector<128x1xf32> to vector<128x1xi32>
    %swap3A_422 = arith.constant 2304 : index
    %swap3A_423 = arith.constant 0 : index
    %swap3A_424 = vector.load %arg3[%swap3A_422, %swap3A_423] : memref<4096x1xi32, #tpu.memory_space<vmem>>, vector<128x1xi32>
    tpu.vector_store %arg3[%swap3A_422, %swap3A_423], %convert_element_type3A_421 {strides = array<i32>} : memref<4096x1xi32, #tpu.memory_space<vmem>>, vector<128x1xi32>,
    %reduce_sum3A_425 = arith.constant dense<0.000000e+00> : vector<8xf32>
    %reduce_sum3A_426 = vector.multi_reduction <add>, %slice3A_410, %reduce_sum3A_425 [0] : vector<128x8xf32> to vector<8xf32>
    %broadcast_in_dim3A_427 = vector.shape_cast %reduce_sum3A_426 : vector<8xf32> to vector<1x8xf32>
    %add3A_428 = arith.addf %add3A_409, %broadcast_in_dim3A_427 : vector<1x8xf32>
    %slice3A_429 = vector.extract_strided_slice %convert_element_type3A_42 {offsets = [384, 0], sizes = [128, 8], strides = [1, 1]} : vector<2048x8xf32> to vector<128x8xf32>
    %dot_general3A_430 = arith.constant dense<0.000000e+00> : vector<128x8xf32>
    %dot_general3A_431 = tpu.matmul %convert_element_type3A_67, %slice3A_429, %dot_general3A_430 {dimension_numbers = #tpu.dot_dimension_numbers<[1], [0], [0], [1], [0, 0, 1, 1], [], []>, transpose_lhs_hint = false} : vector<128x128xf32>, vector<128x8xf32>, vector<128x8xf32> -> vector<128x8xf32>
    %add3A_432 = vector.broadcast %add3A_428 : vector<1x8xf32> to vector<128x8xf32>
    %add3A_433 = arith.addf %dot_general3A_431, %add3A_432 : vector<128x8xf32>
    %add3A_434 = vector.broadcast %sub3A_63 : vector<1x8xf32> to vector<128x8xf32>
    %add3A_435 = arith.addf %add3A_433, %add3A_434 : vector<128x8xf32>
    %mul3A_436 = arith.mulf %slice3A_429, %add3A_435 : vector<128x8xf32>
    %reduce_sum3A_437 = arith.constant dense<0.000000e+00> : vector<128xf32>
    %reduce_sum3A_438 = vector.multi_reduction <add>, %mul3A_436, %reduce_sum3A_437 [1] : vector<128x8xf32> to vector<128xf32>
    %broadcast_in_dim3A_439 = vector.shape_cast %reduce_sum3A_438 : vector<128xf32> to vector<128x1xf32>
    %convert_element_type3A_440 = arith.fptosi %broadcast_in_dim3A_439 : vector<128x1xf32> to vector<128x1xi32>
    %swap3A_441 = arith.constant 2432 : index
    %swap3A_442 = arith.constant 0 : index
    %swap3A_443 = vector.load %arg3[%swap3A_441, %swap3A_442] : memref<4096x1xi32, #tpu.memory_space<vmem>>, vector<128x1xi32>
    tpu.vector_store %arg3[%swap3A_441, %swap3A_442], %convert_element_type3A_440 {strides = array<i32>} : memref<4096x1xi32, #tpu.memory_space<vmem>>, vector<128x1xi32>,
    %reduce_sum3A_444 = arith.constant dense<0.000000e+00> : vector<8xf32>
    %reduce_sum3A_445 = vector.multi_reduction <add>, %slice3A_429, %reduce_sum3A_444 [0] : vector<128x8xf32> to vector<8xf32>
    %broadcast_in_dim3A_446 = vector.shape_cast %reduce_sum3A_445 : vector<8xf32> to vector<1x8xf32>
    %add3A_447 = arith.addf %add3A_428, %broadcast_in_dim3A_446 : vector<1x8xf32>
    %slice3A_448 = vector.extract_strided_slice %convert_element_type3A_42 {offsets = [512, 0], sizes = [128, 8], strides = [1, 1]} : vector<2048x8xf32> to vector<128x8xf32>
    %dot_general3A_449 = arith.constant dense<0.000000e+00> : vector<128x8xf32>
    %dot_general3A_450 = tpu.matmul %convert_element_type3A_67, %slice3A_448, %dot_general3A_449 {dimension_numbers = #tpu.dot_dimension_numbers<[1], [0], [0], [1], [0, 0, 1, 1], [], []>, transpose_lhs_hint = false} : vector<128x128xf32>, vector<128x8xf32>, vector<128x8xf32> -> vector<128x8xf32>
    %add3A_451 = vector.broadcast %add3A_447 : vector<1x8xf32> to vector<128x8xf32>
    %add3A_452 = arith.addf %dot_general3A_450, %add3A_451 : vector<128x8xf32>
    %add3A_453 = vector.broadcast %sub3A_63 : vector<1x8xf32> to vector<128x8xf32>
    %add3A_454 = arith.addf %add3A_452, %add3A_453 : vector<128x8xf32>
    %mul3A_455 = arith.mulf %slice3A_448, %add3A_454 : vector<128x8xf32>
    %reduce_sum3A_456 = arith.constant dense<0.000000e+00> : vector<128xf32>
    %reduce_sum3A_457 = vector.multi_reduction <add>, %mul3A_455, %reduce_sum3A_456 [1] : vector<128x8xf32> to vector<128xf32>
    %broadcast_in_dim3A_458 = vector.shape_cast %reduce_sum3A_457 : vector<128xf32> to vector<128x1xf32>
    %convert_element_type3A_459 = arith.fptosi %broadcast_in_dim3A_458 : vector<128x1xf32> to vector<128x1xi32>
    %swap3A_460 = arith.constant 2560 : index
    %swap3A_461 = arith.constant 0 : index
    %swap3A_462 = vector.load %arg3[%swap3A_460, %swap3A_461] : memref<4096x1xi32, #tpu.memory_space<vmem>>, vector<128x1xi32>
    tpu.vector_store %arg3[%swap3A_460, %swap3A_461], %convert_element_type3A_459 {strides = array<i32>} : memref<4096x1xi32, #tpu.memory_space<vmem>>, vector<128x1xi32>,
    %reduce_sum3A_463 = arith.constant dense<0.000000e+00> : vector<8xf32>
    %reduce_sum3A_464 = vector.multi_reduction <add>, %slice3A_448, %reduce_sum3A_463 [0] : vector<128x8xf32> to vector<8xf32>
    %broadcast_in_dim3A_465 = vector.shape_cast %reduce_sum3A_464 : vector<8xf32> to vector<1x8xf32>
    %add3A_466 = arith.addf %add3A_447, %broadcast_in_dim3A_465 : vector<1x8xf32>
    %slice3A_467 = vector.extract_strided_slice %convert_element_type3A_42 {offsets = [640, 0], sizes = [128, 8], strides = [1, 1]} : vector<2048x8xf32> to vector<128x8xf32>
    %dot_general3A_468 = arith.constant dense<0.000000e+00> : vector<128x8xf32>
    %dot_general3A_469 = tpu.matmul %convert_element_type3A_67, %slice3A_467, %dot_general3A_468 {dimension_numbers = #tpu.dot_dimension_numbers<[1], [0], [0], [1], [0, 0, 1, 1], [], []>, transpose_lhs_hint = false} : vector<128x128xf32>, vector<128x8xf32>, vector<128x8xf32> -> vector<128x8xf32>
    %add3A_470 = vector.broadcast %add3A_466 : vector<1x8xf32> to vector<128x8xf32>
    %add3A_471 = arith.addf %dot_general3A_469, %add3A_470 : vector<128x8xf32>
    %add3A_472 = vector.broadcast %sub3A_63 : vector<1x8xf32> to vector<128x8xf32>
    %add3A_473 = arith.addf %add3A_471, %add3A_472 : vector<128x8xf32>
    %mul3A_474 = arith.mulf %slice3A_467, %add3A_473 : vector<128x8xf32>
    %reduce_sum3A_475 = arith.constant dense<0.000000e+00> : vector<128xf32>
    %reduce_sum3A_476 = vector.multi_reduction <add>, %mul3A_474, %reduce_sum3A_475 [1] : vector<128x8xf32> to vector<128xf32>
    %broadcast_in_dim3A_477 = vector.shape_cast %reduce_sum3A_476 : vector<128xf32> to vector<128x1xf32>
    %convert_element_type3A_478 = arith.fptosi %broadcast_in_dim3A_477 : vector<128x1xf32> to vector<128x1xi32>
    %swap3A_479 = arith.constant 2688 : index
    %swap3A_480 = arith.constant 0 : index
    %swap3A_481 = vector.load %arg3[%swap3A_479, %swap3A_480] : memref<4096x1xi32, #tpu.memory_space<vmem>>, vector<128x1xi32>
    tpu.vector_store %arg3[%swap3A_479, %swap3A_480], %convert_element_type3A_478 {strides = array<i32>} : memref<4096x1xi32, #tpu.memory_space<vmem>>, vector<128x1xi32>,
    %reduce_sum3A_482 = arith.constant dense<0.000000e+00> : vector<8xf32>
    %reduce_sum3A_483 = vector.multi_reduction <add>, %slice3A_467, %reduce_sum3A_482 [0] : vector<128x8xf32> to vector<8xf32>
    %broadcast_in_dim3A_484 = vector.shape_cast %reduce_sum3A_483 : vector<8xf32> to vector<1x8xf32>
    %add3A_485 = arith.addf %add3A_466, %broadcast_in_dim3A_484 : vector<1x8xf32>
    %slice3A_486 = vector.extract_strided_slice %convert_element_type3A_42 {offsets = [768, 0], sizes = [128, 8], strides = [1, 1]} : vector<2048x8xf32> to vector<128x8xf32>
    %dot_general3A_487 = arith.constant dense<0.000000e+00> : vector<128x8xf32>
    %dot_general3A_488 = tpu.matmul %convert_element_type3A_67, %slice3A_486, %dot_general3A_487 {dimension_numbers = #tpu.dot_dimension_numbers<[1], [0], [0], [1], [0, 0, 1, 1], [], []>, transpose_lhs_hint = false} : vector<128x128xf32>, vector<128x8xf32>, vector<128x8xf32> -> vector<128x8xf32>
    %add3A_489 = vector.broadcast %add3A_485 : vector<1x8xf32> to vector<128x8xf32>
    %add3A_490 = arith.addf %dot_general3A_488, %add3A_489 : vector<128x8xf32>
    %add3A_491 = vector.broadcast %sub3A_63 : vector<1x8xf32> to vector<128x8xf32>
    %add3A_492 = arith.addf %add3A_490, %add3A_491 : vector<128x8xf32>
    %mul3A_493 = arith.mulf %slice3A_486, %add3A_492 : vector<128x8xf32>
    %reduce_sum3A_494 = arith.constant dense<0.000000e+00> : vector<128xf32>
    %reduce_sum3A_495 = vector.multi_reduction <add>, %mul3A_493, %reduce_sum3A_494 [1] : vector<128x8xf32> to vector<128xf32>
    %broadcast_in_dim3A_496 = vector.shape_cast %reduce_sum3A_495 : vector<128xf32> to vector<128x1xf32>
    %convert_element_type3A_497 = arith.fptosi %broadcast_in_dim3A_496 : vector<128x1xf32> to vector<128x1xi32>
    %swap3A_498 = arith.constant 2816 : index
    %swap3A_499 = arith.constant 0 : index
    %swap3A_500 = vector.load %arg3[%swap3A_498, %swap3A_499] : memref<4096x1xi32, #tpu.memory_space<vmem>>, vector<128x1xi32>
    tpu.vector_store %arg3[%swap3A_498, %swap3A_499], %convert_element_type3A_497 {strides = array<i32>} : memref<4096x1xi32, #tpu.memory_space<vmem>>, vector<128x1xi32>,
    %reduce_sum3A_501 = arith.constant dense<0.000000e+00> : vector<8xf32>
    %reduce_sum3A_502 = vector.multi_reduction <add>, %slice3A_486, %reduce_sum3A_501 [0] : vector<128x8xf32> to vector<8xf32>
    %broadcast_in_dim3A_503 = vector.shape_cast %reduce_sum3A_502 : vector<8xf32> to vector<1x8xf32>
    %add3A_504 = arith.addf %add3A_485, %broadcast_in_dim3A_503 : vector<1x8xf32>
    %slice3A_505 = vector.extract_strided_slice %convert_element_type3A_42 {offsets = [896, 0], sizes = [128, 8], strides = [1, 1]} : vector<2048x8xf32> to vector<128x8xf32>
    %dot_general3A_506 = arith.constant dense<0.000000e+00> : vector<128x8xf32>
    %dot_general3A_507 = tpu.matmul %convert_element_type3A_67, %slice3A_505, %dot_general3A_506 {dimension_numbers = #tpu.dot_dimension_numbers<[1], [0], [0], [1], [0, 0, 1, 1], [], []>, transpose_lhs_hint = false} : vector<128x128xf32>, vector<128x8xf32>, vector<128x8xf32> -> vector<128x8xf32>
    %add3A_508 = vector.broadcast %add3A_504 : vector<1x8xf32> to vector<128x8xf32>
    %add3A_509 = arith.addf %dot_general3A_507, %add3A_508 : vector<128x8xf32>
    %add3A_510 = vector.broadcast %sub3A_63 : vector<1x8xf32> to vector<128x8xf32>
    %add3A_511 = arith.addf %add3A_509, %add3A_510 : vector<128x8xf32>
    %mul3A_512 = arith.mulf %slice3A_505, %add3A_511 : vector<128x8xf32>
    %reduce_sum3A_513 = arith.constant dense<0.000000e+00> : vector<128xf32>
    %reduce_sum3A_514 = vector.multi_reduction <add>, %mul3A_512, %reduce_sum3A_513 [1] : vector<128x8xf32> to vector<128xf32>
    %broadcast_in_dim3A_515 = vector.shape_cast %reduce_sum3A_514 : vector<128xf32> to vector<128x1xf32>
    %convert_element_type3A_516 = arith.fptosi %broadcast_in_dim3A_515 : vector<128x1xf32> to vector<128x1xi32>
    %swap3A_517 = arith.constant 2944 : index
    %swap3A_518 = arith.constant 0 : index
    %swap3A_519 = vector.load %arg3[%swap3A_517, %swap3A_518] : memref<4096x1xi32, #tpu.memory_space<vmem>>, vector<128x1xi32>
    tpu.vector_store %arg3[%swap3A_517, %swap3A_518], %convert_element_type3A_516 {strides = array<i32>} : memref<4096x1xi32, #tpu.memory_space<vmem>>, vector<128x1xi32>,
    %reduce_sum3A_520 = arith.constant dense<0.000000e+00> : vector<8xf32>
    %reduce_sum3A_521 = vector.multi_reduction <add>, %slice3A_505, %reduce_sum3A_520 [0] : vector<128x8xf32> to vector<8xf32>
    %broadcast_in_dim3A_522 = vector.shape_cast %reduce_sum3A_521 : vector<8xf32> to vector<1x8xf32>
    %add3A_523 = arith.addf %add3A_504, %broadcast_in_dim3A_522 : vector<1x8xf32>
    %slice3A_524 = vector.extract_strided_slice %convert_element_type3A_42 {offsets = [1024, 0], sizes = [128, 8], strides = [1, 1]} : vector<2048x8xf32> to vector<128x8xf32>
    %dot_general3A_525 = arith.constant dense<0.000000e+00> : vector<128x8xf32>
    %dot_general3A_526 = tpu.matmul %convert_element_type3A_67, %slice3A_524, %dot_general3A_525 {dimension_numbers = #tpu.dot_dimension_numbers<[1], [0], [0], [1], [0, 0, 1, 1], [], []>, transpose_lhs_hint = false} : vector<128x128xf32>, vector<128x8xf32>, vector<128x8xf32> -> vector<128x8xf32>
    %add3A_527 = vector.broadcast %add3A_523 : vector<1x8xf32> to vector<128x8xf32>
    %add3A_528 = arith.addf %dot_general3A_526, %add3A_527 : vector<128x8xf32>
    %add3A_529 = vector.broadcast %sub3A_63 : vector<1x8xf32> to vector<128x8xf32>
    %add3A_530 = arith.addf %add3A_528, %add3A_529 : vector<128x8xf32>
    %mul3A_531 = arith.mulf %slice3A_524, %add3A_530 : vector<128x8xf32>
    %reduce_sum3A_532 = arith.constant dense<0.000000e+00> : vector<128xf32>
    %reduce_sum3A_533 = vector.multi_reduction <add>, %mul3A_531, %reduce_sum3A_532 [1] : vector<128x8xf32> to vector<128xf32>
    %broadcast_in_dim3A_534 = vector.shape_cast %reduce_sum3A_533 : vector<128xf32> to vector<128x1xf32>
    %convert_element_type3A_535 = arith.fptosi %broadcast_in_dim3A_534 : vector<128x1xf32> to vector<128x1xi32>
    %swap3A_536 = arith.constant 3072 : index
    %swap3A_537 = arith.constant 0 : index
    %swap3A_538 = vector.load %arg3[%swap3A_536, %swap3A_537] : memref<4096x1xi32, #tpu.memory_space<vmem>>, vector<128x1xi32>
    tpu.vector_store %arg3[%swap3A_536, %swap3A_537], %convert_element_type3A_535 {strides = array<i32>} : memref<4096x1xi32, #tpu.memory_space<vmem>>, vector<128x1xi32>,
    %reduce_sum3A_539 = arith.constant dense<0.000000e+00> : vector<8xf32>
    %reduce_sum3A_540 = vector.multi_reduction <add>, %slice3A_524, %reduce_sum3A_539 [0] : vector<128x8xf32> to vector<8xf32>
    %broadcast_in_dim3A_541 = vector.shape_cast %reduce_sum3A_540 : vector<8xf32> to vector<1x8xf32>
    %add3A_542 = arith.addf %add3A_523, %broadcast_in_dim3A_541 : vector<1x8xf32>
    %slice3A_543 = vector.extract_strided_slice %convert_element_type3A_42 {offsets = [1152, 0], sizes = [128, 8], strides = [1, 1]} : vector<2048x8xf32> to vector<128x8xf32>
    %dot_general3A_544 = arith.constant dense<0.000000e+00> : vector<128x8xf32>
    %dot_general3A_545 = tpu.matmul %convert_element_type3A_67, %slice3A_543, %dot_general3A_544 {dimension_numbers = #tpu.dot_dimension_numbers<[1], [0], [0], [1], [0, 0, 1, 1], [], []>, transpose_lhs_hint = false} : vector<128x128xf32>, vector<128x8xf32>, vector<128x8xf32> -> vector<128x8xf32>
    %add3A_546 = vector.broadcast %add3A_542 : vector<1x8xf32> to vector<128x8xf32>
    %add3A_547 = arith.addf %dot_general3A_545, %add3A_546 : vector<128x8xf32>
    %add3A_548 = vector.broadcast %sub3A_63 : vector<1x8xf32> to vector<128x8xf32>
    %add3A_549 = arith.addf %add3A_547, %add3A_548 : vector<128x8xf32>
    %mul3A_550 = arith.mulf %slice3A_543, %add3A_549 : vector<128x8xf32>
    %reduce_sum3A_551 = arith.constant dense<0.000000e+00> : vector<128xf32>
    %reduce_sum3A_552 = vector.multi_reduction <add>, %mul3A_550, %reduce_sum3A_551 [1] : vector<128x8xf32> to vector<128xf32>
    %broadcast_in_dim3A_553 = vector.shape_cast %reduce_sum3A_552 : vector<128xf32> to vector<128x1xf32>
    %convert_element_type3A_554 = arith.fptosi %broadcast_in_dim3A_553 : vector<128x1xf32> to vector<128x1xi32>
    %swap3A_555 = arith.constant 3200 : index
    %swap3A_556 = arith.constant 0 : index
    %swap3A_557 = vector.load %arg3[%swap3A_555, %swap3A_556] : memref<4096x1xi32, #tpu.memory_space<vmem>>, vector<128x1xi32>
    tpu.vector_store %arg3[%swap3A_555, %swap3A_556], %convert_element_type3A_554 {strides = array<i32>} : memref<4096x1xi32, #tpu.memory_space<vmem>>, vector<128x1xi32>,
    %reduce_sum3A_558 = arith.constant dense<0.000000e+00> : vector<8xf32>
    %reduce_sum3A_559 = vector.multi_reduction <add>, %slice3A_543, %reduce_sum3A_558 [0] : vector<128x8xf32> to vector<8xf32>
    %broadcast_in_dim3A_560 = vector.shape_cast %reduce_sum3A_559 : vector<8xf32> to vector<1x8xf32>
    %add3A_561 = arith.addf %add3A_542, %broadcast_in_dim3A_560 : vector<1x8xf32>
    %slice3A_562 = vector.extract_strided_slice %convert_element_type3A_42 {offsets = [1280, 0], sizes = [128, 8], strides = [1, 1]} : vector<2048x8xf32> to vector<128x8xf32>
    %dot_general3A_563 = arith.constant dense<0.000000e+00> : vector<128x8xf32>
    %dot_general3A_564 = tpu.matmul %convert_element_type3A_67, %slice3A_562, %dot_general3A_563 {dimension_numbers = #tpu.dot_dimension_numbers<[1], [0], [0], [1], [0, 0, 1, 1], [], []>, transpose_lhs_hint = false} : vector<128x128xf32>, vector<128x8xf32>, vector<128x8xf32> -> vector<128x8xf32>
    %add3A_565 = vector.broadcast %add3A_561 : vector<1x8xf32> to vector<128x8xf32>
    %add3A_566 = arith.addf %dot_general3A_564, %add3A_565 : vector<128x8xf32>
    %add3A_567 = vector.broadcast %sub3A_63 : vector<1x8xf32> to vector<128x8xf32>
    %add3A_568 = arith.addf %add3A_566, %add3A_567 : vector<128x8xf32>
    %mul3A_569 = arith.mulf %slice3A_562, %add3A_568 : vector<128x8xf32>
    %reduce_sum3A_570 = arith.constant dense<0.000000e+00> : vector<128xf32>
    %reduce_sum3A_571 = vector.multi_reduction <add>, %mul3A_569, %reduce_sum3A_570 [1] : vector<128x8xf32> to vector<128xf32>
    %broadcast_in_dim3A_572 = vector.shape_cast %reduce_sum3A_571 : vector<128xf32> to vector<128x1xf32>
    %convert_element_type3A_573 = arith.fptosi %broadcast_in_dim3A_572 : vector<128x1xf32> to vector<128x1xi32>
    %swap3A_574 = arith.constant 3328 : index
    %swap3A_575 = arith.constant 0 : index
    %swap3A_576 = vector.load %arg3[%swap3A_574, %swap3A_575] : memref<4096x1xi32, #tpu.memory_space<vmem>>, vector<128x1xi32>
    tpu.vector_store %arg3[%swap3A_574, %swap3A_575], %convert_element_type3A_573 {strides = array<i32>} : memref<4096x1xi32, #tpu.memory_space<vmem>>, vector<128x1xi32>,
    %reduce_sum3A_577 = arith.constant dense<0.000000e+00> : vector<8xf32>
    %reduce_sum3A_578 = vector.multi_reduction <add>, %slice3A_562, %reduce_sum3A_577 [0] : vector<128x8xf32> to vector<8xf32>
    %broadcast_in_dim3A_579 = vector.shape_cast %reduce_sum3A_578 : vector<8xf32> to vector<1x8xf32>
    %add3A_580 = arith.addf %add3A_561, %broadcast_in_dim3A_579 : vector<1x8xf32>
    %slice3A_581 = vector.extract_strided_slice %convert_element_type3A_42 {offsets = [1408, 0], sizes = [128, 8], strides = [1, 1]} : vector<2048x8xf32> to vector<128x8xf32>
    %dot_general3A_582 = arith.constant dense<0.000000e+00> : vector<128x8xf32>
    %dot_general3A_583 = tpu.matmul %convert_element_type3A_67, %slice3A_581, %dot_general3A_582 {dimension_numbers = #tpu.dot_dimension_numbers<[1], [0], [0], [1], [0, 0, 1, 1], [], []>, transpose_lhs_hint = false} : vector<128x128xf32>, vector<128x8xf32>, vector<128x8xf32> -> vector<128x8xf32>
    %add3A_584 = vector.broadcast %add3A_580 : vector<1x8xf32> to vector<128x8xf32>
    %add3A_585 = arith.addf %dot_general3A_583, %add3A_584 : vector<128x8xf32>
    %add3A_586 = vector.broadcast %sub3A_63 : vector<1x8xf32> to vector<128x8xf32>
    %add3A_587 = arith.addf %add3A_585, %add3A_586 : vector<128x8xf32>
    %mul3A_588 = arith.mulf %slice3A_581, %add3A_587 : vector<128x8xf32>
    %reduce_sum3A_589 = arith.constant dense<0.000000e+00> : vector<128xf32>
    %reduce_sum3A_590 = vector.multi_reduction <add>, %mul3A_588, %reduce_sum3A_589 [1] : vector<128x8xf32> to vector<128xf32>
    %broadcast_in_dim3A_591 = vector.shape_cast %reduce_sum3A_590 : vector<128xf32> to vector<128x1xf32>
    %convert_element_type3A_592 = arith.fptosi %broadcast_in_dim3A_591 : vector<128x1xf32> to vector<128x1xi32>
    %swap3A_593 = arith.constant 3456 : index
    %swap3A_594 = arith.constant 0 : index
    %swap3A_595 = vector.load %arg3[%swap3A_593, %swap3A_594] : memref<4096x1xi32, #tpu.memory_space<vmem>>, vector<128x1xi32>
    tpu.vector_store %arg3[%swap3A_593, %swap3A_594], %convert_element_type3A_592 {strides = array<i32>} : memref<4096x1xi32, #tpu.memory_space<vmem>>, vector<128x1xi32>,
    %reduce_sum3A_596 = arith.constant dense<0.000000e+00> : vector<8xf32>
    %reduce_sum3A_597 = vector.multi_reduction <add>, %slice3A_581, %reduce_sum3A_596 [0] : vector<128x8xf32> to vector<8xf32>
    %broadcast_in_dim3A_598 = vector.shape_cast %reduce_sum3A_597 : vector<8xf32> to vector<1x8xf32>
    %add3A_599 = arith.addf %add3A_580, %broadcast_in_dim3A_598 : vector<1x8xf32>
    %slice3A_600 = vector.extract_strided_slice %convert_element_type3A_42 {offsets = [1536, 0], sizes = [128, 8], strides = [1, 1]} : vector<2048x8xf32> to vector<128x8xf32>
    %dot_general3A_601 = arith.constant dense<0.000000e+00> : vector<128x8xf32>
    %dot_general3A_602 = tpu.matmul %convert_element_type3A_67, %slice3A_600, %dot_general3A_601 {dimension_numbers = #tpu.dot_dimension_numbers<[1], [0], [0], [1], [0, 0, 1, 1], [], []>, transpose_lhs_hint = false} : vector<128x128xf32>, vector<128x8xf32>, vector<128x8xf32> -> vector<128x8xf32>
    %add3A_603 = vector.broadcast %add3A_599 : vector<1x8xf32> to vector<128x8xf32>
    %add3A_604 = arith.addf %dot_general3A_602, %add3A_603 : vector<128x8xf32>
    %add3A_605 = vector.broadcast %sub3A_63 : vector<1x8xf32> to vector<128x8xf32>
    %add3A_606 = arith.addf %add3A_604, %add3A_605 : vector<128x8xf32>
    %mul3A_607 = arith.mulf %slice3A_600, %add3A_606 : vector<128x8xf32>
    %reduce_sum3A_608 = arith.constant dense<0.000000e+00> : vector<128xf32>
    %reduce_sum3A_609 = vector.multi_reduction <add>, %mul3A_607, %reduce_sum3A_608 [1] : vector<128x8xf32> to vector<128xf32>
    %broadcast_in_dim3A_610 = vector.shape_cast %reduce_sum3A_609 : vector<128xf32> to vector<128x1xf32>
    %convert_element_type3A_611 = arith.fptosi %broadcast_in_dim3A_610 : vector<128x1xf32> to vector<128x1xi32>
    %swap3A_612 = arith.constant 3584 : index
    %swap3A_613 = arith.constant 0 : index
    %swap3A_614 = vector.load %arg3[%swap3A_612, %swap3A_613] : memref<4096x1xi32, #tpu.memory_space<vmem>>, vector<128x1xi32>
    tpu.vector_store %arg3[%swap3A_612, %swap3A_613], %convert_element_type3A_611 {strides = array<i32>} : memref<4096x1xi32, #tpu.memory_space<vmem>>, vector<128x1xi32>,
    %reduce_sum3A_615 = arith.constant dense<0.000000e+00> : vector<8xf32>
    %reduce_sum3A_616 = vector.multi_reduction <add>, %slice3A_600, %reduce_sum3A_615 [0] : vector<128x8xf32> to vector<8xf32>
    %broadcast_in_dim3A_617 = vector.shape_cast %reduce_sum3A_616 : vector<8xf32> to vector<1x8xf32>
    %add3A_618 = arith.addf %add3A_599, %broadcast_in_dim3A_617 : vector<1x8xf32>
    %slice3A_619 = vector.extract_strided_slice %convert_element_type3A_42 {offsets = [1664, 0], sizes = [128, 8], strides = [1, 1]} : vector<2048x8xf32> to vector<128x8xf32>
    %dot_general3A_620 = arith.constant dense<0.000000e+00> : vector<128x8xf32>
    %dot_general3A_621 = tpu.matmul %convert_element_type3A_67, %slice3A_619, %dot_general3A_620 {dimension_numbers = #tpu.dot_dimension_numbers<[1], [0], [0], [1], [0, 0, 1, 1], [], []>, transpose_lhs_hint = false} : vector<128x128xf32>, vector<128x8xf32>, vector<128x8xf32> -> vector<128x8xf32>
    %add3A_622 = vector.broadcast %add3A_618 : vector<1x8xf32> to vector<128x8xf32>
    %add3A_623 = arith.addf %dot_general3A_621, %add3A_622 : vector<128x8xf32>
    %add3A_624 = vector.broadcast %sub3A_63 : vector<1x8xf32> to vector<128x8xf32>
    %add3A_625 = arith.addf %add3A_623, %add3A_624 : vector<128x8xf32>
    %mul3A_626 = arith.mulf %slice3A_619, %add3A_625 : vector<128x8xf32>
    %reduce_sum3A_627 = arith.constant dense<0.000000e+00> : vector<128xf32>
    %reduce_sum3A_628 = vector.multi_reduction <add>, %mul3A_626, %reduce_sum3A_627 [1] : vector<128x8xf32> to vector<128xf32>
    %broadcast_in_dim3A_629 = vector.shape_cast %reduce_sum3A_628 : vector<128xf32> to vector<128x1xf32>
    %convert_element_type3A_630 = arith.fptosi %broadcast_in_dim3A_629 : vector<128x1xf32> to vector<128x1xi32>
    %swap3A_631 = arith.constant 3712 : index
    %swap3A_632 = arith.constant 0 : index
    %swap3A_633 = vector.load %arg3[%swap3A_631, %swap3A_632] : memref<4096x1xi32, #tpu.memory_space<vmem>>, vector<128x1xi32>
    tpu.vector_store %arg3[%swap3A_631, %swap3A_632], %convert_element_type3A_630 {strides = array<i32>} : memref<4096x1xi32, #tpu.memory_space<vmem>>, vector<128x1xi32>,
    %reduce_sum3A_634 = arith.constant dense<0.000000e+00> : vector<8xf32>
    %reduce_sum3A_635 = vector.multi_reduction <add>, %slice3A_619, %reduce_sum3A_634 [0] : vector<128x8xf32> to vector<8xf32>
    %broadcast_in_dim3A_636 = vector.shape_cast %reduce_sum3A_635 : vector<8xf32> to vector<1x8xf32>
    %add3A_637 = arith.addf %add3A_618, %broadcast_in_dim3A_636 : vector<1x8xf32>
    %slice3A_638 = vector.extract_strided_slice %convert_element_type3A_42 {offsets = [1792, 0], sizes = [128, 8], strides = [1, 1]} : vector<2048x8xf32> to vector<128x8xf32>
    %dot_general3A_639 = arith.constant dense<0.000000e+00> : vector<128x8xf32>
    %dot_general3A_640 = tpu.matmul %convert_element_type3A_67, %slice3A_638, %dot_general3A_639 {dimension_numbers = #tpu.dot_dimension_numbers<[1], [0], [0], [1], [0, 0, 1, 1], [], []>, transpose_lhs_hint = false} : vector<128x128xf32>, vector<128x8xf32>, vector<128x8xf32> -> vector<128x8xf32>
    %add3A_641 = vector.broadcast %add3A_637 : vector<1x8xf32> to vector<128x8xf32>
    %add3A_642 = arith.addf %dot_general3A_640, %add3A_641 : vector<128x8xf32>
    %add3A_643 = vector.broadcast %sub3A_63 : vector<1x8xf32> to vector<128x8xf32>
    %add3A_644 = arith.addf %add3A_642, %add3A_643 : vector<128x8xf32>
    %mul3A_645 = arith.mulf %slice3A_638, %add3A_644 : vector<128x8xf32>
    %reduce_sum3A_646 = arith.constant dense<0.000000e+00> : vector<128xf32>
    %reduce_sum3A_647 = vector.multi_reduction <add>, %mul3A_645, %reduce_sum3A_646 [1] : vector<128x8xf32> to vector<128xf32>
    %broadcast_in_dim3A_648 = vector.shape_cast %reduce_sum3A_647 : vector<128xf32> to vector<128x1xf32>
    %convert_element_type3A_649 = arith.fptosi %broadcast_in_dim3A_648 : vector<128x1xf32> to vector<128x1xi32>
    %swap3A_650 = arith.constant 3840 : index
    %swap3A_651 = arith.constant 0 : index
    %swap3A_652 = vector.load %arg3[%swap3A_650, %swap3A_651] : memref<4096x1xi32, #tpu.memory_space<vmem>>, vector<128x1xi32>
    tpu.vector_store %arg3[%swap3A_650, %swap3A_651], %convert_element_type3A_649 {strides = array<i32>} : memref<4096x1xi32, #tpu.memory_space<vmem>>, vector<128x1xi32>,
    %reduce_sum3A_653 = arith.constant dense<0.000000e+00> : vector<8xf32>
    %reduce_sum3A_654 = vector.multi_reduction <add>, %slice3A_638, %reduce_sum3A_653 [0] : vector<128x8xf32> to vector<8xf32>
    %broadcast_in_dim3A_655 = vector.shape_cast %reduce_sum3A_654 : vector<8xf32> to vector<1x8xf32>
    %add3A_656 = arith.addf %add3A_637, %broadcast_in_dim3A_655 : vector<1x8xf32>
    %slice3A_657 = vector.extract_strided_slice %convert_element_type3A_42 {offsets = [1920, 0], sizes = [128, 8], strides = [1, 1]} : vector<2048x8xf32> to vector<128x8xf32>
    %dot_general3A_658 = arith.constant dense<0.000000e+00> : vector<128x8xf32>
    %dot_general3A_659 = tpu.matmul %convert_element_type3A_67, %slice3A_657, %dot_general3A_658 {dimension_numbers = #tpu.dot_dimension_numbers<[1], [0], [0], [1], [0, 0, 1, 1], [], []>, transpose_lhs_hint = false} : vector<128x128xf32>, vector<128x8xf32>, vector<128x8xf32> -> vector<128x8xf32>
    %add3A_660 = vector.broadcast %add3A_656 : vector<1x8xf32> to vector<128x8xf32>
    %add3A_661 = arith.addf %dot_general3A_659, %add3A_660 : vector<128x8xf32>
    %add3A_662 = vector.broadcast %sub3A_63 : vector<1x8xf32> to vector<128x8xf32>
    %add3A_663 = arith.addf %add3A_661, %add3A_662 : vector<128x8xf32>
    %mul3A_664 = arith.mulf %slice3A_657, %add3A_663 : vector<128x8xf32>
    %reduce_sum3A_665 = arith.constant dense<0.000000e+00> : vector<128xf32>
    %reduce_sum3A_666 = vector.multi_reduction <add>, %mul3A_664, %reduce_sum3A_665 [1] : vector<128x8xf32> to vector<128xf32>
    %broadcast_in_dim3A_667 = vector.shape_cast %reduce_sum3A_666 : vector<128xf32> to vector<128x1xf32>
    %convert_element_type3A_668 = arith.fptosi %broadcast_in_dim3A_667 : vector<128x1xf32> to vector<128x1xi32>
    %swap3A_669 = arith.constant 3968 : index
    %swap3A_670 = arith.constant 0 : index
    %swap3A_671 = vector.load %arg3[%swap3A_669, %swap3A_670] : memref<4096x1xi32, #tpu.memory_space<vmem>>, vector<128x1xi32>
    tpu.vector_store %arg3[%swap3A_669, %swap3A_670], %convert_element_type3A_668 {strides = array<i32>} : memref<4096x1xi32, #tpu.memory_space<vmem>>, vector<128x1xi32>,
    %concatenate3A_672 = tpu.concatenate %broadcast_in_dim3A_17, %broadcast_in_dim3A_29 in 1 : vector<2048x1xf32>, vector<2048x1xf32> -> vector<2048x2xf32>
    %swap3A_673 = arith.constant 0 : index
    %swap3A_674 = arith.constant 0 : index
    %swap3A_675 = vector.load %arg4[%swap3A_673, %swap3A_674] : memref<2048x2xf32, #tpu.memory_space<vmem>>, vector<2048x2xf32>
    tpu.vector_store %arg4[%swap3A_673, %swap3A_674], %concatenate3A_672 {strides = array<i32>} : memref<2048x2xf32, #tpu.memory_space<vmem>>, vector<2048x2xf32>,
    %swap3A_676 = arith.constant 0 : index
    %swap3A_677 = arith.constant 0 : index
    %swap3A_678 = vector.load %arg5[%swap3A_676, %swap3A_677] : memref<1x8xf32, #tpu.memory_space<vmem>>, vector<1x8xf32>
    tpu.vector_store %arg5[%swap3A_676, %swap3A_677], %add3A_49 {strides = array<i32>} : memref<1x8xf32, #tpu.memory_space<vmem>>, vector<1x8xf32>,
    %reduce_sum3A_679 = arith.constant dense<0.000000e+00> : vector<8xf32>
    %reduce_sum3A_680 = vector.multi_reduction <add>, %div3A_14, %reduce_sum3A_679 [0] : vector<2048x8xf32> to vector<8xf32>
    %broadcast_in_dim3A_681 = vector.shape_cast %reduce_sum3A_680 : vector<8xf32> to vector<1x8xf32>
    %div3A_682 = arith.constant 2.048000e+03 : f32
    %div3A_683 = vector.broadcast %div3A_682 : f32 to vector<1x8xf32>
    %div3A_684 = arith.divf %broadcast_in_dim3A_681, %div3A_683 : vector<1x8xf32>
    %reduce_sum3A_685 = vector.shape_cast %add3A_49 : vector<1x8xf32> to vector<1x1x8xf32>
    %reduce_sum3A_686 = arith.constant dense<0.000000e+00> : vector<1xf32>
    %reduce_sum3A_687 = vector.multi_reduction <add>, %reduce_sum3A_685, %reduce_sum3A_686 [1, 2] : vector<1x1x8xf32> to vector<1xf32>
    %reduce_sum3A_688 = vector.shape_cast %reduce_sum3A_687 : vector<1xf32> to vector<1x1x1xf32>
    %reduce_sum3A_689 = vector.extract %reduce_sum3A_688[0, 0, 0] : f32 from vector<1x1x1xf32>
    %div3A_690 = vector.broadcast %reduce_sum3A_689 : f32 to vector<1x8xf32>
    %div3A_691 = arith.divf %add3A_49, %div3A_690 : vector<1x8xf32>
    %mul3A_692 = arith.mulf %div3A_684, %div3A_691 : vector<1x8xf32>
    %reduce_sum3A_693 = arith.constant dense<0.000000e+00> : vector<1xf32>
    %reduce_sum3A_694 = vector.multi_reduction <add>, %mul3A_692, %reduce_sum3A_693 [1] : vector<1x8xf32> to vector<1xf32>
    %broadcast_in_dim3A_695 = vector.shape_cast %reduce_sum3A_694 : vector<1xf32> to vector<1x1xf32>
    %mul3A_696 = arith.constant 8.000000e+00 : f32
    %mul3A_697 = vector.broadcast %mul3A_696 : f32 to vector<1x1xf32>
    %mul3A_698 = arith.mulf %broadcast_in_dim3A_695, %mul3A_697 : vector<1x1xf32>
    %swap3A_699 = arith.constant 0 : index
    %swap3A_700 = arith.constant 0 : index
    %swap3A_701 = vector.load %arg6[%swap3A_699, %swap3A_700] : memref<1x1xf32, #tpu.memory_space<vmem>>, vector<1x1xf32>
    tpu.vector_store %arg6[%swap3A_699, %swap3A_700], %mul3A_698 {strides = array<i32>} : memref<1x1xf32, #tpu.memory_space<vmem>>, vector<1x1xf32>,
    return
  }
}

module attributes {stable_mosaic.version = 14 : i64} {
  func.func @_ffn_body(%arg0: i32, %arg1: i32, %arg2: memref<4x23xi32, #tpu.memory_space<smem>>, %arg3: memref<256x1024xf32, #tpu.memory_space<vmem>>, %arg4: memref<1x1536x1024xf32, #tpu.memory_space<vmem>>, %arg5: memref<1x1x1536xf32, #tpu.memory_space<vmem>>, %arg6: memref<1x1024x1536xf32, #tpu.memory_space<vmem>>, %arg7: memref<1x1x1024xf32, #tpu.memory_space<vmem>>, %arg8: memref<256x1024xf32, #tpu.memory_space<vmem>>) attributes {dimension_semantics = [#tpu.dimension_semantics<arbitrary>, #tpu.dimension_semantics<arbitrary>], iteration_bounds = array<i64: 23, 2>, scalar_prefetch = 1 : i64, scratch_operands = 0 : i64, tpu.core_type = #tpu.core_type<tc>, window_params = [{transform_indices = @transform_0, window_bounds = array<i64: 256, 1024>}, {transform_indices = @transform_1, window_bounds = array<i64: 1, 1536, 1024>}, {transform_indices = @transform_2, window_bounds = array<i64: 1, 1, 1536>}, {transform_indices = @transform_3, window_bounds = array<i64: 1, 1024, 1536>}, {transform_indices = @transform_4, window_bounds = array<i64: 1, 1, 1024>}, {transform_indices = @transform_5, window_bounds = array<i64: 256, 1024>}]} {
    %get3A = arith.constant 0 : index
    %get3A_0 = arith.index_cast %arg0 : i32 to index
    %get3A_1 = memref.load %arg2[%get3A, %get3A_0] : memref<4x23xi32, #tpu.memory_space<smem>>
    %get3A_2 = arith.constant 2 : index
    %get3A_3 = arith.index_cast %arg0 : i32 to index
    %get3A_4 = memref.load %arg2[%get3A_2, %get3A_3] : memref<4x23xi32, #tpu.memory_space<smem>>
    %get3A_5 = arith.constant 3 : index
    %get3A_6 = arith.index_cast %arg0 : i32 to index
    %get3A_7 = memref.load %arg2[%get3A_5, %get3A_6] : memref<4x23xi32, #tpu.memory_space<smem>>
    %mul3A = arith.constant 256 : i32
    %mul3A_8 = arith.muli %get3A_1, %mul3A : i32
    %iota3A = tpu.iota {dimensions = array<i32: 0>} : vector<256x1xi32>
    %add3A = vector.broadcast %mul3A_8 : i32 to vector<256x1xi32>
    %add3A_9 = arith.addi %add3A, %iota3A : vector<256x1xi32>
    %ge3A = vector.broadcast %get3A_4 : i32 to vector<256x1xi32>
    %ge3A_10 = arith.cmpi sge, %add3A_9, %ge3A : vector<256x1xi32>
    %lt3A = vector.broadcast %get3A_7 : i32 to vector<256x1xi32>
    %lt3A_11 = arith.cmpi slt, %add3A_9, %lt3A : vector<256x1xi32>
    %and3A = arith.andi %ge3A_10, %lt3A_11 : vector<256x1xi1>
    %get3A_12 = arith.constant 0 : index
    %get3A_13 = arith.constant 0 : index
    %get3A_14 = vector.load %arg3[%get3A_12, %get3A_13] : memref<256x1024xf32, #tpu.memory_space<vmem>>, vector<256x1024xf32>
    %convert_element_type3A = arith.truncf %get3A_14 : vector<256x1024xf32> to vector<256x1024xbf16>
    %get3A_15 = arith.constant 0 : index
    %get3A_16 = arith.constant 0 : index
    %get3A_17 = arith.constant 0 : index
    %get3A_18 = vector.load %arg4[%get3A_15, %get3A_16, %get3A_17] : memref<1x1536x1024xf32, #tpu.memory_space<vmem>>, vector<1x1536x1024xf32>
    %get3A_19 = vector.shape_cast %get3A_18 : vector<1x1536x1024xf32> to vector<1536x1024xf32>
    %convert_element_type3A_20 = arith.truncf %get3A_19 : vector<1536x1024xf32> to vector<1536x1024xbf16>
    %dot_general3A = arith.constant dense<0.000000e+00> : vector<256x1536xf32>
    %dot_general3A_21 = tpu.matmul %convert_element_type3A, %convert_element_type3A_20, %dot_general3A {dimension_numbers = #tpu.dot_dimension_numbers<[1], [1], [0], [0], [0, 0, 1, 0], [], []>, transpose_lhs_hint = false} : vector<256x1024xbf16>, vector<1536x1024xbf16>, vector<256x1536xf32> -> vector<256x1536xf32>
    %get3A_22 = arith.constant 0 : index
    %get3A_23 = arith.constant 0 : index
    %get3A_24 = arith.constant 0 : index
    %get3A_25 = vector.load %arg5[%get3A_22, %get3A_23, %get3A_24] : memref<1x1x1536xf32, #tpu.memory_space<vmem>>, vector<1x1x1536xf32>
    %get3A_26 = vector.shape_cast %get3A_25 : vector<1x1x1536xf32> to vector<1536xf32>
    %broadcast_in_dim3A = vector.shape_cast %get3A_26 : vector<1536xf32> to vector<1x1536xf32>
    %add3A_27 = vector.broadcast %broadcast_in_dim3A : vector<1x1536xf32> to vector<256x1536xf32>
    %add3A_28 = arith.addf %dot_general3A_21, %add3A_27 : vector<256x1536xf32>
    %mul3A_29 = arith.constant 5.000000e-01 : f32
    %mul3A_30 = vector.broadcast %mul3A_29 : f32 to vector<256x1536xf32>
    %mul3A_31 = arith.mulf %mul3A_30, %add3A_28 : vector<256x1536xf32>
    %mul3A_32 = arith.constant 0.707106769 : f32
    %mul3A_33 = vector.broadcast %mul3A_32 : f32 to vector<256x1536xf32>
    %mul3A_34 = arith.mulf %add3A_28, %mul3A_33 : vector<256x1536xf32>
    %erf3A = math.erf %mul3A_34 : vector<256x1536xf32>
    %add3A_35 = arith.constant 1.000000e+00 : f32
    %add3A_36 = vector.broadcast %add3A_35 : f32 to vector<256x1536xf32>
    %add3A_37 = arith.addf %add3A_36, %erf3A : vector<256x1536xf32>
    %mul3A_38 = arith.mulf %mul3A_31, %add3A_37 : vector<256x1536xf32>
    %convert_element_type3A_39 = arith.truncf %mul3A_38 : vector<256x1536xf32> to vector<256x1536xbf16>
    %get3A_40 = arith.constant 0 : index
    %get3A_41 = arith.constant 0 : index
    %get3A_42 = arith.constant 0 : index
    %get3A_43 = vector.load %arg6[%get3A_40, %get3A_41, %get3A_42] : memref<1x1024x1536xf32, #tpu.memory_space<vmem>>, vector<1x1024x1536xf32>
    %get3A_44 = vector.shape_cast %get3A_43 : vector<1x1024x1536xf32> to vector<1024x1536xf32>
    %convert_element_type3A_45 = arith.truncf %get3A_44 : vector<1024x1536xf32> to vector<1024x1536xbf16>
    %dot_general3A_46 = arith.constant dense<0.000000e+00> : vector<256x1024xf32>
    %dot_general3A_47 = tpu.matmul %convert_element_type3A_39, %convert_element_type3A_45, %dot_general3A_46 {dimension_numbers = #tpu.dot_dimension_numbers<[1], [1], [0], [0], [0, 0, 1, 0], [], []>, transpose_lhs_hint = false} : vector<256x1536xbf16>, vector<1024x1536xbf16>, vector<256x1024xf32> -> vector<256x1024xf32>
    %eq3A = arith.constant 0 : i32
    %eq3A_48 = arith.cmpi eq, %arg1, %eq3A : i32
    %convert_element_type3A_49 = arith.extui %eq3A_48 : i1 to i32
    %cond3A = arith.constant 0 : i32
    %cond3A_50 = arith.cmpi ne, %convert_element_type3A_49, %cond3A : i32
    scf.if %cond3A_50 {
      %get3A_55 = arith.constant 0 : index
      %get3A_56 = arith.constant 0 : index
      %get3A_57 = arith.constant 0 : index
      %get3A_58 = vector.load %arg7[%get3A_55, %get3A_56, %get3A_57] : memref<1x1x1024xf32, #tpu.memory_space<vmem>>, vector<1x1x1024xf32>
      %get3A_59 = vector.shape_cast %get3A_58 : vector<1x1x1024xf32> to vector<1024xf32>
      %broadcast_in_dim3A_60 = vector.shape_cast %get3A_59 : vector<1024xf32> to vector<1x1024xf32>
      %add3A_61 = vector.broadcast %broadcast_in_dim3A_60 : vector<1x1024xf32> to vector<256x1024xf32>
      %add3A_62 = arith.addf %dot_general3A_47, %add3A_61 : vector<256x1024xf32>
      %get3A_63 = arith.constant 0 : index
      %get3A_64 = arith.constant 0 : index
      %get3A_65 = vector.load %arg8[%get3A_63, %get3A_64] : memref<256x1024xf32, #tpu.memory_space<vmem>>, vector<256x1024xf32>
      %broadcast_in_dim3A_66 = vector.shape_cast %and3A : vector<256x1xi1> to vector<256x1xi1>
      %broadcast_in_dim3A_67 = vector.broadcast %broadcast_in_dim3A_66 : vector<256x1xi1> to vector<256x1024xi1>
      %select_n3A = arith.select %broadcast_in_dim3A_67, %add3A_62, %get3A_65 : vector<256x1024xi1>, vector<256x1024xf32>
      %swap3A = arith.constant 0 : index
      %swap3A_68 = arith.constant 0 : index
      %swap3A_69 = vector.load %arg8[%swap3A, %swap3A_68] : memref<256x1024xf32, #tpu.memory_space<vmem>>, vector<256x1024xf32>
      tpu.vector_store %arg8[%swap3A, %swap3A_68], %select_n3A {strides = array<i32>} : memref<256x1024xf32, #tpu.memory_space<vmem>>, vector<256x1024xf32>,
    } else {
    }
    %ne3A = arith.constant 0 : i32
    %ne3A_51 = arith.cmpi ne, %arg1, %ne3A : i32
    %convert_element_type3A_52 = arith.extui %ne3A_51 : i1 to i32
    %cond3A_53 = arith.constant 0 : i32
    %cond3A_54 = arith.cmpi ne, %convert_element_type3A_52, %cond3A_53 : i32
    scf.if %cond3A_54 {
      %get3A_55 = arith.constant 0 : index
      %get3A_56 = arith.constant 0 : index
      %get3A_57 = vector.load %arg8[%get3A_55, %get3A_56] : memref<256x1024xf32, #tpu.memory_space<vmem>>, vector<256x1024xf32>
      %jit3A = arith.constant 0.000000e+00 : f32
      %broadcast_in_dim3A_58 = vector.shape_cast %and3A : vector<256x1xi1> to vector<256x1xi1>
      %broadcast_in_dim3A_59 = vector.broadcast %broadcast_in_dim3A_58 : vector<256x1xi1> to vector<256x1024xi1>
      %broadcast_in_dim3A_60 = vector.broadcast %jit3A : f32 to vector<256x1024xf32>
      %select_n3A = arith.select %broadcast_in_dim3A_59, %dot_general3A_47, %broadcast_in_dim3A_60 : vector<256x1024xi1>, vector<256x1024xf32>
      %add3A_61 = arith.addf %get3A_57, %select_n3A : vector<256x1024xf32>
      %swap3A = arith.constant 0 : index
      %swap3A_62 = arith.constant 0 : index
      %swap3A_63 = vector.load %arg8[%swap3A, %swap3A_62] : memref<256x1024xf32, #tpu.memory_space<vmem>>, vector<256x1024xf32>
      tpu.vector_store %arg8[%swap3A, %swap3A_62], %add3A_61 {strides = array<i32>} : memref<256x1024xf32, #tpu.memory_space<vmem>>, vector<256x1024xf32>,
    } else {
    }
    return
  }
  func.func @transform_0(%arg0: i32, %arg1: i32, %arg2: memref<4x23xi32, #tpu.memory_space<smem>>) -> (i32, i32) {
    %get3A = arith.constant 0 : index
    %get3A_0 = arith.index_cast %arg0 : i32 to index
    %get3A_1 = memref.load %arg2[%get3A, %get3A_0] : memref<4x23xi32, #tpu.memory_space<smem>>
    %c0_i32 = arith.constant 0 : i32
    %c0_i32_2 = arith.constant 0 : i32
    return %get3A_1, %c0_i32 : i32, i32
  }
  func.func @transform_1(%arg0: i32, %arg1: i32, %arg2: memref<4x23xi32, #tpu.memory_space<smem>>) -> (i32, i32, i32) {
    %get3A = arith.constant 1 : index
    %get3A_0 = arith.index_cast %arg0 : i32 to index
    %get3A_1 = memref.load %arg2[%get3A, %get3A_0] : memref<4x23xi32, #tpu.memory_space<smem>>
    %c0_i32 = arith.constant 0 : i32
    %c0_i32_2 = arith.constant 0 : i32
    return %get3A_1, %arg1, %c0_i32 : i32, i32, i32
  }
  func.func @transform_2(%arg0: i32, %arg1: i32, %arg2: memref<4x23xi32, #tpu.memory_space<smem>>) -> (i32, i32, i32) {
    %get3A = arith.constant 1 : index
    %get3A_0 = arith.index_cast %arg0 : i32 to index
    %get3A_1 = memref.load %arg2[%get3A, %get3A_0] : memref<4x23xi32, #tpu.memory_space<smem>>
    %c0_i32 = arith.constant 0 : i32
    %c0_i32_2 = arith.constant 0 : i32
    return %get3A_1, %c0_i32, %arg1 : i32, i32, i32
  }
  func.func @transform_3(%arg0: i32, %arg1: i32, %arg2: memref<4x23xi32, #tpu.memory_space<smem>>) -> (i32, i32, i32) {
    %get3A = arith.constant 1 : index
    %get3A_0 = arith.index_cast %arg0 : i32 to index
    %get3A_1 = memref.load %arg2[%get3A, %get3A_0] : memref<4x23xi32, #tpu.memory_space<smem>>
    %c0_i32 = arith.constant 0 : i32
    %c0_i32_2 = arith.constant 0 : i32
    return %get3A_1, %c0_i32, %arg1 : i32, i32, i32
  }
  func.func @transform_4(%arg0: i32, %arg1: i32, %arg2: memref<4x23xi32, #tpu.memory_space<smem>>) -> (i32, i32, i32) {
    %get3A = arith.constant 1 : index
    %get3A_0 = arith.index_cast %arg0 : i32 to index
    %get3A_1 = memref.load %arg2[%get3A, %get3A_0] : memref<4x23xi32, #tpu.memory_space<smem>>
    %c0_i32 = arith.constant 0 : i32
    %c0_i32_2 = arith.constant 0 : i32
    %c0_i32_3 = arith.constant 0 : i32
    return %get3A_1, %c0_i32, %c0_i32_2 : i32, i32, i32
  }
  func.func @transform_5(%arg0: i32, %arg1: i32, %arg2: memref<4x23xi32, #tpu.memory_space<smem>>) -> (i32, i32) {
    %get3A = arith.constant 0 : index
    %get3A_0 = arith.index_cast %arg0 : i32 to index
    %get3A_1 = memref.load %arg2[%get3A, %get3A_0] : memref<4x23xi32, #tpu.memory_space<smem>>
    %c0_i32 = arith.constant 0 : i32
    %c0_i32_2 = arith.constant 0 : i32
    return %get3A_1, %c0_i32 : i32, i32
  }
}

</mosaic_0001>

<sc_bundles>
// kernel: kernel.6.cloned.1.call-start
scs
__scs_entry_jumppad:
0x0: {  	(pc) =	sbr.rel $0x88, $3  }
0x1: {  	(tag) =	ssettag $0x0;
	lr =	simm.s32 $0x1  }
0x2: {  	[smem:$0x3F9A] =	sst lr;
	_ =	strace $0xD0000000  }
0x3: {  	_ = 	snop  }
0x4: {  	_ = 	snop  }
0x5: {  	_ = 	snop  }
0x6: {  	_ = 	snop  }
0x7: {  	_ = 	snop  }
__scs_overlays_trampoline_lowered:
0x8: {  	[smem:$0x3FA9] =	sst s0  }
0x9: {  	[smem:$0x3FAA] =	sst s1  }
0xa: {  	[smem:$0x3FAB] =	sst s2  }
0xb: {  	[smem:$0x3FAC] =	sst s3  }
0xc: {  	[smem:$0x3FAD] =	sst s4  }
0xd: {  	[smem:$0x3FAE] =	sst s5  }
0xe: {  	[smem:$0x3FAF] =	sst s6  }
0xf: {  	[smem:$0x3FB0] =	sst s7  }
0x10: {  	[smem:$0x3FB1] =	sst s8  }
0x11: {  	[smem:$0x3FB2] =	sst s9;
	s0 =	simm.s32 @!p0 $0x0  }
0x12: {  	s1 =	sld [smem:$0x3F98];
	s0 =	simm.s32 @p0 $0x1  }
0x13: {  	[smem:$0x3FB3] =	sst s0;
	s0 =	simm.s32 @!p1 $0x0  }
0x14: {  	s2 =	sld [smem:$0x3F97];
	s0 =	simm.s32 @p1 $0x1  }
0x15: {  	[smem:$0x3FB4] =	sst s0;
	s0 =	simm.s32 @!p2 $0x0  }
0x16: {  	s3 =	sld [smem:$0x3FDB];
	s0 =	simm.s32 @p2 $0x1  }
0x17: {  	s4 =	simm.s32 $0x1BF5;
	[smem:$0x3FB6] =	sst s0  }
0x18: {  	s0 =	sld [smem:$0x3F99];
	_ =	swait.ge [sflag:s4], $0x0  }
0x19: {  	s7 =	sld [smem:$0x3F9A]  }
0x1a: {  	s8 =	sadd.s32 $0xFFFFE003, lr  }
0x1b: {  	s9 =	sadd.s32 $0xFFFFFEF7, lr;
	s5 =	simm.s32 $0xFFFFFFFF;
	p2 =	slt.u32 s8, $0xFFFFF086  }
0x1c: {  	p1 =	slt.u32 s9, $0xF7A;
	s5 =	simm.s32 @!p2 $0x0  }
0x1d: {  	s5 =	simm.s32 @p1 $0x1;
	p0 =	seq.s32 s7, s2  }
0x1e: {  	s7 =	smul.u32 @!p0 $0xF7A, s2;
	p2 =	seq.s32 @!p0 s5, $0x0  }
0x1f: {  	s9 =	smul.u32 $0xF7A, s1;
	s8 =	simm.s32 @!p0 $0x1BF5;
	p2 =	por !p2, p0  }
0x20: {  	[sflag:s8] =	ssyncset.s32 @!p0 $0xFFFFF086;
	s6 =	sadd.s32 @!p0 s3, s7;
	s7 =	simm.s32 @!p0 $0x108  }
0x21: {  	s3 =	sadd.s32 s3, s9;
	s6 =	sadd.s32 @!p0 $0x88, s6;
	s7 =	simm.s32 @p2 $0x1082  }
0x22: {  	[simem:s7], [sflag:s8] =	dma.local @!p0 [hbm:s6], $0xF7A  }
0x23: {  	s9 =	sor.u32 $0xD0000000, s2;
	s6 =	simm.s32 $0x108;
	_ =	swait.ge @!p0 [sflag:s8], $0x0  }
0x24: {  	s3 =	sadd.s32 $0x88, s3;
	s6 =	simm.s32 @!p1 $0x1082;
	[sflag:s4] =	ssyncset.s32 $0xFFFFF086  }
0x25: {  	[simem:s6], [sflag:s4] =	dma.local [hbm:s3], $0xF7A  }
0x26: {  	[smem:$0x3F9A] =	sst s1;
	(tag) =	ssettag s2;
	_ =	strace s9  }
0x27: {  	s1 =	sld [smem:$0x3FAA]  }
0x28: {  	s2 =	sld [smem:$0x3FAB]  }
0x29: {  	s4 =	sld [smem:$0x3FAD]  }
0x2a: {  	p0 =	seq.s32 s5, $0x0;
	s5 =	sld [smem:$0x3FAE]  }
0x2b: {  	s6 =	sld [smem:$0x3FAF]  }
0x2c: {  	s7 =	sld [smem:$0x3FB0]  }
0x2d: {  	s3 =	simm.s32 $0x108;
	s8 =	sld [smem:$0x3FB1]  }
0x2e: {  	s3 =	simm.s32 @!p0 $0x1082;
	s9 =	sld [smem:$0x3FB2]  }
0x2f: {  	lr =	sadd.s32 s0, s3;
	s0 =	sld [smem:$0x3FA9]  }
0x30: {  	s3 =	sld [smem:$0x3FAC]  }
0x31: {  	[smem:$0x3FB5] =	sst s10  }
0x32: {  	s10 =	sld [smem:$0x3FB3];
	_ =	sdelay $0x3  }
0x33: {  	p0 =	seq.s32 s10, $0x1;
	s10 =	sld [smem:$0x3FB5];
	_ =	sdelay $0x3  }
0x34: {  	[smem:$0x3FB5] =	sst s10  }
0x35: {  	s10 =	sld [smem:$0x3FB4];
	_ =	sdelay $0x3  }
0x36: {  	p1 =	seq.s32 s10, $0x1;
	s10 =	sld [smem:$0x3FB5];
	_ =	sdelay $0x3  }
0x37: {  	[smem:$0x3FB5] =	sst s10  }
0x38: {  	s10 =	sld [smem:$0x3FB6]  }
0x39: {  	_ = 	snop;
	(pc) =	sbr.ind lr, $3  }
0x3a: {  	_ = 	snop  }
0x3b: {  	_ = 	snop  }
0x3c: {  	p2 =	seq.s32 s10, $0x1;
	s10 =	sld [smem:$0x3FB5]  }
0x3d: {  	_ =	shalt  }
0x3e: {  	_ =	shalt  }
0x3f: {  	_ =	shalt  }
0x40: {  	_ =	shalt  }
0x41: {  	_ =	shalt  }
0x42: {  	_ =	shalt  }
0x43: {  	_ =	shalt  }
0x44: {  	_ =	shalt  }
0x45: {  	_ =	shalt  }
0x46: {  	_ =	shalt  }
0x47: {  	_ =	shalt  }
0x48: {  	_ =	shalt  }
0x49: {  	_ =	shalt  }
0x4a: {  	_ =	shalt  }
0x4b: {  	_ =	shalt  }
0x4c: {  	_ =	shalt  }
0x4d: {  	_ =	shalt  }
0x4e: {  	_ =	shalt  }
0x4f: {  	_ =	shalt  }
0x50: {  	_ =	shalt  }
0x51: {  	_ =	shalt  }
0x52: {  	_ =	shalt  }
0x53: {  	_ =	shalt  }
0x54: {  	_ =	shalt  }
0x55: {  	_ =	shalt  }
0x56: {  	_ =	shalt  }
0x57: {  	_ =	shalt  }
0x58: {  	_ =	shalt  }
0x59: {  	_ =	shalt  }
0x5a: {  	_ =	shalt  }
0x5b: {  	_ =	shalt  }
0x5c: {  	_ =	shalt  }
0x5d: {  	_ =	shalt  }
0x5e: {  	_ =	shalt  }
0x5f: {  	_ =	shalt  }
0x60: {  	_ =	shalt  }
0x61: {  	_ =	shalt  }
0x62: {  	_ =	shalt  }
0x63: {  	_ =	shalt  }
0x64: {  	_ =	shalt  }
0x65: {  	_ =	shalt  }
0x66: {  	_ =	shalt  }
0x67: {  	_ =	shalt  }
0x68: {  	_ =	shalt  }
0x69: {  	_ =	shalt  }
0x6a: {  	_ =	shalt  }
0x6b: {  	_ =	shalt  }
0x6c: {  	_ =	shalt  }
0x6d: {  	_ =	shalt  }
0x6e: {  	_ =	shalt  }
0x6f: {  	_ =	shalt  }
0x70: {  	_ =	shalt  }
0x71: {  	_ =	shalt  }
0x72: {  	_ =	shalt  }
0x73: {  	_ =	shalt  }
0x74: {  	_ =	shalt  }
0x75: {  	_ =	shalt  }
0x76: {  	_ =	shalt  }
0x77: {  	_ =	shalt  }
0x78: {  	_ =	shalt  }
0x79: {  	_ =	shalt  }
0x7a: {  	_ =	shalt  }
0x7b: {  	_ =	shalt  }
0x7c: {  	_ =	shalt  }
0x7d: {  	_ =	shalt  }
0x7e: {  	_ =	shalt  }
0x7f: {  	_ =	shalt  }
0x80: {  	_ =	shalt  }
0x81: {  	_ =	shalt  }
0x82: {  	_ =	shalt  }
0x83: {  	_ =	shalt  }
0x84: {  	_ =	shalt  }
0x85: {  	_ =	shalt  }
0x86: {  	_ =	shalt  }
0x87: {  	_ =	shalt  }
.Lfunc_end0:
.L_simem_size_0:
called_computation_lowered:
.L_overlay_start_0:
0x88: {  	s2 =	sld [smem:$0x3FD9]  }
0x89: {  	s3 =	sld [smem:$0x3FFE];
	_ =	sdelay $0x1  }
0x8a: {  	s1 =	srdreg.scid  }
0x8b: {  	s0 =	sand.u32 $0x1, s1  }
0x8c: {  	s14 =	sshll.u32 s0, $0xA;
	s2 =	sadd.s32 s3, s2  }
0x8d: {  	s2 =	sadd.s32 s2, s14  }
0x8e: {  	[smem:$0x3FC1] =	sst s2  }
0x8f: {  	_ = 	snop  }
0x90: {  	s2 =	sld [smem:$0x3FD0];
	_ =	sdelay $0x2  }
0x91: {  	s4 =	simm.s32 $0xA;
	s5 =	simm.s32 $0x10;
	s15 =	sld [smem:$0x3FC9]  }
0x92: {  	[smem:s5], [sflag:s4] =	dma.local [hbm:s2], $0x1  }
0x93: {  	_ =	swait.eq [sflag:s4], $0x1  }
0x94: {  	[sflag:s4] =	ssyncset.done $0x0  }
0x95: {  	[sflag:s4] =	ssyncadd.s32 $0xFFFFFFFF  }
0x96: {  	s16 =	sld [smem:$0x10];
	(tm) =	ssettm $0x1  }
0x97: {  	s17 =	sld [smem:$0x3FFB];
	_ =	sdelay $0x3  }
0x98: {  	_ =	strace s17  }
0x99: {  	s4 =	sld [smem:$0x3FFC];
	_ =	sdelay $0x3  }
0x9a: {  	_ =	strace s4  }
0x9b: {  	s4 =	sld [smem:$0x3FFD];
	_ =	sdelay $0x3  }
0x9c: {  	_ =	strace s4  }
0x9d: {  	_ =	strace $0x8FFFFFFF  }
0x9e: {  	s18 =	sld [smem:$0x3FDB];
	_ =	sdelay $0x1  }
0x9f: {  	s19 =	simm.s32 $_scs_section_size  }
0xa0: {  	s6 =	simm.s32 $_size__tile_overlayer_lowered;
	s7 =	simm.s32 $_tile_overlayer_lowered  }
0xa1: {  	s22 =	simm.s32 $0x1BFF;
	s21 =	sshll.u32 s7, $0x1;
	s4 =	sadd.s32 s19, s18  }
0xa2: {  	s8 =	simm.s32 $0x0;
	s20 =	sshll.u32 s6, $0x1;
	s6 =	sadd.s32 s21, s4  }
0xa3: {  	[timem:s8], [sflag:s22] =	dma.local [hbm:s6], s20  }
0xa4: {  	_ =	swait.ge [sflag:s22], s20  }
0xa5: {  	s5 =	ssub.s32 $0x0, s20;
	[sflag:s22] =	ssyncset.done $0x0  }
0xa6: {  	[sflag:s22] =	ssyncadd.s32 s5;
	_ =	sdelay $0x1  }
0xa7: {  	s23 =	simm.s32 $0x1B8B  }
0xa8: {  	_ =	swait.ge [sflag:s23], $0x1  }
0xa9: {  	[sflag:s23] =	ssyncset.done $0x0  }
0xaa: {  	s25 =	simm.s32 $0x1B8E;
	s24 =	sld [smem:$0x3FFE];
	[sflag:s23] =	ssyncadd.s32 $0xFFFFFFFF  }
0xab: {  	s26 =	simm.s32 $execute0_lowered;
	[smem:$0x3FD2] =	sst s25  }
0xac: {  	s6 =	sshll.u32 s26, $0x1;
	_ =	strace $0x80000046;
	[dreg:$0x1] =	wrdreg $0xFFFFFFFF  }
0xad: {  	s28 =	simm.s32 $_size_execute0_lowered;
	s4 =	sadd.s32 s4, s6;
	[dreg:$0x0] =	wrdreg $0x0  }
0xae: {  	s6 =	sshll.u32 s28, $0x1;
	[dreg:$0x2] =	wrdreg s4  }
0xaf: {  	[dreg:$0x3] =	wrdreg s6  }
0xb0: {  	[dreg:$0x4] =	wrdreg $0xC0  }
0xb1: {  	_ =	task [dreg:s8], $0x5FFFF  }
0xb2: {  	[dreg:$0x1] =	wrdreg $0xFFFFFFFF  }
0xb3: {  	[dreg:$0x0] =	wrdreg $0x60  }
0xb4: {  	[dreg:$0x2] =	wrdreg s15  }
0xb5: {  	[dreg:$0x3] =	wrdreg s16  }
0xb6: {  	[dreg:$0x4] =	wrdreg s24  }
0xb7: {  	[dreg:$0x5] =	wrdreg $0x9  }
0xb8: {  	_ =	task.clear_ibuf [dreg:s8], $0x6FFFF;
	_ =	strace $0x90000046  }
0xb9: {  	s29 =	simm.s32 $0x9;
	_ =	strace $0x80000048  }
0xba: {  	_ =	swait.ge [sflag:s29], $0x1  }
0xbb: {  	[sflag:s29] =	ssyncadd.s32 $0xFFFFFFFF  }
0xbc: {  	_ =	strace $0x90000048  }
0xbd: {  	_ =	sfence  }
0xbe: {  	s30 =	sld [smem:$0x0];
	_ =	sdelay $0x2  }
0xbf: {  	s31 =	sshll.u32 s1, $0xD;
	s1 =	sshrl.u32 s1, $0x2  }
0xc0: {  	s3 =	sand.u32 $0x4000, s31;
	s1 =	sadd.s32 s1, s30  }
0xc1: {  	s0 =	sor.u32 s3, s0;
	s1 =	sshll.u32 s1, $0x11  }
0xc2: {  	s0 =	sor.u32 s1, s0  }
0xc3: {  	s0 =	sadd.s32 $0x8F2B, s0  }
0xc4: {  	[sflag:s0] =	ssyncadd.remote.s32 $0x1  }
0xc5: {  	_ =	sfence.sel $0xFFFF  }
0xc6: {  	[dreg:$0x0] =	wrdreg $0xFFFFFFFF;
	(pc) =	sbr.abs _section_cstart, $3  }
0xc7: {  	[dreg:$0x1] =	wrdreg $0xFFFFFFFF  }
0xc8: {  	_ =	task.clear_ibuf [dreg:s8], $0x2FFFF;
	_ =	strace $0x9FFFFFFF  }
0xc9: {  	(tm) =	ssettm $0x7FFFFFFF  }
tec
execute0_lowered:
.L_overlay_start_1:
0x0: {  	(tag) =	ssettag $0x1  }
0x1: {  	s0 =	rddreg [dreg:$0x0]  }
0x2: {  	s1 =	rddreg [dreg:$0x1]  }
0x3: {  	s3 =	srdreg.scid;
	s5 =	stileid.u32  }
0x4: {  	s2 =	rddreg [dreg:$0x2];
	s26 =	simm.s32 $0x80;
	s9 =	simm.s32 $0x3  }
0x5: {  	s19 =	simm.s32 $0x100;
	s23 =	simm.s32 $0x1900;
	s24 =	simm.s32 $0x2100  }
0x6: {  	s28 =	simm.s32 $0x3900;
	s29 =	simm.s32 $0x4100;
	s30 =	simm.s32 $0x4900  }
0x7: {  	s31 =	simm.s32 $0x5100;
	s11 =	simm.s32 $0x7100;
	s12 =	simm.s32 $0x7900  }
0x8: {  	s13 =	simm.s32 $0x8100;
	s14 =	simm.s32 $0x8900;
	s15 =	simm.s32 $0x9100  }
0x9: {  	s16 =	simm.s32 $0x9900;
	s17 =	simm.s32 $0xA100;
	s18 =	simm.s32 $0xA900  }
0xa: {  	s10 =	simm.s32 $0xB100;
	s20 =	simm.s32 $0xB900;
	s4 =	sand.u32 $0x1, s3  }
0xb: {  	s5 =	sshll.u32 s5, $0x1;
	s3 =	simm.s32 $0x0;
	s7 =	sadd.s32 $0x300, s2  }
0xc: {  	s5 =	sor.u32 s4, s5;
	[smem:$0x7FF] =	sst s3;
	s4 =	ssub.s32 $0x2, s4  }
0xd: {  	s6 =	sshll.u32 s5, $0x5;
	_ =	strace $0x80000047;
	s25 =	sshrl.u32 s4, $0x1  }
0xe: {  	s5 =	sshll.u32 s5, $0xD;
	[dreg:$0x6] =	wrdreg s26;
	s26 =	simm.s32 $0x3100  }
0xf: {  	s6 =	sadd.s32 s1, s6;
	s1 =	ssub.s32 s4, s25;
	s0 =	sadd.s32 s0, s5  }
0x10: {  	v2 =	vlaneseq.u32;
	s5 =	sadd.s32 $0x100, s2;
	s25 =	simm.s32 $0x2900;
	[dreg:$0x7] =	wrdreg s6  }
0x11: {  	vm0 =	vmmov $0xffff;
	v1 =	vshrl.u32 v2, $0x3;
	s4 =	simm.s32 $0x6900;
	s6 =	sadd.s32 $0x10, s6;
	[dreg:$0x5] =	wrdreg s0  }
0x12: {  	v0 =	vand.u32 $0x7, v2;
	v2 =	vor.u32 $0x8, v2;
	v1 =	vmul.u32 $0x8, v1;
	s8 =	smax.u32 s1, $0x1;
	[dreg:$0x4] =	wrdreg s6;
	s6 =	sadd.s32 $0x200, s2  }
.LBB2_1:
0x13: {  	s21 =	rddreg [dreg:$0x7]  }
0x14: {  	[tilespmem:s3], [sflag:$0x3] =	stream.linear.gather [hbm4b:s21+s3], $0x80, $0x38;
	[tilespmem:$0x10100] =	vst v63  }
0x15: {  	_ =	swait.ge [sflag:s9], $0x80  }
0x16: {  	s0 =	rddreg [dreg:$0x4];
	[sflag:s9] =	ssyncset.done $0x0  }
0x17: {  	s22 =	rddreg [dreg:$0x6];
	[sflag:s9] =	ssyncadd.s32 $0xFFFFFF80  }
0x18: {  	[tilespmem:s22], [sflag:$0x3] =	stream.linear.gather [hbm4b:s0+s3], $0x80, $0x38;
	[tilespmem:$0x10100] =	vst v63  }
0x19: {  	_ =	swait.ge [sflag:s9], $0x80  }
0x1a: {  	[sflag:s9] =	ssyncset.done $0x0  }
0x1b: {  	s1 =	rddreg [dreg:$0x5];
	[sflag:s9] =	ssyncadd.s32 $0xFFFFFF80  }
0x1c: {  	[tilespmem:s19], [sflag:$0x3] =	stream.linear.gather [hbm4b:s1+s3], $0x10000, $0x38;
	[tilespmem:$0x10100] =	vst v63  }
0x1d: {  	_ =	swait.ge [sflag:s9], $0x10000  }
0x1e: {  	[sflag:s9] =	ssyncset.done $0x0  }
0x1f: {  	[sflag:s9] =	ssyncadd.s32 $0xFFFF0000  }
0x20: {  	v3 =	vld [tilespmem:$0x0];
	_ =	sdelay $0x4  }
0x21: {  	v4 =	vshll.u32 v3, $0x3  }
0x22: {  	v3 =	vand.u32 $0x7, v3;
	v4 =	vand.u32 $0xFFFFFFC0, v4  }
0x23: {  	v3 =	vor.u32 v3, v4  }
0x24: {  	v4 =	vperm.xlane v3, v0;
	_ =	sdelay $0x1  }
0x25: {  	v4 =	vadd.s32 v1, v4;
	_ =	sdelay $0x4  }
0x26: {  	[hbm4b:s2+s3] =	stream.indirect_vreg.scatter [tilespmem:s19], [sflag:$0x1], $0x80, v4, vm0, $0xb8;
	[tilespmem:$0x10100] =	vst v63  }
0x27: {  	s21 =	simm.s32 $0x900;
	v3 =	vperm.xlane v3, v2  }
0x28: {  	[hbm4b:s5+s3] =	stream.indirect_vreg.scatter [tilespmem:s21], [sflag:$0x1], $0x80, v4, vm0, $0xb8;
	[tilespmem:$0x10100] =	vst v63  }
0x29: {  	s22 =	simm.s32 $0x1100;
	v3 =	vadd.s32 v1, v3  }
0x2a: {  	[hbm4b:s6+s3] =	stream.indirect_vreg.scatter [tilespmem:s22], [sflag:$0x1], $0x80, v4, vm0, $0xb8;
	[tilespmem:$0x10100] =	vst v63  }
0x2b: {  	_ = 	snop  }
0x2c: {  	[hbm4b:s7+s3] =	stream.indirect_vreg.scatter [tilespmem:s23], [sflag:$0x1], $0x80, v4, vm0, $0xb8;
	[tilespmem:$0x10100] =	vst v63  }
0x2d: {  	_ = 	snop  }
0x2e: {  	[hbm4b:s2+s3] =	stream.indirect_vreg.scatter [tilespmem:s24], [sflag:$0x1], $0x80, v3, vm0, $0xb8;
	[tilespmem:$0x10100] =	vst v63  }
0x2f: {  	_ = 	snop  }
0x30: {  	[hbm4b:s5+s3] =	stream.indirect_vreg.scatter [tilespmem:s25], [sflag:$0x1], $0x80, v3, vm0, $0xb8;
	[tilespmem:$0x10100] =	vst v63  }
0x31: {  	_ = 	snop  }
0x32: {  	[hbm4b:s6+s3] =	stream.indirect_vreg.scatter [tilespmem:s26], [sflag:$0x1], $0x80, v3, vm0, $0xb8;
	[tilespmem:$0x10100] =	vst v63  }
0x33: {  	_ = 	snop  }
0x34: {  	[hbm4b:s7+s3] =	stream.indirect_vreg.scatter [tilespmem:s28], [sflag:$0x1], $0x80, v3, vm0, $0xb8;
	[tilespmem:$0x10100] =	vst v63  }
0x35: {  	v3 =	vld [tilespmem:$0x10];
	_ =	sdelay $0x4  }
0x36: {  	v57 =	vshll.u32 v3, $0x3  }
0x37: {  	v3 =	vand.u32 $0x7, v3;
	v4 =	vand.u32 $0xFFFFFFC0, v57  }
0x38: {  	v3 =	vor.u32 v3, v4  }
0x39: {  	v4 =	vperm.xlane v3, v0;
	_ =	sdelay $0x1  }
0x3a: {  	v4 =	vadd.s32 v1, v4;
	_ =	sdelay $0x4  }
0x3b: {  	[hbm4b:s2+s3] =	stream.indirect_vreg.scatter [tilespmem:s29], [sflag:$0x1], $0x80, v4, vm0, $0xb8;
	[tilespmem:$0x10100] =	vst v63  }
0x3c: {  	v3 =	vperm.xlane v3, v2  }
0x3d: {  	[hbm4b:s5+s3] =	stream.indirect_vreg.scatter [tilespmem:s30], [sflag:$0x1], $0x80, v4, vm0, $0xb8;
	[tilespmem:$0x10100] =	vst v63  }
0x3e: {  	v3 =	vadd.s32 v1, v3  }
0x3f: {  	[hbm4b:s6+s3] =	stream.indirect_vreg.scatter [tilespmem:s31], [sflag:$0x1], $0x80, v4, vm0, $0xb8;
	[tilespmem:$0x10100] =	vst v63  }
0x40: {  	s1 =	simm.s32 $0x5900  }
0x41: {  	[hbm4b:s7+s3] =	stream.indirect_vreg.scatter [tilespmem:s1], [sflag:$0x1], $0x80, v4, vm0, $0xb8;
	[tilespmem:$0x10100] =	vst v63  }
0x42: {  	s0 =	simm.s32 $0x6100  }
0x43: {  	[hbm4b:s2+s3] =	stream.indirect_vreg.scatter [tilespmem:s0], [sflag:$0x1], $0x80, v3, vm0, $0xb8;
	[tilespmem:$0x10100] =	vst v63  }
0x44: {  	_ = 	snop  }
0x45: {  	[hbm4b:s5+s3] =	stream.indirect_vreg.scatter [tilespmem:s4], [sflag:$0x1], $0x80, v3, vm0, $0xb8;
	[tilespmem:$0x10100] =	vst v63  }
0x46: {  	_ = 	snop  }
0x47: {  	[hbm4b:s6+s3] =	stream.indirect_vreg.scatter [tilespmem:s11], [sflag:$0x1], $0x80, v3, vm0, $0xb8;
	[tilespmem:$0x10100] =	vst v63  }
0x48: {  	_ = 	snop  }
0x49: {  	[hbm4b:s7+s3] =	stream.indirect_vreg.scatter [tilespmem:s12], [sflag:$0x1], $0x80, v3, vm0, $0xb8;
	[tilespmem:$0x10100] =	vst v63  }
0x4a: {  	v3 =	vld [tilespmem:$0x20];
	_ =	sdelay $0x4  }
0x4b: {  	v58 =	vshll.u32 v3, $0x3  }
0x4c: {  	v3 =	vand.u32 $0x7, v3;
	v4 =	vand.u32 $0xFFFFFFC0, v58  }
0x4d: {  	v3 =	vor.u32 v3, v4  }
0x4e: {  	v4 =	vperm.xlane v3, v0;
	_ =	sdelay $0x1  }
0x4f: {  	v4 =	vadd.s32 v1, v4;
	_ =	sdelay $0x4  }
0x50: {  	[hbm4b:s2+s3] =	stream.indirect_vreg.scatter [tilespmem:s13], [sflag:$0x1], $0x80, v4, vm0, $0xb8;
	[tilespmem:$0x10100] =	vst v63  }
0x51: {  	v3 =	vperm.xlane v3, v2  }
0x52: {  	[hbm4b:s5+s3] =	stream.indirect_vreg.scatter [tilespmem:s14], [sflag:$0x1], $0x80, v4, vm0, $0xb8;
	[tilespmem:$0x10100] =	vst v63  }
0x53: {  	v3 =	vadd.s32 v1, v3  }
0x54: {  	[hbm4b:s6+s3] =	stream.indirect_vreg.scatter [tilespmem:s15], [sflag:$0x1], $0x80, v4, vm0, $0xb8;
	[tilespmem:$0x10100] =	vst v63  }
0x55: {  	_ = 	snop  }
0x56: {  	[hbm4b:s7+s3] =	stream.indirect_vreg.scatter [tilespmem:s16], [sflag:$0x1], $0x80, v4, vm0, $0xb8;
	[tilespmem:$0x10100] =	vst v63  }
0x57: {  	_ = 	snop  }
0x58: {  	[hbm4b:s2+s3] =	stream.indirect_vreg.scatter [tilespmem:s17], [sflag:$0x1], $0x80, v3, vm0, $0xb8;
	[tilespmem:$0x10100] =	vst v63  }
0x59: {  	_ = 	snop  }
0x5a: {  	[hbm4b:s5+s3] =	stream.indirect_vreg.scatter [tilespmem:s18], [sflag:$0x1], $0x80, v3, vm0, $0xb8;
	[tilespmem:$0x10100] =	vst v63  }
0x5b: {  	_ = 	snop  }
0x5c: {  	[hbm4b:s6+s3] =	stream.indirect_vreg.scatter [tilespmem:s10], [sflag:$0x1], $0x80, v3, vm0, $0xb8;
	[tilespmem:$0x10100] =	vst v63  }
0x5d: {  	_ = 	snop  }
0x5e: {  	[hbm4b:s7+s3] =	stream.indirect_vreg.scatter [tilespmem:s20], [sflag:$0x1], $0x80, v3, vm0, $0xb8;
	[tilespmem:$0x10100] =	vst v63  }
0x5f: {  	v3 =	vld [tilespmem:$0x30];
	_ =	sdelay $0x4  }
0x60: {  	v59 =	vshll.u32 v3, $0x3  }
0x61: {  	v3 =	vand.u32 $0x7, v3;
	v4 =	vand.u32 $0xFFFFFFC0, v59  }
0x62: {  	v3 =	vor.u32 v3, v4  }
0x63: {  	v4 =	vperm.xlane v3, v0;
	_ =	sdelay $0x1  }
0x64: {  	v4 =	vadd.s32 v1, v4;
	_ =	sdelay $0x3  }
0x65: {  	s0 =	simm.s32 $0xC100  }
0x66: {  	[hbm4b:s2+s3] =	stream.indirect_vreg.scatter [tilespmem:s0], [sflag:$0x1], $0x80, v4, vm0, $0xb8;
	[tilespmem:$0x10100] =	vst v63  }
0x67: {  	v3 =	vperm.xlane v3, v2;
	s0 =	simm.s32 $0xC900  }
0x68: {  	[hbm4b:s5+s3] =	stream.indirect_vreg.scatter [tilespmem:s0], [sflag:$0x1], $0x80, v4, vm0, $0xb8;
	[tilespmem:$0x10100] =	vst v63  }
0x69: {  	v3 =	vadd.s32 v1, v3;
	s0 =	simm.s32 $0xD100  }
0x6a: {  	[hbm4b:s6+s3] =	stream.indirect_vreg.scatter [tilespmem:s0], [sflag:$0x1], $0x80, v4, vm0, $0xb8;
	[tilespmem:$0x10100] =	vst v63  }
0x6b: {  	s0 =	simm.s32 $0xD900  }
0x6c: {  	[hbm4b:s7+s3] =	stream.indirect_vreg.scatter [tilespmem:s0], [sflag:$0x1], $0x80, v4, vm0, $0xb8;
	[tilespmem:$0x10100] =	vst v63  }
0x6d: {  	s0 =	simm.s32 $0xE100  }
0x6e: {  	[hbm4b:s2+s3] =	stream.indirect_vreg.scatter [tilespmem:s0], [sflag:$0x1], $0x80, v3, vm0, $0xb8;
	[tilespmem:$0x10100] =	vst v63  }
0x6f: {  	s0 =	simm.s32 $0xE900  }
0x70: {  	[hbm4b:s5+s3] =	stream.indirect_vreg.scatter [tilespmem:s0], [sflag:$0x1], $0x80, v3, vm0, $0xb8;
	[tilespmem:$0x10100] =	vst v63  }
0x71: {  	s0 =	simm.s32 $0xF100  }
0x72: {  	[hbm4b:s6+s3] =	stream.indirect_vreg.scatter [tilespmem:s0], [sflag:$0x1], $0x80, v3, vm0, $0xb8;
	[tilespmem:$0x10100] =	vst v63  }
0x73: {  	s0 =	simm.s32 $0xF900  }
0x74: {  	[hbm4b:s7+s3] =	stream.indirect_vreg.scatter [tilespmem:s0], [sflag:$0x1], $0x80, v3, vm0, $0xb8;
	[tilespmem:$0x10100] =	vst v63  }
0x75: {  	v3 =	vld [tilespmem:$0x80];
	_ =	sdelay $0x4  }
0x76: {  	v60 =	vshll.u32 v3, $0x3  }
0x77: {  	v3 =	vand.u32 $0x7, v3;
	v4 =	vand.u32 $0xFFFFFFC0, v60  }
0x78: {  	v3 =	vor.u32 v3, v4  }
0x79: {  	v4 =	vperm.xlane v3, v0;
	_ =	sdelay $0x1  }
0x7a: {  	v4 =	vadd.s32 v1, v4;
	_ =	sdelay $0x4  }
0x7b: {  	[hbm4b:s2+s3] =	stream.indirect_vreg.scatter [tilespmem:s19], [sflag:$0x2], $0x80, v4, vm0, $0xb8;
	[tilespmem:$0x10100] =	vst v63  }
0x7c: {  	v3 =	vperm.xlane v3, v2  }
0x7d: {  	[hbm4b:s5+s3] =	stream.indirect_vreg.scatter [tilespmem:s21], [sflag:$0x2], $0x80, v4, vm0, $0xb8;
	[tilespmem:$0x10100] =	vst v63  }
0x7e: {  	v3 =	vadd.s32 v1, v3  }
0x7f: {  	[hbm4b:s6+s3] =	stream.indirect_vreg.scatter [tilespmem:s22], [sflag:$0x2], $0x80, v4, vm0, $0xb8;
	[tilespmem:$0x10100] =	vst v63  }
0x80: {  	_ = 	snop  }
0x81: {  	[hbm4b:s7+s3] =	stream.indirect_vreg.scatter [tilespmem:s23], [sflag:$0x2], $0x80, v4, vm0, $0xb8;
	[tilespmem:$0x10100] =	vst v63  }
0x82: {  	_ = 	snop  }
0x83: {  	[hbm4b:s2+s3] =	stream.indirect_vreg.scatter [tilespmem:s24], [sflag:$0x2], $0x80, v3, vm0, $0xb8;
	[tilespmem:$0x10100] =	vst v63  }
0x84: {  	_ = 	snop  }
0x85: {  	[hbm4b:s5+s3] =	stream.indirect_vreg.scatter [tilespmem:s25], [sflag:$0x2], $0x80, v3, vm0, $0xb8;
	[tilespmem:$0x10100] =	vst v63  }
0x86: {  	_ = 	snop  }
0x87: {  	[hbm4b:s6+s3] =	stream.indirect_vreg.scatter [tilespmem:s26], [sflag:$0x2], $0x80, v3, vm0, $0xb8;
	[tilespmem:$0x10100] =	vst v63  }
0x88: {  	_ = 	snop  }
0x89: {  	[hbm4b:s7+s3] =	stream.indirect_vreg.scatter [tilespmem:s28], [sflag:$0x2], $0x80, v3, vm0, $0xb8;
	[tilespmem:$0x10100] =	vst v63  }
0x8a: {  	v3 =	vld [tilespmem:$0x90];
	_ =	sdelay $0x4  }
0x8b: {  	v61 =	vshll.u32 v3, $0x3  }
0x8c: {  	v3 =	vand.u32 $0x7, v3;
	v4 =	vand.u32 $0xFFFFFFC0, v61  }
0x8d: {  	v3 =	vor.u32 v3, v4  }
0x8e: {  	v4 =	vperm.xlane v3, v0;
	_ =	sdelay $0x1  }
0x8f: {  	v4 =	vadd.s32 v1, v4;
	_ =	sdelay $0x4  }
0x90: {  	[hbm4b:s2+s3] =	stream.indirect_vreg.scatter [tilespmem:s29], [sflag:$0x2], $0x80, v4, vm0, $0xb8;
	[tilespmem:$0x10100] =	vst v63  }
0x91: {  	v3 =	vperm.xlane v3, v2  }
0x92: {  	[hbm4b:s5+s3] =	stream.indirect_vreg.scatter [tilespmem:s30], [sflag:$0x2], $0x80, v4, vm0, $0xb8;
	[tilespmem:$0x10100] =	vst v63  }
0x93: {  	v3 =	vadd.s32 v1, v3  }
0x94: {  	[hbm4b:s6+s3] =	stream.indirect_vreg.scatter [tilespmem:s31], [sflag:$0x2], $0x80, v4, vm0, $0xb8;
	[tilespmem:$0x10100] =	vst v63  }
0x95: {  	_ = 	snop  }
0x96: {  	[hbm4b:s7+s3] =	stream.indirect_vreg.scatter [tilespmem:s1], [sflag:$0x2], $0x80, v4, vm0, $0xb8;
	[tilespmem:$0x10100] =	vst v63  }
0x97: {  	s21 =	simm.s32 $0x6100  }
0x98: {  	[hbm4b:s2+s3] =	stream.indirect_vreg.scatter [tilespmem:s21], [sflag:$0x2], $0x80, v3, vm0, $0xb8;
	[tilespmem:$0x10100] =	vst v63  }
0x99: {  	_ = 	snop  }
0x9a: {  	[hbm4b:s5+s3] =	stream.indirect_vreg.scatter [tilespmem:s4], [sflag:$0x2], $0x80, v3, vm0, $0xb8;
	[tilespmem:$0x10100] =	vst v63  }
0x9b: {  	_ = 	snop  }
0x9c: {  	[hbm4b:s6+s3] =	stream.indirect_vreg.scatter [tilespmem:s11], [sflag:$0x2], $0x80, v3, vm0, $0xb8;
	[tilespmem:$0x10100] =	vst v63  }
0x9d: {  	_ = 	snop  }
0x9e: {  	[hbm4b:s7+s3] =	stream.indirect_vreg.scatter [tilespmem:s12], [sflag:$0x2], $0x80, v3, vm0, $0xb8;
	[tilespmem:$0x10100] =	vst v63  }
0x9f: {  	v3 =	vld [tilespmem:$0xA0];
	_ =	sdelay $0x4  }
0xa0: {  	v62 =	vshll.u32 v3, $0x3  }
0xa1: {  	v3 =	vand.u32 $0x7, v3;
	v4 =	vand.u32 $0xFFFFFFC0, v62  }
0xa2: {  	v3 =	vor.u32 v3, v4  }
0xa3: {  	v4 =	vperm.xlane v3, v0;
	_ =	sdelay $0x1  }
0xa4: {  	v4 =	vadd.s32 v1, v4;
	_ =	sdelay $0x4  }
0xa5: {  	[hbm4b:s2+s3] =	stream.indirect_vreg.scatter [tilespmem:s13], [sflag:$0x2], $0x80, v4, vm0, $0xb8;
	[tilespmem:$0x10100] =	vst v63  }
0xa6: {  	v3 =	vperm.xlane v3, v2  }
0xa7: {  	[hbm4b:s5+s3] =	stream.indirect_vreg.scatter [tilespmem:s14], [sflag:$0x2], $0x80, v4, vm0, $0xb8;
	[tilespmem:$0x10100] =	vst v63  }
0xa8: {  	v3 =	vadd.s32 v1, v3  }
0xa9: {  	[hbm4b:s6+s3] =	stream.indirect_vreg.scatter [tilespmem:s15], [sflag:$0x2], $0x80, v4, vm0, $0xb8;
	[tilespmem:$0x10100] =	vst v63  }
0xaa: {  	_ = 	snop  }
0xab: {  	[hbm4b:s7+s3] =	stream.indirect_vreg.scatter [tilespmem:s16], [sflag:$0x2], $0x80, v4, vm0, $0xb8;
	[tilespmem:$0x10100] =	vst v63  }
0xac: {  	_ = 	snop  }
0xad: {  	[hbm4b:s2+s3] =	stream.indirect_vreg.scatter [tilespmem:s17], [sflag:$0x2], $0x80, v3, vm0, $0xb8;
	[tilespmem:$0x10100] =	vst v63  }
0xae: {  	_ = 	snop  }
0xaf: {  	[hbm4b:s5+s3] =	stream.indirect_vreg.scatter [tilespmem:s18], [sflag:$0x2], $0x80, v3, vm0, $0xb8;
	[tilespmem:$0x10100] =	vst v63  }
0xb0: {  	_ = 	snop  }
0xb1: {  	[hbm4b:s6+s3] =	stream.indirect_vreg.scatter [tilespmem:s10], [sflag:$0x2], $0x80, v3, vm0, $0xb8;
	[tilespmem:$0x10100] =	vst v63  }
0xb2: {  	_ = 	snop  }
0xb3: {  	[hbm4b:s7+s3] =	stream.indirect_vreg.scatter [tilespmem:s20], [sflag:$0x2], $0x80, v3, vm0, $0xb8;
	[tilespmem:$0x10100] =	vst v63  }
0xb4: {  	v3 =	vld [tilespmem:$0xB0];
	_ =	sdelay $0x4  }
0xb5: {  	v63 =	vshll.u32 v3, $0x3  }
0xb6: {  	v3 =	vand.u32 $0x7, v3;
	v4 =	vand.u32 $0xFFFFFFC0, v63  }
0xb7: {  	v3 =	vor.u32 v3, v4  }
0xb8: {  	v4 =	vperm.xlane v3, v0;
	_ =	sdelay $0x1  }
0xb9: {  	v4 =	vadd.s32 v1, v4;
	_ =	sdelay $0x3  }
0xba: {  	s22 =	simm.s32 $0xC100  }
0xbb: {  	[hbm4b:s2+s3] =	stream.indirect_vreg.scatter [tilespmem:s22], [sflag:$0x2], $0x80, v4, vm0, $0xb8;
	[tilespmem:$0x10100] =	vst v63  }
0xbc: {  	s21 =	simm.s32 $0xC900;
	v3 =	vperm.xlane v3, v2  }
0xbd: {  	[hbm4b:s5+s3] =	stream.indirect_vreg.scatter [tilespmem:s21], [sflag:$0x2], $0x80, v4, vm0, $0xb8;
	[tilespmem:$0x10100] =	vst v63  }
0xbe: {  	v3 =	vadd.s32 v1, v3;
	s22 =	simm.s32 $0xD100  }
0xbf: {  	[hbm4b:s6+s3] =	stream.indirect_vreg.scatter [tilespmem:s22], [sflag:$0x2], $0x80, v4, vm0, $0xb8;
	[tilespmem:$0x10100] =	vst v63  }
0xc0: {  	s21 =	simm.s32 $0xD900  }
0xc1: {  	[hbm4b:s7+s3] =	stream.indirect_vreg.scatter [tilespmem:s21], [sflag:$0x2], $0x80, v4, vm0, $0xb8;
	[tilespmem:$0x10100] =	vst v63  }
0xc2: {  	s22 =	simm.s32 $0xE100  }
0xc3: {  	[hbm4b:s2+s3] =	stream.indirect_vreg.scatter [tilespmem:s22], [sflag:$0x2], $0x80, v3, vm0, $0xb8;
	[tilespmem:$0x10100] =	vst v63  }
0xc4: {  	s21 =	simm.s32 $0xE900  }
0xc5: {  	[hbm4b:s5+s3] =	stream.indirect_vreg.scatter [tilespmem:s21], [sflag:$0x2], $0x80, v3, vm0, $0xb8;
	[tilespmem:$0x10100] =	vst v63  }
0xc6: {  	s22 =	simm.s32 $0xF100  }
0xc7: {  	[hbm4b:s6+s3] =	stream.indirect_vreg.scatter [tilespmem:s22], [sflag:$0x2], $0x80, v3, vm0, $0xb8;
	[tilespmem:$0x10100] =	vst v63  }
0xc8: {  	s21 =	simm.s32 $0x1  }
0xc9: {  	[hbm4b:s7+s3] =	stream.indirect_vreg.scatter [tilespmem:s0], [sflag:$0x2], $0x80, v3, vm0, $0xb8;
	[tilespmem:$0x10100] =	vst v63  }
0xca: {  	p0 =	sne.s32 s8, $0x1;
	_ =	swait.ge [sflag:s21], $0x10000  }
.Ltmp0:
0xcb: {  	[sflag:s21] =	ssyncset.done $0x0;
	(pc) =	sbr.rel @p0 .LBB2_1-.Ltmp0, $4  }
0xcc: {  	s22 =	simm.s32 $0x2;
	[sflag:s21] =	ssyncadd.s32 $0xFFFF0000  }
0xcd: {  	_ =	swait.ge [sflag:s22], $0x10000  }
0xce: {  	[sflag:s22] =	ssyncset.done $0x0  }
0xcf: {  	s8 =	sadd.s32 $0xFFFFFFFF, s8;
	[sflag:s22] =	ssyncadd.s32 $0xFFFF0000  }
0xd0: {  	_ =	sfence.sel $0x180000  }
0xd1: {  	[bflag:$0x0] =	sbarrier.arrive $0xFFFF  }
0xd2: {  	_ =	strace $0x90000047  }
0xd3: {  	s0 =	stileid.u32;
	[bflag:$0x2] =	sbarrier.arrive $0xFFFF  }
0xd4: {  	p0 =	sne.s32 s0, $0x0;
	s0 =	rddreg [dreg:$0x3]  }
0xd5: {  	s0 =	sadd.s32 @!p0 $0x100000, s0  }
0xd6: {  	[sflag:s0] =	ssyncadd.tile.s32 @!p0 $0x1;
	_ =	shalt  }
.Lfunc_end2:
_tile_overlayer_lowered:
.L_overlay_start_2:
0xd7: {  	(tag) =	ssettag $0x2  }
0xd8: {  	s0 =	rddreg [dreg:$0x0];
	s2 =	stileid.u32  }
0xd9: {  	s1 =	rddreg [dreg:$0x1];
	p0 =	sne.s32 s2, $0x0  }
0xda: {  	s3 =	rddreg [dreg:$0x2];
	[bflag:$0x3] =	sbarrier.arrive $0xFFFF;
	s2 =	simm.s32 @!p0 $0x1C03  }
0xdb: {  	[timem:s3], [sflag:s2] =	dma.local @!p0 [hbm:s0], s1  }
0xdc: {  	s0 =	simm.s32 @!p0 $0x3  }
0xdd: {  	_ =	swait.ge @!p0 [sflag:s0], s1  }
0xde: {  	s1 =	ssub.s32 @!p0 $0x0, s1;
	[sflag:s0] =	ssyncset.done @!p0 $0x0  }
0xdf: {  	[sflag:s0] =	ssyncadd.s32 @!p0 s1  }
0xe0: {  	[bflag:$0x3] =	sbarrier.arrive $0xFFFF  }
0xe1: {  	_ =	shalt  }

// kernel: kernel.9.cloned.1.call-start
scs
__scs_entry_jumppad:
0x0: {  	(pc) =	sbr.rel $0x88, $3  }
0x1: {  	(tag) =	ssettag $0x0;
	lr =	simm.s32 $0x1  }
0x2: {  	[smem:$0x3F9A] =	sst lr;
	_ =	strace $0xD0000000  }
0x3: {  	_ = 	snop  }
0x4: {  	_ = 	snop  }
0x5: {  	_ = 	snop  }
0x6: {  	_ = 	snop  }
0x7: {  	_ = 	snop  }
__scs_overlays_trampoline_lowered:
0x8: {  	[smem:$0x3FA9] =	sst s0  }
0x9: {  	[smem:$0x3FAA] =	sst s1  }
0xa: {  	[smem:$0x3FAB] =	sst s2  }
0xb: {  	[smem:$0x3FAC] =	sst s3  }
0xc: {  	[smem:$0x3FAD] =	sst s4  }
0xd: {  	[smem:$0x3FAE] =	sst s5  }
0xe: {  	[smem:$0x3FAF] =	sst s6  }
0xf: {  	[smem:$0x3FB0] =	sst s7  }
0x10: {  	[smem:$0x3FB1] =	sst s8  }
0x11: {  	[smem:$0x3FB2] =	sst s9;
	s0 =	simm.s32 @!p0 $0x0  }
0x12: {  	s1 =	sld [smem:$0x3F98];
	s0 =	simm.s32 @p0 $0x1  }
0x13: {  	[smem:$0x3FB3] =	sst s0;
	s0 =	simm.s32 @!p1 $0x0  }
0x14: {  	s2 =	sld [smem:$0x3F97];
	s0 =	simm.s32 @p1 $0x1  }
0x15: {  	[smem:$0x3FB4] =	sst s0;
	s0 =	simm.s32 @!p2 $0x0  }
0x16: {  	s3 =	sld [smem:$0x3FDB];
	s0 =	simm.s32 @p2 $0x1  }
0x17: {  	s4 =	simm.s32 $0x1BF5;
	[smem:$0x3FB6] =	sst s0  }
0x18: {  	s0 =	sld [smem:$0x3F99];
	_ =	swait.ge [sflag:s4], $0x0  }
0x19: {  	s7 =	sld [smem:$0x3F9A]  }
0x1a: {  	s8 =	sadd.s32 $0xFFFFE003, lr  }
0x1b: {  	s9 =	sadd.s32 $0xFFFFFEF7, lr;
	s5 =	simm.s32 $0xFFFFFFFF;
	p2 =	slt.u32 s8, $0xFFFFF086  }
0x1c: {  	p1 =	slt.u32 s9, $0xF7A;
	s5 =	simm.s32 @!p2 $0x0  }
0x1d: {  	s5 =	simm.s32 @p1 $0x1;
	p0 =	seq.s32 s7, s2  }
0x1e: {  	s7 =	smul.u32 @!p0 $0xF7A, s2;
	p2 =	seq.s32 @!p0 s5, $0x0  }
0x1f: {  	s9 =	smul.u32 $0xF7A, s1;
	s8 =	simm.s32 @!p0 $0x1BF5;
	p2 =	por !p2, p0  }
0x20: {  	[sflag:s8] =	ssyncset.s32 @!p0 $0xFFFFF086;
	s6 =	sadd.s32 @!p0 s3, s7;
	s7 =	simm.s32 @!p0 $0x108  }
0x21: {  	s3 =	sadd.s32 s3, s9;
	s6 =	sadd.s32 @!p0 $0x88, s6;
	s7 =	simm.s32 @p2 $0x1082  }
0x22: {  	[simem:s7], [sflag:s8] =	dma.local @!p0 [hbm:s6], $0xF7A  }
0x23: {  	s9 =	sor.u32 $0xD0000000, s2;
	s6 =	simm.s32 $0x108;
	_ =	swait.ge @!p0 [sflag:s8], $0x0  }
0x24: {  	s3 =	sadd.s32 $0x88, s3;
	s6 =	simm.s32 @!p1 $0x1082;
	[sflag:s4] =	ssyncset.s32 $0xFFFFF086  }
0x25: {  	[simem:s6], [sflag:s4] =	dma.local [hbm:s3], $0xF7A  }
0x26: {  	[smem:$0x3F9A] =	sst s1;
	(tag) =	ssettag s2;
	_ =	strace s9  }
0x27: {  	s1 =	sld [smem:$0x3FAA]  }
0x28: {  	s2 =	sld [smem:$0x3FAB]  }
0x29: {  	s4 =	sld [smem:$0x3FAD]  }
0x2a: {  	p0 =	seq.s32 s5, $0x0;
	s5 =	sld [smem:$0x3FAE]  }
0x2b: {  	s6 =	sld [smem:$0x3FAF]  }
0x2c: {  	s7 =	sld [smem:$0x3FB0]  }
0x2d: {  	s3 =	simm.s32 $0x108;
	s8 =	sld [smem:$0x3FB1]  }
0x2e: {  	s3 =	simm.s32 @!p0 $0x1082;
	s9 =	sld [smem:$0x3FB2]  }
0x2f: {  	lr =	sadd.s32 s0, s3;
	s0 =	sld [smem:$0x3FA9]  }
0x30: {  	s3 =	sld [smem:$0x3FAC]  }
0x31: {  	[smem:$0x3FB5] =	sst s10  }
0x32: {  	s10 =	sld [smem:$0x3FB3];
	_ =	sdelay $0x3  }
0x33: {  	p0 =	seq.s32 s10, $0x1;
	s10 =	sld [smem:$0x3FB5];
	_ =	sdelay $0x3  }
0x34: {  	[smem:$0x3FB5] =	sst s10  }
0x35: {  	s10 =	sld [smem:$0x3FB4];
	_ =	sdelay $0x3  }
0x36: {  	p1 =	seq.s32 s10, $0x1;
	s10 =	sld [smem:$0x3FB5];
	_ =	sdelay $0x3  }
0x37: {  	[smem:$0x3FB5] =	sst s10  }
0x38: {  	s10 =	sld [smem:$0x3FB6]  }
0x39: {  	_ = 	snop;
	(pc) =	sbr.ind lr, $3  }
0x3a: {  	_ = 	snop  }
0x3b: {  	_ = 	snop  }
0x3c: {  	p2 =	seq.s32 s10, $0x1;
	s10 =	sld [smem:$0x3FB5]  }
0x3d: {  	_ =	shalt  }
0x3e: {  	_ =	shalt  }
0x3f: {  	_ =	shalt  }
0x40: {  	_ =	shalt  }
0x41: {  	_ =	shalt  }
0x42: {  	_ =	shalt  }
0x43: {  	_ =	shalt  }
0x44: {  	_ =	shalt  }
0x45: {  	_ =	shalt  }
0x46: {  	_ =	shalt  }
0x47: {  	_ =	shalt  }
0x48: {  	_ =	shalt  }
0x49: {  	_ =	shalt  }
0x4a: {  	_ =	shalt  }
0x4b: {  	_ =	shalt  }
0x4c: {  	_ =	shalt  }
0x4d: {  	_ =	shalt  }
0x4e: {  	_ =	shalt  }
0x4f: {  	_ =	shalt  }
0x50: {  	_ =	shalt  }
0x51: {  	_ =	shalt  }
0x52: {  	_ =	shalt  }
0x53: {  	_ =	shalt  }
0x54: {  	_ =	shalt  }
0x55: {  	_ =	shalt  }
0x56: {  	_ =	shalt  }
0x57: {  	_ =	shalt  }
0x58: {  	_ =	shalt  }
0x59: {  	_ =	shalt  }
0x5a: {  	_ =	shalt  }
0x5b: {  	_ =	shalt  }
0x5c: {  	_ =	shalt  }
0x5d: {  	_ =	shalt  }
0x5e: {  	_ =	shalt  }
0x5f: {  	_ =	shalt  }
0x60: {  	_ =	shalt  }
0x61: {  	_ =	shalt  }
0x62: {  	_ =	shalt  }
0x63: {  	_ =	shalt  }
0x64: {  	_ =	shalt  }
0x65: {  	_ =	shalt  }
0x66: {  	_ =	shalt  }
0x67: {  	_ =	shalt  }
0x68: {  	_ =	shalt  }
0x69: {  	_ =	shalt  }
0x6a: {  	_ =	shalt  }
0x6b: {  	_ =	shalt  }
0x6c: {  	_ =	shalt  }
0x6d: {  	_ =	shalt  }
0x6e: {  	_ =	shalt  }
0x6f: {  	_ =	shalt  }
0x70: {  	_ =	shalt  }
0x71: {  	_ =	shalt  }
0x72: {  	_ =	shalt  }
0x73: {  	_ =	shalt  }
0x74: {  	_ =	shalt  }
0x75: {  	_ =	shalt  }
0x76: {  	_ =	shalt  }
0x77: {  	_ =	shalt  }
0x78: {  	_ =	shalt  }
0x79: {  	_ =	shalt  }
0x7a: {  	_ =	shalt  }
0x7b: {  	_ =	shalt  }
0x7c: {  	_ =	shalt  }
0x7d: {  	_ =	shalt  }
0x7e: {  	_ =	shalt  }
0x7f: {  	_ =	shalt  }
0x80: {  	_ =	shalt  }
0x81: {  	_ =	shalt  }
0x82: {  	_ =	shalt  }
0x83: {  	_ =	shalt  }
0x84: {  	_ =	shalt  }
0x85: {  	_ =	shalt  }
0x86: {  	_ =	shalt  }
0x87: {  	_ =	shalt  }
.Lfunc_end0:
.L_simem_size_0:
called_computation.1_lowered:
.L_overlay_start_0:
0x88: {  	s2 =	sld [smem:$0x3FD9]  }
0x89: {  	s3 =	sld [smem:$0x3FFE];
	_ =	sdelay $0x1  }
0x8a: {  	s1 =	srdreg.scid  }
0x8b: {  	s0 =	sand.u32 $0x1, s1  }
0x8c: {  	s14 =	sshll.u32 s0, $0xA;
	s2 =	sadd.s32 s3, s2  }
0x8d: {  	s2 =	sadd.s32 s2, s14  }
0x8e: {  	[smem:$0x3FC1] =	sst s2  }
0x8f: {  	_ = 	snop  }
0x90: {  	s2 =	sld [smem:$0x3FD0];
	_ =	sdelay $0x2  }
0x91: {  	s15 =	simm.s32 $0xA;
	s4 =	simm.s32 $0x10  }
0x92: {  	[smem:s4], [sflag:s15] =	dma.local [hbm:s2], $0x1  }
0x93: {  	_ =	swait.eq [sflag:s15], $0x1  }
0x94: {  	[sflag:s15] =	ssyncset.done $0x0  }
0x95: {  	[sflag:s15] =	ssyncadd.s32 $0xFFFFFFFF  }
0x96: {  	s16 =	sld [smem:$0x10];
	(tm) =	ssettm $0x1  }
0x97: {  	s17 =	sld [smem:$0x3FFB];
	_ =	sdelay $0x3  }
0x98: {  	_ =	strace s17  }
0x99: {  	s3 =	sld [smem:$0x3FFC];
	_ =	sdelay $0x3  }
0x9a: {  	_ =	strace s3  }
0x9b: {  	s3 =	sld [smem:$0x3FFD];
	_ =	sdelay $0x3  }
0x9c: {  	_ =	strace s3  }
0x9d: {  	_ =	strace $0x8FFFFFFF  }
0x9e: {  	s18 =	sld [smem:$0x3FDB];
	_ =	sdelay $0x1  }
0x9f: {  	s19 =	simm.s32 $_scs_section_size  }
0xa0: {  	s5 =	simm.s32 $_size__tile_overlayer_lowered;
	s6 =	simm.s32 $_tile_overlayer_lowered  }
0xa1: {  	s22 =	simm.s32 $0x1BFF;
	s21 =	sshll.u32 s6, $0x1;
	s3 =	sadd.s32 s19, s18  }
0xa2: {  	s7 =	simm.s32 $0x0;
	s20 =	sshll.u32 s5, $0x1;
	s5 =	sadd.s32 s21, s3  }
0xa3: {  	[timem:s7], [sflag:s22] =	dma.local [hbm:s5], s20  }
0xa4: {  	_ =	swait.ge [sflag:s22], s20  }
0xa5: {  	s4 =	ssub.s32 $0x0, s20;
	[sflag:s22] =	ssyncset.done $0x0  }
0xa6: {  	[sflag:s22] =	ssyncadd.s32 s4;
	_ =	sdelay $0x1  }
0xa7: {  	s23 =	simm.s32 $0x1B8B  }
0xa8: {  	_ =	swait.ge [sflag:s23], $0x1  }
0xa9: {  	[sflag:s23] =	ssyncset.done $0x0  }
0xaa: {  	s25 =	simm.s32 $0x1B8E;
	s24 =	sld [smem:$0x3FFE];
	[sflag:s23] =	ssyncadd.s32 $0xFFFFFFFF  }
0xab: {  	s26 =	simm.s32 $execute0_lowered;
	[smem:$0x3FD2] =	sst s25  }
0xac: {  	s5 =	sshll.u32 s26, $0x1;
	_ =	strace $0x80000049;
	[dreg:$0x1] =	wrdreg $0xFFFFFFFF  }
0xad: {  	s28 =	simm.s32 $_size_execute0_lowered;
	s3 =	sadd.s32 s3, s5;
	[dreg:$0x0] =	wrdreg $0x0  }
0xae: {  	s5 =	sshll.u32 s28, $0x1;
	[dreg:$0x2] =	wrdreg s3  }
0xaf: {  	[dreg:$0x3] =	wrdreg s5  }
0xb0: {  	[dreg:$0x4] =	wrdreg $0xC0  }
0xb1: {  	_ =	task [dreg:s7], $0x5FFFF  }
0xb2: {  	[dreg:$0x1] =	wrdreg $0xFFFFFFFF  }
0xb3: {  	[dreg:$0x0] =	wrdreg $0x60  }
0xb4: {  	[dreg:$0x2] =	wrdreg s24  }
0xb5: {  	[dreg:$0x3] =	wrdreg s16  }
0xb6: {  	[dreg:$0x4] =	wrdreg $0x9  }
0xb7: {  	_ =	task.clear_ibuf [dreg:s7], $0x5FFFF;
	_ =	strace $0x90000049  }
0xb8: {  	s29 =	simm.s32 $0x9;
	_ =	strace $0x8000004B  }
0xb9: {  	_ =	swait.ge [sflag:s29], $0x1  }
0xba: {  	[sflag:s29] =	ssyncadd.s32 $0xFFFFFFFF  }
0xbb: {  	_ =	strace $0x9000004B  }
0xbc: {  	_ =	sfence  }
0xbd: {  	s30 =	sld [smem:$0x0];
	_ =	sdelay $0x2  }
0xbe: {  	s31 =	sshll.u32 s1, $0xD;
	s1 =	sshrl.u32 s1, $0x2  }
0xbf: {  	s3 =	sand.u32 $0x4000, s31;
	s1 =	sadd.s32 s1, s30  }
0xc0: {  	s0 =	sor.u32 s3, s0;
	s1 =	sshll.u32 s1, $0x11  }
0xc1: {  	s0 =	sor.u32 s1, s0  }
0xc2: {  	s0 =	sadd.s32 $0x8F2B, s0  }
0xc3: {  	[sflag:s0] =	ssyncadd.remote.s32 $0x1  }
0xc4: {  	_ =	sfence.sel $0xFFFF  }
0xc5: {  	[dreg:$0x0] =	wrdreg $0xFFFFFFFF;
	(pc) =	sbr.abs _section_cstart, $3  }
0xc6: {  	[dreg:$0x1] =	wrdreg $0xFFFFFFFF  }
0xc7: {  	_ =	task.clear_ibuf [dreg:s7], $0x2FFFF;
	_ =	strace $0x9FFFFFFF  }
0xc8: {  	(tm) =	ssettm $0x7FFFFFFF  }
0xc9: {  	_ =	shalt  }
tec
execute0_lowered:
.L_overlay_start_1:
0x0: {  	(tag) =	ssettag $0x1  }
0x1: {  	s2 =	rddreg [dreg:$0x0]  }
0x2: {  	s0 =	rddreg [dreg:$0x1]  }
0x3: {  	s1 =	srdreg.scid;
	s4 =	stileid.u32  }
0x4: {  	s3 =	simm.s32 $0x0;
	s12 =	simm.s32 $0x3;
	s14 =	simm.s32 $0x4200  }
0x5: {  	s13 =	simm.s32 $0x4A00;
	s15 =	simm.s32 $0xF200;
	s16 =	simm.s32 $0xFA00  }
0x6: {  	s10 =	simm.s32 $0x10200;
	s17 =	simm.s32 $0x10A00;
	s11 =	simm.s32 $0x11200  }
0x7: {  	s18 =	simm.s32 $0x11A00;
	s19 =	simm.s32 $0x12200;
	s20 =	simm.s32 $0x12A00  }
0x8: {  	s21 =	simm.s32 $0x13200;
	s22 =	simm.s32 $0x13A00;
	s23 =	simm.s32 $0x1  }
0x9: {  	s24 =	simm.s32 $0x2;
	s25 =	simm.s32 $0x0;
	s1 =	sand.u32 $0x1, s1  }
0xa: {  	s4 =	sshll.u32 s4, $0x1;
	[smem:$0x7FF] =	sst s3;
	s8 =	sadd.s32 $0x300, s2  }
0xb: {  	s4 =	sor.u32 s1, s4;
	_ =	strace $0x8000004A;
	s1 =	ssub.s32 $0x2, s1  }
0xc: {  	s5 =	sshll.u32 s4, $0x6;
	s6 =	sshll.u32 s4, $0xB;
	s4 =	sshll.u32 s4, $0xD  }
0xd: {  	s7 =	sshrl.u32 s1, $0x1;
	s5 =	sadd.s32 s5, s2;
	s0 =	sadd.s32 s0, s4  }
0xe: {  	s6 =	sadd.s32 s6, s2;
	s5 =	sadd.s32 $0x80200, s5;
	[dreg:$0x5] =	wrdreg s0  }
0xf: {  	s1 =	ssub.s32 s1, s7;
	s30 =	sadd.s32 $0x80A00, s6;
	[dreg:$0x3] =	wrdreg s5  }
0x10: {  	v2 =	vlaneseq.u32;
	s7 =	sadd.s32 $0x200, s2;
	s0 =	sadd.s32 $0x1000, s0;
	[dreg:$0x4] =	wrdreg s30  }
0x11: {  	vm0 =	vmmov $0xffff;
	v1 =	vshrl.u32 v2, $0x3;
	s4 =	simm.s32 $0xE200;
	s31 =	smax.u32 s1, $0x1;
	[dreg:$0x6] =	wrdreg s0  }
0x12: {  	v0 =	vand.u32 $0x7, v2;
	v2 =	vor.u32 $0x8, v2;
	v1 =	vmul.u32 $0x8, v1;
	s6 =	sadd.s32 $0x100, s2;
	[dreg:$0x7] =	wrdreg s31;
	s5 =	simm.s32 $0xEA00  }
.LBB2_1:
0x13: {  	s0 =	rddreg [dreg:$0x3]  }
0x14: {  	[tilespmem:s3], [sflag:$0x3] =	stream.linear.gather [hbm4b:s0+s3], $0x200, $0x38;
	[tilespmem:$0x14200] =	vst v63  }
0x15: {  	_ =	swait.ge [sflag:s12], $0x200  }
0x16: {  	[sflag:s12] =	ssyncset.done $0x0  }
0x17: {  	s1 =	simm.s32 $0x200;
	s26 =	rddreg [dreg:$0x4];
	[sflag:s12] =	ssyncadd.s32 $0xFFFFFE00  }
0x18: {  	[tilespmem:s1], [sflag:$0x3] =	stream.linear.gather [hbm4b:s26+s3], $0x4000, $0x38;
	[tilespmem:$0x14200] =	vst v63  }
0x19: {  	_ =	swait.ge [sflag:s12], $0x4000  }
0x1a: {  	[sflag:s12] =	ssyncset.done $0x0  }
0x1b: {  	[sflag:s12] =	ssyncadd.s32 $0xFFFFC000  }
0x1c: {  	v3 =	vld [tilespmem:$0x0];
	_ =	sdelay $0x4  }
0x1d: {  	v4 =	vshll.u32 v3, $0x3  }
0x1e: {  	v3 =	vand.u32 $0x7, v3;
	v4 =	vand.u32 $0xFFFFFFC0, v4  }
0x1f: {  	v3 =	vor.u32 v3, v4  }
0x20: {  	v4 =	vperm.xlane v3, v0;
	_ =	sdelay $0x1  }
0x21: {  	v4 =	vadd.s32 v1, v4;
	_ =	sdelay $0x4  }
0x22: {  	[tilespmem:s14], [sflag:$0x1] =	stream.indirect_vreg.gather [hbm4b:s2+s3], $0x80, v4, vm0, $0xb8;
	[tilespmem:$0x14200] =	vst v63  }
0x23: {  	v3 =	vperm.xlane v3, v2  }
0x24: {  	[tilespmem:s13], [sflag:$0x1] =	stream.indirect_vreg.gather [hbm4b:s6+s3], $0x80, v4, vm0, $0xb8;
	[tilespmem:$0x14200] =	vst v63  }
0x25: {  	s28 =	simm.s32 $0x5200;
	v3 =	vadd.s32 v1, v3  }
0x26: {  	[tilespmem:s28], [sflag:$0x1] =	stream.indirect_vreg.gather [hbm4b:s7+s3], $0x80, v4, vm0, $0xb8;
	[tilespmem:$0x14200] =	vst v63  }
0x27: {  	s29 =	simm.s32 $0x5A00  }
0x28: {  	[tilespmem:s29], [sflag:$0x1] =	stream.indirect_vreg.gather [hbm4b:s8+s3], $0x80, v4, vm0, $0xb8;
	[tilespmem:$0x14200] =	vst v63  }
0x29: {  	s30 =	simm.s32 $0x6200  }
0x2a: {  	[tilespmem:s30], [sflag:$0x1] =	stream.indirect_vreg.gather [hbm4b:s2+s3], $0x80, v3, vm0, $0xb8;
	[tilespmem:$0x14200] =	vst v63  }
0x2b: {  	s31 =	simm.s32 $0x6A00  }
0x2c: {  	[tilespmem:s31], [sflag:$0x1] =	stream.indirect_vreg.gather [hbm4b:s6+s3], $0x80, v3, vm0, $0xb8;
	[tilespmem:$0x14200] =	vst v63  }
0x2d: {  	s1 =	simm.s32 $0x7200  }
0x2e: {  	[tilespmem:s1], [sflag:$0x1] =	stream.indirect_vreg.gather [hbm4b:s7+s3], $0x80, v3, vm0, $0xb8;
	[tilespmem:$0x14200] =	vst v63  }
0x2f: {  	s9 =	simm.s32 $0x7A00  }
0x30: {  	[tilespmem:s9], [sflag:$0x1] =	stream.indirect_vreg.gather [hbm4b:s8+s3], $0x80, v3, vm0, $0xb8;
	[tilespmem:$0x14200] =	vst v63  }
0x31: {  	v3 =	vld [tilespmem:$0x10];
	_ =	sdelay $0x4  }
0x32: {  	v61 =	vshll.u32 v3, $0x3  }
0x33: {  	v3 =	vand.u32 $0x7, v3;
	v4 =	vand.u32 $0xFFFFFFC0, v61  }
0x34: {  	v3 =	vor.u32 v3, v4  }
0x35: {  	v4 =	vperm.xlane v3, v0;
	_ =	sdelay $0x1  }
0x36: {  	v4 =	vadd.s32 v1, v4;
	_ =	sdelay $0x3  }
0x37: {  	s26 =	simm.s32 $0x8200  }
0x38: {  	[tilespmem:s26], [sflag:$0x1] =	stream.indirect_vreg.gather [hbm4b:s2+s3], $0x80, v4, vm0, $0xb8;
	[tilespmem:$0x14200] =	vst v63  }
0x39: {  	s28 =	simm.s32 $0x8A00;
	v3 =	vperm.xlane v3, v2  }
0x3a: {  	[tilespmem:s28], [sflag:$0x1] =	stream.indirect_vreg.gather [hbm4b:s6+s3], $0x80, v4, vm0, $0xb8;
	[tilespmem:$0x14200] =	vst v63  }
0x3b: {  	s29 =	simm.s32 $0x9200;
	v3 =	vadd.s32 v1, v3  }
0x3c: {  	[tilespmem:s29], [sflag:$0x1] =	stream.indirect_vreg.gather [hbm4b:s7+s3], $0x80, v4, vm0, $0xb8;
	[tilespmem:$0x14200] =	vst v63  }
0x3d: {  	s30 =	simm.s32 $0x9A00  }
0x3e: {  	[tilespmem:s30], [sflag:$0x1] =	stream.indirect_vreg.gather [hbm4b:s8+s3], $0x80, v4, vm0, $0xb8;
	[tilespmem:$0x14200] =	vst v63  }
0x3f: {  	s31 =	simm.s32 $0xA200  }
0x40: {  	[tilespmem:s31], [sflag:$0x1] =	stream.indirect_vreg.gather [hbm4b:s2+s3], $0x80, v3, vm0, $0xb8;
	[tilespmem:$0x14200] =	vst v63  }
0x41: {  	s1 =	simm.s32 $0xAA00  }
0x42: {  	[tilespmem:s1], [sflag:$0x1] =	stream.indirect_vreg.gather [hbm4b:s6+s3], $0x80, v3, vm0, $0xb8;
	[tilespmem:$0x14200] =	vst v63  }
0x43: {  	s9 =	simm.s32 $0xB200  }
0x44: {  	[tilespmem:s9], [sflag:$0x1] =	stream.indirect_vreg.gather [hbm4b:s7+s3], $0x80, v3, vm0, $0xb8;
	[tilespmem:$0x14200] =	vst v63  }
0x45: {  	s26 =	simm.s32 $0xBA00  }
0x46: {  	[tilespmem:s26], [sflag:$0x1] =	stream.indirect_vreg.gather [hbm4b:s8+s3], $0x80, v3, vm0, $0xb8;
	[tilespmem:$0x14200] =	vst v63  }
0x47: {  	v3 =	vld [tilespmem:$0x100];
	_ =	sdelay $0x4  }
0x48: {  	v62 =	vshll.u32 v3, $0x3  }
0x49: {  	v3 =	vand.u32 $0x7, v3;
	v4 =	vand.u32 $0xFFFFFFC0, v62  }
0x4a: {  	v3 =	vor.u32 v3, v4  }
0x4b: {  	v4 =	vperm.xlane v3, v0;
	_ =	sdelay $0x1  }
0x4c: {  	v4 =	vadd.s32 v1, v4;
	_ =	sdelay $0x3  }
0x4d: {  	s28 =	simm.s32 $0xC200  }
0x4e: {  	[tilespmem:s28], [sflag:$0x2] =	stream.indirect_vreg.gather [hbm4b:s2+s3], $0x80, v4, vm0, $0xb8;
	[tilespmem:$0x14200] =	vst v63  }
0x4f: {  	s29 =	simm.s32 $0xCA00;
	v3 =	vperm.xlane v3, v2  }
0x50: {  	[tilespmem:s29], [sflag:$0x2] =	stream.indirect_vreg.gather [hbm4b:s6+s3], $0x80, v4, vm0, $0xb8;
	[tilespmem:$0x14200] =	vst v63  }
0x51: {  	s30 =	simm.s32 $0xD200;
	v3 =	vadd.s32 v1, v3  }
0x52: {  	[tilespmem:s30], [sflag:$0x2] =	stream.indirect_vreg.gather [hbm4b:s7+s3], $0x80, v4, vm0, $0xb8;
	[tilespmem:$0x14200] =	vst v63  }
0x53: {  	s31 =	simm.s32 $0xDA00  }
0x54: {  	[tilespmem:s31], [sflag:$0x2] =	stream.indirect_vreg.gather [hbm4b:s8+s3], $0x80, v4, vm0, $0xb8;
	[tilespmem:$0x14200] =	vst v63  }
0x55: {  	_ = 	snop  }
0x56: {  	[tilespmem:s4], [sflag:$0x2] =	stream.indirect_vreg.gather [hbm4b:s2+s3], $0x80, v3, vm0, $0xb8;
	[tilespmem:$0x14200] =	vst v63  }
0x57: {  	_ = 	snop  }
0x58: {  	[tilespmem:s5], [sflag:$0x2] =	stream.indirect_vreg.gather [hbm4b:s6+s3], $0x80, v3, vm0, $0xb8;
	[tilespmem:$0x14200] =	vst v63  }
0x59: {  	_ = 	snop  }
0x5a: {  	[tilespmem:s15], [sflag:$0x2] =	stream.indirect_vreg.gather [hbm4b:s7+s3], $0x80, v3, vm0, $0xb8;
	[tilespmem:$0x14200] =	vst v63  }
0x5b: {  	_ = 	snop  }
0x5c: {  	[tilespmem:s16], [sflag:$0x2] =	stream.indirect_vreg.gather [hbm4b:s8+s3], $0x80, v3, vm0, $0xb8;
	[tilespmem:$0x14200] =	vst v63  }
0x5d: {  	v3 =	vld [tilespmem:$0x110];
	_ =	sdelay $0x4  }
0x5e: {  	v63 =	vshll.u32 v3, $0x3  }
0x5f: {  	v3 =	vand.u32 $0x7, v3;
	v4 =	vand.u32 $0xFFFFFFC0, v63  }
0x60: {  	v3 =	vor.u32 v3, v4  }
0x61: {  	v4 =	vperm.xlane v3, v0;
	_ =	sdelay $0x1  }
0x62: {  	v4 =	vadd.s32 v1, v4;
	_ =	sdelay $0x4  }
0x63: {  	[tilespmem:s10], [sflag:$0x2] =	stream.indirect_vreg.gather [hbm4b:s2+s3], $0x80, v4, vm0, $0xb8;
	[tilespmem:$0x14200] =	vst v63  }
0x64: {  	v3 =	vperm.xlane v3, v2  }
0x65: {  	[tilespmem:s17], [sflag:$0x2] =	stream.indirect_vreg.gather [hbm4b:s6+s3], $0x80, v4, vm0, $0xb8;
	[tilespmem:$0x14200] =	vst v63  }
0x66: {  	v3 =	vadd.s32 v1, v3  }
0x67: {  	[tilespmem:s11], [sflag:$0x2] =	stream.indirect_vreg.gather [hbm4b:s7+s3], $0x80, v4, vm0, $0xb8;
	[tilespmem:$0x14200] =	vst v63  }
0x68: {  	_ = 	snop  }
0x69: {  	[tilespmem:s18], [sflag:$0x2] =	stream.indirect_vreg.gather [hbm4b:s8+s3], $0x80, v4, vm0, $0xb8;
	[tilespmem:$0x14200] =	vst v63  }
0x6a: {  	_ = 	snop  }
0x6b: {  	[tilespmem:s19], [sflag:$0x2] =	stream.indirect_vreg.gather [hbm4b:s2+s3], $0x80, v3, vm0, $0xb8;
	[tilespmem:$0x14200] =	vst v63  }
0x6c: {  	_ = 	snop  }
0x6d: {  	[tilespmem:s20], [sflag:$0x2] =	stream.indirect_vreg.gather [hbm4b:s6+s3], $0x80, v3, vm0, $0xb8;
	[tilespmem:$0x14200] =	vst v63  }
0x6e: {  	_ = 	snop  }
0x6f: {  	[tilespmem:s21], [sflag:$0x2] =	stream.indirect_vreg.gather [hbm4b:s7+s3], $0x80, v3, vm0, $0xb8;
	[tilespmem:$0x14200] =	vst v63  }
0x70: {  	_ = 	snop  }
0x71: {  	[tilespmem:s22], [sflag:$0x2] =	stream.indirect_vreg.gather [hbm4b:s8+s3], $0x80, v3, vm0, $0xb8;
	[tilespmem:$0x14200] =	vst v63  }
0x72: {  	_ =	swait.ge [sflag:s23], $0x8000  }
0x73: {  	[sflag:s23] =	ssyncset.done $0x0  }
0x74: {  	[sflag:s23] =	ssyncadd.s32 $0xFFFF8000  }
0x75: {  	_ =	swait.ge [sflag:s24], $0x8000  }
0x76: {  	[sflag:s24] =	ssyncset.done $0x0  }
0x77: {  	s26 =	simm.s32 $0x0;
	[sflag:s24] =	ssyncadd.s32 $0xFFFF8000  }
.LBB2_2:
0x78: {  	s0 =	sshll.u32 s26, $0x7;
	s9 =	sshll.u32 s26, $0xA  }
0x79: {  	s28 =	simm.s32 $0x0;
	s9 =	sand.u32 $0x6000, s9;
	s29 =	sand.u32 $0x380, s0  }
0x7a: {  	s1 =	sand.u32 $0x40, s28;
	s29 =	sor.u32 s9, s29  }
0x7b: {  	v3 =	vld [tilespmem:s0+$0x200];
	s30 =	sand.u32 $0x1C00, s28;
	s9 =	sor.u32 s1, s29  }
0x7c: {  	v4 =	vld [tilespmem:s0+$0x2200];
	s9 =	sor.u32 s30, s9  }
0x7d: {  	v8 =	vld [tilespmem:s9+$0xC200]  }
0x7e: {  	v7 =	vld [tilespmem:s9+$0xC210]  }
0x7f: {  	v6 =	vld [tilespmem:s9+$0xC220]  }
0x80: {  	v5 =	vld [tilespmem:s9+$0xC230]  }
0x81: {  	v10 =	vld [tilespmem:s9+$0x4200]  }
0x82: {  	v11 =	vld [tilespmem:s9+$0x4210]  }
0x83: {  	s31 =	simm.s32 $0x40;
	s30 =	simm.s32 $0x0;
	v9 =	vld [tilespmem:s9+$0x4220]  }
.LBB2_3:
0x84: {  	s0 =	sand.u32 $0x40, s31;
	v12 =	vld [tilespmem:s9+$0x4230];
	s28 =	sadd.s32 $0x200, s28  }
0x85: {  	s1 =	sand.u32 $0x1C00, s28;
	s0 =	sor.u32 s0, s29  }
0x86: {  	v13 =	vmul.f32 v8, v4;
	s0 =	sor.u32 s1, s0;
	v10 =	vmul.f32 v10, v3  }
0x87: {  	v14 =	vmul.f32 v7, v4;
	s30 =	sadd.s32 $0x4, s30;
	v8 =	vld [tilespmem:s0+$0xC200];
	v11 =	vmul.f32 v11, v3  }
0x88: {  	p0 =	slt.u32 s30, $0x3C;
	v7 =	vld [tilespmem:s0+$0xC210];
	v10 =	vadd.f32 v13, v10;
	v9 =	vmul.f32 v9, v3;
	v13 =	vmul.f32 v6, v4  }
.Ltmp0:
0x89: {  	v6 =	vld [tilespmem:s0+$0xC220];
	v11 =	vadd.f32 v14, v11;
	v12 =	vmul.f32 v12, v3;
	v14 =	vmul.f32 v5, v4;
	(pc) =	sbr.rel @p0 .LBB2_3-.Ltmp0, $4  }
0x8a: {  	v5 =	vld [tilespmem:s0+$0xC230];
	[tilespmem:s9+$0x4200] =	vst v10;
	v9 =	vadd.f32 v13, v9  }
0x8b: {  	v10 =	vld [tilespmem:s0+$0x4200];
	[tilespmem:s9+$0x4210] =	vst v11;
	v12 =	vadd.f32 v14, v12  }
0x8c: {  	v11 =	vld [tilespmem:s0+$0x4210];
	[tilespmem:s9+$0x4220] =	vst v9  }
0x8d: {  	s31 =	sadd.s32 $0x40, s31;
	v9 =	vld [tilespmem:s0+$0x4220];
	[tilespmem:s9+$0x4230] =	vst v12;
	s9 =	smov.u32 s0  }
0x8e: {  	v12 =	vld [tilespmem:s9+$0x4230];
	_ =	sdelay $0x1  }
0x8f: {  	v8 =	vmul.f32 v8, v4;
	v10 =	vmul.f32 v10, v3  }
0x90: {  	v7 =	vmul.f32 v7, v4;
	s26 =	sadd.s32 $0x1, s26;
	v11 =	vmul.f32 v11, v3  }
0x91: {  	v6 =	vmul.f32 v6, v4;
	p0 =	sne.s32 s26, $0x20;
	v8 =	vadd.f32 v8, v10;
	v9 =	vmul.f32 v9, v3  }
.Ltmp1:
0x92: {  	v62 =	vmul.f32 v5, v4;
	v7 =	vadd.f32 v7, v11;
	v3 =	vmul.f32 v12, v3;
	(pc) =	sbr.rel @p0 .LBB2_2-.Ltmp1, $4  }
0x93: {  	[tilespmem:s9+$0x4200] =	vst v8;
	v63 =	vadd.f32 v6, v9  }
0x94: {  	[tilespmem:s9+$0x4210] =	vst v7;
	v3 =	vadd.f32 v62, v3  }
0x95: {  	[tilespmem:s9+$0x4220] =	vst v63  }
0x96: {  	[tilespmem:s9+$0x4230] =	vst v3  }
0x97: {  	s26 =	simm.s32 $0x0;
	s0 =	rddreg [dreg:$0x5]  }
0x98: {  	[hbm4b:s0+s26] =	stream.linear.scatter [tilespmem:s14], [sflag:$0x3], $0x8000, $0x38;
	[tilespmem:$0x14200] =	vst v63  }
0x99: {  	_ =	swait.ge [sflag:s12], $0x8000  }
0x9a: {  	[sflag:s12] =	ssyncset.done $0x0  }
0x9b: {  	[sflag:s12] =	ssyncadd.s32 $0xFFFF8000  }
0x9c: {  	v3 =	vld [tilespmem:$0x80];
	_ =	sdelay $0x4  }
0x9d: {  	v4 =	vshll.u32 v3, $0x3  }
0x9e: {  	v3 =	vand.u32 $0x7, v3;
	v4 =	vand.u32 $0xFFFFFFC0, v4  }
0x9f: {  	v3 =	vor.u32 v3, v4  }
0xa0: {  	v4 =	vperm.xlane v3, v0;
	_ =	sdelay $0x1  }
0xa1: {  	v4 =	vadd.s32 v1, v4;
	_ =	sdelay $0x4  }
0xa2: {  	[tilespmem:s14], [sflag:$0x1] =	stream.indirect_vreg.gather [hbm4b:s2+s26], $0x80, v4, vm0, $0xb8;
	[tilespmem:$0x14200] =	vst v63  }
0xa3: {  	v3 =	vperm.xlane v3, v2  }
0xa4: {  	[tilespmem:s13], [sflag:$0x1] =	stream.indirect_vreg.gather [hbm4b:s6+s26], $0x80, v4, vm0, $0xb8;
	[tilespmem:$0x14200] =	vst v63  }
0xa5: {  	s1 =	simm.s32 $0x5200;
	v3 =	vadd.s32 v1, v3  }
0xa6: {  	[tilespmem:s1], [sflag:$0x1] =	stream.indirect_vreg.gather [hbm4b:s7+s26], $0x80, v4, vm0, $0xb8;
	[tilespmem:$0x14200] =	vst v63  }
0xa7: {  	s9 =	simm.s32 $0x5A00  }
0xa8: {  	[tilespmem:s9], [sflag:$0x1] =	stream.indirect_vreg.gather [hbm4b:s8+s26], $0x80, v4, vm0, $0xb8;
	[tilespmem:$0x14200] =	vst v63  }
0xa9: {  	s13 =	simm.s32 $0x6200  }
0xaa: {  	[tilespmem:s13], [sflag:$0x1] =	stream.indirect_vreg.gather [hbm4b:s2+s26], $0x80, v3, vm0, $0xb8;
	[tilespmem:$0x14200] =	vst v63  }
0xab: {  	s29 =	simm.s32 $0x6A00  }
0xac: {  	[tilespmem:s29], [sflag:$0x1] =	stream.indirect_vreg.gather [hbm4b:s6+s26], $0x80, v3, vm0, $0xb8;
	[tilespmem:$0x14200] =	vst v63  }
0xad: {  	s30 =	simm.s32 $0x7200  }
0xae: {  	[tilespmem:s30], [sflag:$0x1] =	stream.indirect_vreg.gather [hbm4b:s7+s26], $0x80, v3, vm0, $0xb8;
	[tilespmem:$0x14200] =	vst v63  }
0xaf: {  	s31 =	simm.s32 $0x7A00  }
0xb0: {  	[tilespmem:s31], [sflag:$0x1] =	stream.indirect_vreg.gather [hbm4b:s8+s26], $0x80, v3, vm0, $0xb8;
	[tilespmem:$0x14200] =	vst v63  }
0xb1: {  	v3 =	vld [tilespmem:$0x90];
	_ =	sdelay $0x4  }
0xb2: {  	v61 =	vshll.u32 v3, $0x3  }
0xb3: {  	v3 =	vand.u32 $0x7, v3;
	v4 =	vand.u32 $0xFFFFFFC0, v61  }
0xb4: {  	v3 =	vor.u32 v3, v4  }
0xb5: {  	v4 =	vperm.xlane v3, v0;
	_ =	sdelay $0x1  }
0xb6: {  	v4 =	vadd.s32 v1, v4;
	_ =	sdelay $0x3  }
0xb7: {  	s1 =	simm.s32 $0x8200  }
0xb8: {  	[tilespmem:s1], [sflag:$0x1] =	stream.indirect_vreg.gather [hbm4b:s2+s26], $0x80, v4, vm0, $0xb8;
	[tilespmem:$0x14200] =	vst v63  }
0xb9: {  	s9 =	simm.s32 $0x8A00;
	v3 =	vperm.xlane v3, v2  }
0xba: {  	[tilespmem:s9], [sflag:$0x1] =	stream.indirect_vreg.gather [hbm4b:s6+s26], $0x80, v4, vm0, $0xb8;
	[tilespmem:$0x14200] =	vst v63  }
0xbb: {  	s13 =	simm.s32 $0x9200;
	v3 =	vadd.s32 v1, v3  }
0xbc: {  	[tilespmem:s13], [sflag:$0x1] =	stream.indirect_vreg.gather [hbm4b:s7+s26], $0x80, v4, vm0, $0xb8;
	[tilespmem:$0x14200] =	vst v63  }
0xbd: {  	s29 =	simm.s32 $0x9A00  }
0xbe: {  	[tilespmem:s29], [sflag:$0x1] =	stream.indirect_vreg.gather [hbm4b:s8+s26], $0x80, v4, vm0, $0xb8;
	[tilespmem:$0x14200] =	vst v63  }
0xbf: {  	s30 =	simm.s32 $0xA200  }
0xc0: {  	[tilespmem:s30], [sflag:$0x1] =	stream.indirect_vreg.gather [hbm4b:s2+s26], $0x80, v3, vm0, $0xb8;
	[tilespmem:$0x14200] =	vst v63  }
0xc1: {  	s31 =	simm.s32 $0xAA00  }
0xc2: {  	[tilespmem:s31], [sflag:$0x1] =	stream.indirect_vreg.gather [hbm4b:s6+s26], $0x80, v3, vm0, $0xb8;
	[tilespmem:$0x14200] =	vst v63  }
0xc3: {  	s1 =	simm.s32 $0xB200  }
0xc4: {  	[tilespmem:s1], [sflag:$0x1] =	stream.indirect_vreg.gather [hbm4b:s7+s26], $0x80, v3, vm0, $0xb8;
	[tilespmem:$0x14200] =	vst v63  }
0xc5: {  	s9 =	simm.s32 $0xBA00  }
0xc6: {  	[tilespmem:s9], [sflag:$0x1] =	stream.indirect_vreg.gather [hbm4b:s8+s26], $0x80, v3, vm0, $0xb8;
	[tilespmem:$0x14200] =	vst v63  }
0xc7: {  	v3 =	vld [tilespmem:$0x180];
	_ =	sdelay $0x4  }
0xc8: {  	v62 =	vshll.u32 v3, $0x3  }
0xc9: {  	v3 =	vand.u32 $0x7, v3;
	v4 =	vand.u32 $0xFFFFFFC0, v62  }
0xca: {  	v3 =	vor.u32 v3, v4  }
0xcb: {  	v4 =	vperm.xlane v3, v0;
	_ =	sdelay $0x1  }
0xcc: {  	v4 =	vadd.s32 v1, v4;
	_ =	sdelay $0x3  }
0xcd: {  	s13 =	simm.s32 $0xC200  }
0xce: {  	[tilespmem:s13], [sflag:$0x2] =	stream.indirect_vreg.gather [hbm4b:s2+s26], $0x80, v4, vm0, $0xb8;
	[tilespmem:$0x14200] =	vst v63  }
0xcf: {  	s29 =	simm.s32 $0xCA00;
	v3 =	vperm.xlane v3, v2  }
0xd0: {  	[tilespmem:s29], [sflag:$0x2] =	stream.indirect_vreg.gather [hbm4b:s6+s26], $0x80, v4, vm0, $0xb8;
	[tilespmem:$0x14200] =	vst v63  }
0xd1: {  	s30 =	simm.s32 $0xD200;
	v3 =	vadd.s32 v1, v3  }
0xd2: {  	[tilespmem:s30], [sflag:$0x2] =	stream.indirect_vreg.gather [hbm4b:s7+s26], $0x80, v4, vm0, $0xb8;
	[tilespmem:$0x14200] =	vst v63  }
0xd3: {  	s31 =	simm.s32 $0xDA00  }
0xd4: {  	[tilespmem:s31], [sflag:$0x2] =	stream.indirect_vreg.gather [hbm4b:s8+s26], $0x80, v4, vm0, $0xb8;
	[tilespmem:$0x14200] =	vst v63  }
0xd5: {  	_ = 	snop  }
0xd6: {  	[tilespmem:s4], [sflag:$0x2] =	stream.indirect_vreg.gather [hbm4b:s2+s26], $0x80, v3, vm0, $0xb8;
	[tilespmem:$0x14200] =	vst v63  }
0xd7: {  	_ = 	snop  }
0xd8: {  	[tilespmem:s5], [sflag:$0x2] =	stream.indirect_vreg.gather [hbm4b:s6+s26], $0x80, v3, vm0, $0xb8;
	[tilespmem:$0x14200] =	vst v63  }
0xd9: {  	_ = 	snop  }
0xda: {  	[tilespmem:s15], [sflag:$0x2] =	stream.indirect_vreg.gather [hbm4b:s7+s26], $0x80, v3, vm0, $0xb8;
	[tilespmem:$0x14200] =	vst v63  }
0xdb: {  	_ = 	snop  }
0xdc: {  	[tilespmem:s16], [sflag:$0x2] =	stream.indirect_vreg.gather [hbm4b:s8+s26], $0x80, v3, vm0, $0xb8;
	[tilespmem:$0x14200] =	vst v63  }
0xdd: {  	v3 =	vld [tilespmem:$0x190];
	_ =	sdelay $0x4  }
0xde: {  	v63 =	vshll.u32 v3, $0x3  }
0xdf: {  	v3 =	vand.u32 $0x7, v3;
	v4 =	vand.u32 $0xFFFFFFC0, v63  }
0xe0: {  	v3 =	vor.u32 v3, v4  }
0xe1: {  	v4 =	vperm.xlane v3, v0;
	_ =	sdelay $0x1  }
0xe2: {  	v4 =	vadd.s32 v1, v4;
	_ =	sdelay $0x4  }
0xe3: {  	[tilespmem:s10], [sflag:$0x2] =	stream.indirect_vreg.gather [hbm4b:s2+s26], $0x80, v4, vm0, $0xb8;
	[tilespmem:$0x14200] =	vst v63  }
0xe4: {  	v3 =	vperm.xlane v3, v2  }
0xe5: {  	[tilespmem:s17], [sflag:$0x2] =	stream.indirect_vreg.gather [hbm4b:s6+s26], $0x80, v4, vm0, $0xb8;
	[tilespmem:$0x14200] =	vst v63  }
0xe6: {  	v3 =	vadd.s32 v1, v3  }
0xe7: {  	[tilespmem:s11], [sflag:$0x2] =	stream.indirect_vreg.gather [hbm4b:s7+s26], $0x80, v4, vm0, $0xb8;
	[tilespmem:$0x14200] =	vst v63  }
0xe8: {  	_ = 	snop  }
0xe9: {  	[tilespmem:s18], [sflag:$0x2] =	stream.indirect_vreg.gather [hbm4b:s8+s26], $0x80, v4, vm0, $0xb8;
	[tilespmem:$0x14200] =	vst v63  }
0xea: {  	_ = 	snop  }
0xeb: {  	[tilespmem:s19], [sflag:$0x2] =	stream.indirect_vreg.gather [hbm4b:s2+s26], $0x80, v3, vm0, $0xb8;
	[tilespmem:$0x14200] =	vst v63  }
0xec: {  	_ = 	snop  }
0xed: {  	[tilespmem:s20], [sflag:$0x2] =	stream.indirect_vreg.gather [hbm4b:s6+s26], $0x80, v3, vm0, $0xb8;
	[tilespmem:$0x14200] =	vst v63  }
0xee: {  	_ = 	snop  }
0xef: {  	[tilespmem:s21], [sflag:$0x2] =	stream.indirect_vreg.gather [hbm4b:s7+s26], $0x80, v3, vm0, $0xb8;
	[tilespmem:$0x14200] =	vst v63  }
0xf0: {  	_ = 	snop  }
0xf1: {  	[tilespmem:s22], [sflag:$0x2] =	stream.indirect_vreg.gather [hbm4b:s8+s26], $0x80, v3, vm0, $0xb8;
	[tilespmem:$0x14200] =	vst v63  }
0xf2: {  	_ =	swait.ge [sflag:s23], $0x8000  }
0xf3: {  	[sflag:s23] =	ssyncset.done $0x0  }
0xf4: {  	[sflag:s23] =	ssyncadd.s32 $0xFFFF8000  }
0xf5: {  	_ =	swait.ge [sflag:s24], $0x8000  }
0xf6: {  	[sflag:s24] =	ssyncset.done $0x0  }
0xf7: {  	s28 =	simm.s32 $0x0;
	[sflag:s24] =	ssyncadd.s32 $0xFFFF8000  }
.LBB2_6:
0xf8: {  	s0 =	sshll.u32 s28, $0x7;
	s1 =	sshll.u32 s28, $0xA  }
0xf9: {  	s1 =	sand.u32 $0x6000, s1;
	s9 =	sand.u32 $0x380, s0  }
0xfa: {  	s29 =	sor.u32 s1, s9;
	s9 =	sand.u32 $0x40, s26  }
0xfb: {  	s13 =	sand.u32 $0x1C00, s26;
	v3 =	vld [tilespmem:s0+$0x1200];
	s1 =	sor.u32 s9, s29  }
0xfc: {  	v4 =	vld [tilespmem:s0+$0x3200];
	s9 =	sor.u32 s13, s1  }
0xfd: {  	v8 =	vld [tilespmem:s9+$0xC200]  }
0xfe: {  	v7 =	vld [tilespmem:s9+$0xC210]  }
0xff: {  	v6 =	vld [tilespmem:s9+$0xC220]  }
0x100: {  	v5 =	vld [tilespmem:s9+$0xC230]  }
0x101: {  	v10 =	vld [tilespmem:s9+$0x4200]  }
0x102: {  	v11 =	vld [tilespmem:s9+$0x4210]  }
0x103: {  	s30 =	simm.s32 $0x0;
	s31 =	simm.s32 $0x40;
	s0 =	simm.s32 $0x0;
	v9 =	vld [tilespmem:s9+$0x4220]  }
.LBB2_7:
0x104: {  	s1 =	sand.u32 $0x40, s31;
	v12 =	vld [tilespmem:s9+$0x4230];
	s0 =	sadd.s32 $0x200, s0  }
0x105: {  	s13 =	sand.u32 $0x1C00, s0;
	s1 =	sor.u32 s1, s29  }
0x106: {  	v13 =	vmul.f32 v8, v4;
	s1 =	sor.u32 s13, s1;
	v10 =	vmul.f32 v10, v3  }
0x107: {  	v14 =	vmul.f32 v7, v4;
	s30 =	sadd.s32 $0x4, s30;
	v8 =	vld [tilespmem:s1+$0xC200];
	v11 =	vmul.f32 v11, v3  }
0x108: {  	p0 =	slt.u32 s30, $0x3C;
	v7 =	vld [tilespmem:s1+$0xC210];
	v10 =	vadd.f32 v13, v10;
	v9 =	vmul.f32 v9, v3;
	v13 =	vmul.f32 v6, v4  }
.Ltmp2:
0x109: {  	v6 =	vld [tilespmem:s1+$0xC220];
	v11 =	vadd.f32 v14, v11;
	v12 =	vmul.f32 v12, v3;
	v14 =	vmul.f32 v5, v4;
	(pc) =	sbr.rel @p0 .LBB2_7-.Ltmp2, $4  }
0x10a: {  	v5 =	vld [tilespmem:s1+$0xC230];
	[tilespmem:s9+$0x4200] =	vst v10;
	v9 =	vadd.f32 v13, v9  }
0x10b: {  	v10 =	vld [tilespmem:s1+$0x4200];
	[tilespmem:s9+$0x4210] =	vst v11;
	v12 =	vadd.f32 v14, v12  }
0x10c: {  	v11 =	vld [tilespmem:s1+$0x4210];
	[tilespmem:s9+$0x4220] =	vst v9  }
0x10d: {  	s31 =	sadd.s32 $0x40, s31;
	v9 =	vld [tilespmem:s1+$0x4220];
	[tilespmem:s9+$0x4230] =	vst v12;
	s9 =	smov.u32 s1  }
0x10e: {  	v12 =	vld [tilespmem:s9+$0x4230];
	_ =	sdelay $0x1  }
0x10f: {  	v8 =	vmul.f32 v8, v4;
	v10 =	vmul.f32 v10, v3  }
0x110: {  	v7 =	vmul.f32 v7, v4;
	s28 =	sadd.s32 $0x1, s28;
	v11 =	vmul.f32 v11, v3  }
0x111: {  	v6 =	vmul.f32 v6, v4;
	p0 =	sne.s32 s28, $0x20;
	v8 =	vadd.f32 v8, v10;
	v9 =	vmul.f32 v9, v3  }
.Ltmp3:
0x112: {  	v62 =	vmul.f32 v5, v4;
	v7 =	vadd.f32 v7, v11;
	v3 =	vmul.f32 v12, v3;
	(pc) =	sbr.rel @p0 .LBB2_6-.Ltmp3, $4  }
0x113: {  	[tilespmem:s9+$0x4200] =	vst v8;
	v63 =	vadd.f32 v6, v9  }
0x114: {  	[tilespmem:s9+$0x4210] =	vst v7;
	v3 =	vadd.f32 v62, v3  }
0x115: {  	[tilespmem:s9+$0x4220] =	vst v63  }
0x116: {  	[tilespmem:s9+$0x4230] =	vst v3  }
0x117: {  	s0 =	rddreg [dreg:$0x6]  }
0x118: {  	[hbm4b:s0+s3] =	stream.linear.scatter [tilespmem:s14], [sflag:$0x3], $0x8000, $0x38;
	[tilespmem:$0x14200] =	vst v63  }
0x119: {  	_ =	swait.ge [sflag:s12], $0x8000  }
0x11a: {  	s25 =	sadd.s32 $0x1, s25;
	s31 =	rddreg [dreg:$0x7]  }
0x11b: {  	p0 =	sne.s32 s25, s31  }
.Ltmp4:
0x11c: {  	_ = 	snop;
	(pc) =	sbr.rel @p0 .LBB2_1-.Ltmp4, $3  }
0x11d: {  	_ =	sdelay $0x1  }
0x11e: {  	[sflag:s12] =	ssyncset.done $0x0  }
0x11f: {  	s13 =	simm.s32 $0x4A00;
	[sflag:s12] =	ssyncadd.s32 $0xFFFF8000  }
0x120: {  	_ =	sfence.sel $0x180000  }
0x121: {  	[bflag:$0x0] =	sbarrier.arrive $0xFFFF  }
0x122: {  	_ =	strace $0x9000004A  }
0x123: {  	s0 =	stileid.u32;
	[bflag:$0x2] =	sbarrier.arrive $0xFFFF  }
0x124: {  	p0 =	sne.s32 s0, $0x0;
	s0 =	rddreg [dreg:$0x2]  }
0x125: {  	s0 =	sadd.s32 @!p0 $0x100000, s0  }
0x126: {  	[sflag:s0] =	ssyncadd.tile.s32 @!p0 $0x1;
	_ =	shalt  }
.Lfunc_end2:
_tile_overlayer_lowered:
.L_overlay_start_2:
0x127: {  	(tag) =	ssettag $0x2  }
0x128: {  	s0 =	rddreg [dreg:$0x0];
	s2 =	stileid.u32  }
0x129: {  	s1 =	rddreg [dreg:$0x1];
	p0 =	sne.s32 s2, $0x0  }
0x12a: {  	s3 =	rddreg [dreg:$0x2];
	[bflag:$0x3] =	sbarrier.arrive $0xFFFF;
	s2 =	simm.s32 @!p0 $0x1C03  }
0x12b: {  	[timem:s3], [sflag:s2] =	dma.local @!p0 [hbm:s0], s1  }
0x12c: {  	s0 =	simm.s32 @!p0 $0x3  }
0x12d: {  	_ =	swait.ge @!p0 [sflag:s0], s1  }
0x12e: {  	s1 =	ssub.s32 @!p0 $0x0, s1;
	[sflag:s0] =	ssyncset.done @!p0 $0x0  }
0x12f: {  	[sflag:s0] =	ssyncadd.s32 @!p0 s1  }
0x130: {  	[bflag:$0x3] =	sbarrier.arrive $0xFFFF  }
0x131: {  	_ =	shalt  }

</sc_bundles>
